<compile_context>
chip_gen: v7x
topology: tpu7x:2x2x1
jax: 0.10.2.dev20260603
libtpu: 0.0.44.dev20260713+nightly
codegen_flags: <defaults>
</compile_context>

<pallas_src>
import functools

import jax
import jax.numpy as jnp
from jax import lax
from jax.experimental import pallas as pl
from jax.experimental.pallas import tpu as pltpu
from jax.experimental.pallas import tpu_sc as plsc

N = 10000
NP = 10240
E = 320000
HID = 128
HW = HID // 2
NT0, NT1, NT2 = 4000, 3000, 3000
CLUSTERS = 4
NUM_CLASSES = 8

NC, NS = 2, 16
EPS = E // NS
C = 80
NCHUNK = EPS // C
NBUF = 5
LOOK = 4
RPT = NP // NS
DEGW = 16


@functools.lru_cache(maxsize=None)
def _sc_agg(with_deg):
  mesh = plsc.VectorSubcoreMesh(core_axis_name="c", subcore_axis_name="s")
  part_t = jax.ShapeDtypeStruct((NC * NP, HW), jnp.float32)
  if with_deg:
    out_type = (part_t, jax.ShapeDtypeStruct((NP, DEGW), jnp.float32))
  else:
    out_type = part_t
  scratch = [
      pltpu.VMEM((NCHUNK, C), jnp.int32),
      pltpu.VMEM((NCHUNK, C), jnp.int32),
      pltpu.VMEM((NBUF, C, HW), jnp.float32),
      pltpu.VMEM((C, DEGW), jnp.float32),
      pltpu.VMEM_SHARED((NP, HW), jnp.float32),
      pltpu.VMEM_SHARED((NP, DEGW), jnp.float32),
      [pltpu.SemaphoreType.DMA] * NBUF,
      [pltpu.SemaphoreType.DMA] * NBUF,
      [pltpu.SemaphoreType.DMA] * NBUF,
  ]

  @functools.partial(pl.kernel, mesh=mesh, out_type=out_type,
                     scratch_types=scratch,
                     compiler_params=pltpu.CompilerParams(
                         use_tc_tiling_on_sc=False))
  def k(table, src2, dst2, *refs):
    if with_deg:
      out, deg_out, src_a, dst_a, rows, ones_v, acc, dega, gsem, ssem, dsem = refs
    else:
      out, src_a, dst_a, rows, ones_v, acc, dega, gsem, ssem, dsem = refs
      deg_out = None
    c = lax.axis_index("c")
    s = lax.axis_index("s")
    base_r = s * RPT
    srow = c * NP

    pltpu.sync_copy(src2.at[pl.ds(s * NCHUNK, NCHUNK)], src_a)
    pltpu.sync_copy(dst2.at[pl.ds(s * NCHUNK, NCHUNK)], dst_a)

    @pl.when(c == 1)
    def _():
      def _adj(i, _):
        for j in range(C // 16):
          sl = pl.ds(j * 16, 16)
          src_a[i, sl] = src_a[i, sl] + NP
        return 0
      lax.fori_loop(0, NCHUNK, _adj, 0)

    def _zero_rows(i, _):
      for j in range(HW // 16):
        rows[0, i, pl.ds(j * 16, 16)] = jnp.zeros((16,), jnp.float32)
      ones_v[i] = jnp.zeros((DEGW,), jnp.float32)
      return 0
    lax.fori_loop(0, C, _zero_rows, 0)

    for z in range(RPT // C):
      pltpu.sync_copy(rows.at[0], acc.at[pl.ds(base_r + z * C, C)])
      if with_deg:
        pltpu.sync_copy(ones_v, dega.at[pl.ds(base_r + z * C, C)])
    plsc.subcore_barrier()

    if with_deg:
      def _fill_ones(i, _):
        ones_v[i] = jnp.ones((DEGW,), jnp.float32)
        return 0
      lax.fori_loop(0, C, _fill_ones, 0)

    def _fire_gather(g, b):
      pltpu.async_copy(table.at[src_a.at[g]], rows.at[b], gsem[b])

    for b in range(LOOK):
      _fire_gather(b, b)

    def _outer(o, _):
      for b in range(NBUF):
        g = o * NBUF + b
        pltpu.make_async_copy(table.at[src_a.at[g]], rows.at[b],
                              gsem[b]).wait()
        pltpu.async_copy(rows.at[b], acc.at[dst_a.at[g]], ssem[b], add=True)
        if with_deg:
          @pl.when(c == 0)
          def _():
            pltpu.async_copy(ones_v, dega.at[dst_a.at[g]], dsem[b], add=True)
        gn = g + LOOK
        bn = (b + LOOK) % NBUF

        @pl.when(gn < NCHUNK)
        def _():
          @pl.when(gn >= NBUF)
          def _():
            pltpu.make_async_copy(rows.at[bn], acc.at[dst_a.at[gn - NBUF]],
                                  ssem[bn]).wait()
            if with_deg:
              @pl.when(c == 0)
              def _():
                pltpu.make_async_copy(ones_v, dega.at[dst_a.at[gn - NBUF]],
                                      dsem[bn]).wait()
          _fire_gather(gn, bn)
      return 0
    lax.fori_loop(0, NCHUNK // NBUF, _outer, 0)

    for b in range(NBUF):
      g = NCHUNK - NBUF + b
      pltpu.make_async_copy(rows.at[b], acc.at[dst_a.at[g]], ssem[b]).wait()
      if with_deg:
        @pl.when(c == 0)
        def _():
          pltpu.make_async_copy(ones_v, dega.at[dst_a.at[g]], dsem[b]).wait()

    plsc.subcore_barrier()
    pltpu.sync_copy(acc.at[pl.ds(base_r, RPT)],
                    out.at[pl.ds(srow + base_r, RPT)])
    if with_deg:
      @pl.when(c == 0)
      def _():
        pltpu.sync_copy(dega.at[pl.ds(base_r, RPT)],
                        deg_out.at[pl.ds(base_r, RPT)])

  return k


@functools.lru_cache(maxsize=None)
def _sc_agg16():
  mesh = plsc.VectorSubcoreMesh(core_axis_name="c", subcore_axis_name="s")
  out_type = jax.ShapeDtypeStruct((NC * NP, DEGW), jnp.float32)
  NCH = E // (NC * NS) // C
  scratch = [
      pltpu.VMEM((NCH, C), jnp.int32),
      pltpu.VMEM((NCH, C), jnp.int32),
      pltpu.VMEM((NBUF, C, DEGW), jnp.float32),
      pltpu.VMEM_SHARED((NP, DEGW), jnp.float32),
      [pltpu.SemaphoreType.DMA] * NBUF,
      [pltpu.SemaphoreType.DMA] * NBUF,
  ]

  @functools.partial(pl.kernel, mesh=mesh, out_type=out_type,
                     scratch_types=scratch,
                     compiler_params=pltpu.CompilerParams(
                         use_tc_tiling_on_sc=False))
  def k(table, src2, dst2, out, src_a, dst_a, rows, acc, gsem, ssem):
    c = lax.axis_index("c")
    s = lax.axis_index("s")
    t = c * NS + s
    base_r = s * RPT

    pltpu.sync_copy(src2.at[pl.ds(t * NCH, NCH)], src_a)
    pltpu.sync_copy(dst2.at[pl.ds(t * NCH, NCH)], dst_a)

    def _zero_rows(i, _):
      rows[0, i] = jnp.zeros((DEGW,), jnp.float32)
      return 0
    lax.fori_loop(0, C, _zero_rows, 0)
    for z in range(RPT // C):
      pltpu.sync_copy(rows.at[0], acc.at[pl.ds(base_r + z * C, C)])
    plsc.subcore_barrier()

    def _fire_gather(g, b):
      pltpu.async_copy(table.at[src_a.at[g]], rows.at[b], gsem[b])

    for b in range(LOOK):
      _fire_gather(b, b)

    def _outer(o, _):
      for b in range(NBUF):
        g = o * NBUF + b
        pltpu.make_async_copy(table.at[src_a.at[g]], rows.at[b],
                              gsem[b]).wait()
        pltpu.async_copy(rows.at[b], acc.at[dst_a.at[g]], ssem[b], add=True)
        gn = g + LOOK
        bn = (b + LOOK) % NBUF

        @pl.when(gn < NCH)
        def _():
          @pl.when(gn >= NBUF)
          def _():
            pltpu.make_async_copy(rows.at[bn], acc.at[dst_a.at[gn - NBUF]],
                                  ssem[bn]).wait()
          _fire_gather(gn, bn)
      return 0
    lax.fori_loop(0, NCH // NBUF, _outer, 0)

    for b in range(NBUF):
      g = NCH - NBUF + b
      pltpu.make_async_copy(rows.at[b], acc.at[dst_a.at[g]], ssem[b]).wait()

    plsc.subcore_barrier()
    pltpu.sync_copy(acc.at[pl.ds(base_r, RPT)],
                    out.at[pl.ds(c * NP + base_r, RPT)])

  return k


def _tc_prepare(features, W_pre, b_pre2, W_emb1, b_emb1_2, W_emb2, b_emb2_2):
  def body(f_ref, wp_ref, bp_ref, w1_ref, b1_ref, w2_ref, b2_ref,
           table_ref, base_ref):
    h = jnp.dot(f_ref[...], wp_ref[...],
                preferred_element_type=jnp.float32) + bp_ref[...]
    hp = jnp.concatenate([h, jnp.zeros((NP - NT0, HID), jnp.float32)], axis=0)
    table_ref[...] = jnp.concatenate([hp[:, :HW], hp[:, HW:]], axis=0)
    base_ref[...] = jnp.concatenate(
        [h, w1_ref[...] + b1_ref[...], w2_ref[...] + b2_ref[...],
         jnp.zeros((NP - N, HID), jnp.float32)], axis=0)

  return pl.pallas_call(
      body,
      out_shape=(jax.ShapeDtypeStruct((NC * NP, HW), jnp.float32),
                 jax.ShapeDtypeStruct((NP, HID), jnp.float32)),
  )(features, W_pre, b_pre2, W_emb1, b_emb1_2, W_emb2, b_emb2_2)


def _tc_mid(part0, degp, base, assign2, W_ops, W_out_p):
  def body(p_ref, d_ref, b_ref, a_ref, w_ref, wo_ref, ne_ref, z_ref):
    p = p_ref[...]
    acc = jnp.concatenate([p[:NP], p[NP:]], axis=1)
    deg = jnp.maximum(d_ref[...][:, 0:1], 1.0)
    agg0 = acc / deg
    a = a_ref[...]
    w = w_ref[...]
    t = jnp.zeros((NP, HID), jnp.float32)
    for k in range(CLUSTERS):
      mk = (a == k).astype(jnp.float32)
      t = t + mk * jnp.dot(agg0, w[k], preferred_element_type=jnp.float32)
    h = b_ref[...] + t
    ne = jnp.where(h > 0, h, jnp.exp(h) - 1.0)
    ne_ref[...] = ne
    z_ref[...] = jnp.dot(ne, wo_ref[...], preferred_element_type=jnp.float32)

  return pl.pallas_call(
      body,
      out_shape=(jax.ShapeDtypeStruct((NP, HID), jnp.float32),
                 jax.ShapeDtypeStruct((NP, DEGW), jnp.float32)),
  )(part0, degp, base, assign2, W_ops, W_out_p)


def _tc_head(part1, degp, b_out_p2):
  def body(p_ref, d_ref, b_ref, out_ref):
    p = p_ref[...]
    acc = p[:NP] + p[NP:]
    deg = jnp.maximum(d_ref[...][:, 0:1], 1.0)
    out_ref[...] = acc / deg + b_ref[...]

  return pl.pallas_call(
      body,
      out_shape=jax.ShapeDtypeStruct((NP, DEGW), jnp.float32),
  )(part1, degp, b_out_p2)


def kernel(features, edge_index, node_assign, W_pre, b_pre, W_emb1, b_emb1,
           W_emb2, b_emb2, W_ops, W_out, b_out):
  src = edge_index[0].astype(jnp.int32).reshape(E // C, C)
  dst = edge_index[1].astype(jnp.int32).reshape(E // C, C)
  table, base = _tc_prepare(
      features, W_pre, b_pre.reshape(1, HID),
      W_emb1, b_emb1.reshape(1, HID), W_emb2, b_emb2.reshape(1, HID))
  part0, degp = _sc_agg(True)(table, src, dst)
  assign2 = jnp.pad(node_assign.astype(jnp.int32), (0, NP - N),
                    constant_values=-1).reshape(NP, 1)
  W_out_p = jnp.pad(W_out, ((0, 0), (0, DEGW - NUM_CLASSES)))
  ne_p, z = _tc_mid(part0, degp, base, assign2, W_ops, W_out_p)
  part1 = _sc_agg16()(z, src, dst)
  b_out_p = jnp.pad(b_out, (0, DEGW - NUM_CLASSES)).reshape(1, DEGW)
  logits_p = _tc_head(part1, degp, b_out_p)
  return ne_p[:N], logits_p[:N, :NUM_CLASSES]

# --- scband reference (transcript-rebuilt; emitter-appended) ---
"""Pipeline reference for scband-network-discrete-10496900072253 (READ-ONLY COPY).

The authoritative reference and input builder live on the scoring server;
editing this copy changes nothing except your own understanding.
"""

import jax, jax.numpy as jnp
import numpy as np

N = 10000
E = 320000
IN_DIM = 128
HID = 128
NUM_CLASSES = 8
CLUSTERS = 4
TYPE_COUNTS = [4000, 3000, 3000]


def gcn_agg(x, edge_index, n):
    # mean-aggregation message passing (scatter-add + degree normalize),
    # faithful stand-in for torch.spmm(adj, op(g, x)) with a GCN-style op
    src = edge_index[0]
    dst = edge_index[1]
    deg = jnp.zeros((n,), dtype=jnp.float32).at[dst].add(1.0)
    deg = jnp.maximum(deg, 1.0)
    msgs = jnp.take(x, src, axis=0)
    out = jnp.zeros_like(x).at[dst].add(msgs)
    return out / deg[:, None]


def setup_inputs(seed: int = 0) -> dict:
    key = jax.random.key(seed)
    ks = jax.random.split(key, 12)
    features = jax.random.normal(ks[0], (TYPE_COUNTS[0], IN_DIM), dtype=jnp.float32)
    edge_index = jax.random.randint(ks[1], (2, E), 0, N, dtype=jnp.int64) if jax.config.jax_enable_x64 else jax.random.randint(ks[1], (2, E), 0, N).astype(jnp.int32)
    node_assign = jax.random.randint(ks[2], (N,), 0, CLUSTERS).astype(jnp.int32)
    W_pre = jax.random.normal(ks[3], (IN_DIM, HID), dtype=jnp.float32) * 0.05
    b_pre = jnp.zeros((HID,), dtype=jnp.float32)
    W_emb1 = jax.random.normal(ks[4], (TYPE_COUNTS[1], HID), dtype=jnp.float32) * 0.05
    b_emb1 = jnp.zeros((HID,), dtype=jnp.float32)
    W_emb2 = jax.random.normal(ks[5], (TYPE_COUNTS[2], HID), dtype=jnp.float32) * 0.05
    b_emb2 = jnp.zeros((HID,), dtype=jnp.float32)
    W_ops = jax.random.normal(ks[6], (CLUSTERS, HID, HID), dtype=jnp.float32) * 0.05
    W_out = jax.random.normal(ks[7], (HID, NUM_CLASSES), dtype=jnp.float32) * 0.05
    b_out = jnp.zeros((NUM_CLASSES,), dtype=jnp.float32)
    return dict(features=features, edge_index=edge_index, node_assign=node_assign,
                W_pre=W_pre, b_pre=b_pre, W_emb1=W_emb1, b_emb1=b_emb1,
                W_emb2=W_emb2, b_emb2=b_emb2, W_ops=W_ops, W_out=W_out, b_out=b_out)


def reference(features, edge_index, node_assign, W_pre, b_pre, W_emb1, b_emb1,
              W_emb2, b_emb2, W_ops, W_out, b_out):
    # 1) preprocess attributed-type features and scatter into global h0
    h_trans = features @ W_pre + b_pre
    attr_idx = jnp.arange(TYPE_COUNTS[0])
    h0 = jnp.zeros((N, HID), dtype=jnp.float32).at[attr_idx].set(h_trans)
    # 2) one-hot embedding per unattributed node type: Linear(I) == W^T + b
    one_hot_h = jnp.concatenate([
        jnp.zeros((TYPE_COUNTS[0], HID), dtype=jnp.float32),
        W_emb1 + b_emb1,
        W_emb2 + b_emb2,
    ], axis=0)
    # 3) per-cluster AggrOp: spmm(mask_k, op(g, h0)) + spmm(mask_k, one_hot_h)
    #    mask_k is a diagonal selector of nodes assigned to cluster k
    h = h0
    for k in range(CLUSTERS):
        mask = (node_assign == k).astype(jnp.float32)[:, None]
        op_out = gcn_agg(h0 @ W_ops[k], edge_index, N)
        h = h + mask * (op_out + one_hot_h)
    node_embedding = jax.nn.elu(h)
    # 4) downstream GNN head producing class logits
    agg = gcn_agg(node_embedding, edge_index, N)
    logits = agg @ W_out + b_out
    return node_embedding, logits

if __name__ == "__main__":
    import jax
    _d = setup_inputs()
    print(jax.jit(kernel)(*tuple(_d.values())))

</pallas_src>

<mosaic_0001>
#map = affine_map<(d0, d1) -> (0, 0)>
module attributes {stable_mosaic.version = 14 : i64} {
  func.func @k(%arg0: i32, %arg1: i32, %arg2: memref<10240x16xf32, #tpu.memory_space<hbm>>, %arg3: memref<4000x80xi32, #tpu.memory_space<hbm>>, %arg4: memref<4000x80xi32, #tpu.memory_space<hbm>>, %arg5: memref<20480x16xf32, #tpu.memory_space<hbm>>, %arg6: memref<125x80xi32, #tpu.memory_space<vmem>>, %arg7: memref<125x80xi32, #tpu.memory_space<vmem>>, %arg8: memref<5x80x16xf32, #tpu.memory_space<vmem>>, %arg9: memref<10240x16xf32, #tpu.memory_space<vmem_shared>>, %arg10: memref<!tpu.dma_semaphore, #tpu.memory_space<semaphore_mem>>, %arg11: memref<!tpu.dma_semaphore, #tpu.memory_space<semaphore_mem>>, %arg12: memref<!tpu.dma_semaphore, #tpu.memory_space<semaphore_mem>>, %arg13: memref<!tpu.dma_semaphore, #tpu.memory_space<semaphore_mem>>, %arg14: memref<!tpu.dma_semaphore, #tpu.memory_space<semaphore_mem>>, %arg15: memref<!tpu.dma_semaphore, #tpu.memory_space<semaphore_mem>>, %arg16: memref<!tpu.dma_semaphore, #tpu.memory_space<semaphore_mem>>, %arg17: memref<!tpu.dma_semaphore, #tpu.memory_space<semaphore_mem>>, %arg18: memref<!tpu.dma_semaphore, #tpu.memory_space<semaphore_mem>>, %arg19: memref<!tpu.dma_semaphore, #tpu.memory_space<semaphore_mem>>) attributes {dimension_semantics = [#tpu.dimension_semantics<core_parallel>, #tpu.dimension_semantics<subcore_parallel>], iteration_bounds = array<i64: 2, 16>, scalar_prefetch = 0 : i64, scratch_operands = 14 : i64, tpu.core_type = #tpu.core_type<sc_vector_subcore>, window_params = [{transform_indices = #map}, {transform_indices = #map}, {transform_indices = #map}, {transform_indices = #map}]} {
    %mul3A = arith.constant 16 : i32
    %mul3A_0 = arith.muli %arg0, %mul3A : i32
    %add3A = arith.addi %mul3A_0, %arg1 : i32
    %mul3A_1 = arith.constant 640 : i32
    %mul3A_2 = arith.muli %arg1, %mul3A_1 : i32
    %mul3A_3 = arith.constant 125 : i32
    %mul3A_4 = arith.muli %add3A, %mul3A_3 : i32
    "tpu.region"() ({
      %run_scoped3A_153 = tpu.sem_alloc : memref<!tpu.dma_semaphore, #tpu.memory_space<semaphore_mem>>
      %dma_start3A_154 = arith.constant 0 : i32
      %dma_start3A_155 = tpu.memref_slice %arg3[%mul3A_4, %dma_start3A_154] : memref<4000x80xi32, #tpu.memory_space<hbm>> -> memref<125x80xi32, #tpu.memory_space<hbm>>
      %dma_start3A_156 = arith.constant 0 : i32
      %dma_start3A_157 = tpu.memref_slice %arg3[%mul3A_4, %dma_start3A_156] : memref<4000x80xi32, #tpu.memory_space<hbm>> -> memref<125x80xi32, #tpu.memory_space<hbm>>
      tpu.enqueue_dma source(%dma_start3A_157 : memref<125x80xi32, #tpu.memory_space<hbm>>) target(%arg6 : memref<125x80xi32, #tpu.memory_space<vmem>>) target_semaphore(%run_scoped3A_153 : memref<!tpu.dma_semaphore, #tpu.memory_space<semaphore_mem>>)
      %dma_wait3A_158 = arith.constant 0 : i32
      %dma_wait3A_159 = tpu.memref_slice %arg3[%mul3A_4, %dma_wait3A_158] : memref<4000x80xi32, #tpu.memory_space<hbm>> -> memref<125x80xi32, #tpu.memory_space<hbm>>
      %dma_wait3A_160 = arith.constant 0 : i32
      %dma_wait3A_161 = tpu.memref_slice %arg3[%mul3A_4, %dma_wait3A_160] : memref<4000x80xi32, #tpu.memory_space<hbm>> -> memref<125x80xi32, #tpu.memory_space<hbm>>
      tpu.wait_dma2 semaphore(%run_scoped3A_153 : memref<!tpu.dma_semaphore, #tpu.memory_space<semaphore_mem>>) src(%dma_wait3A_161 : memref<125x80xi32, #tpu.memory_space<hbm>>) dst(%arg6 : memref<125x80xi32, #tpu.memory_space<vmem>>)
      tpu.yield
    }) : () -> ()
    %mul3A_5 = arith.constant 125 : i32
    %mul3A_6 = arith.muli %add3A, %mul3A_5 : i32
    "tpu.region"() ({
      %run_scoped3A_153 = tpu.sem_alloc : memref<!tpu.dma_semaphore, #tpu.memory_space<semaphore_mem>>
      %dma_start3A_154 = arith.constant 0 : i32
      %dma_start3A_155 = tpu.memref_slice %arg4[%mul3A_6, %dma_start3A_154] : memref<4000x80xi32, #tpu.memory_space<hbm>> -> memref<125x80xi32, #tpu.memory_space<hbm>>
      %dma_start3A_156 = arith.constant 0 : i32
      %dma_start3A_157 = tpu.memref_slice %arg4[%mul3A_6, %dma_start3A_156] : memref<4000x80xi32, #tpu.memory_space<hbm>> -> memref<125x80xi32, #tpu.memory_space<hbm>>
      tpu.enqueue_dma source(%dma_start3A_157 : memref<125x80xi32, #tpu.memory_space<hbm>>) target(%arg7 : memref<125x80xi32, #tpu.memory_space<vmem>>) target_semaphore(%run_scoped3A_153 : memref<!tpu.dma_semaphore, #tpu.memory_space<semaphore_mem>>)
      %dma_wait3A_158 = arith.constant 0 : i32
      %dma_wait3A_159 = tpu.memref_slice %arg4[%mul3A_6, %dma_wait3A_158] : memref<4000x80xi32, #tpu.memory_space<hbm>> -> memref<125x80xi32, #tpu.memory_space<hbm>>
      %dma_wait3A_160 = arith.constant 0 : i32
      %dma_wait3A_161 = tpu.memref_slice %arg4[%mul3A_6, %dma_wait3A_160] : memref<4000x80xi32, #tpu.memory_space<hbm>> -> memref<125x80xi32, #tpu.memory_space<hbm>>
      tpu.wait_dma2 semaphore(%run_scoped3A_153 : memref<!tpu.dma_semaphore, #tpu.memory_space<semaphore_mem>>) src(%dma_wait3A_161 : memref<125x80xi32, #tpu.memory_space<hbm>>) dst(%arg7 : memref<125x80xi32, #tpu.memory_space<vmem>>)
      tpu.yield
    }) : () -> ()
    %scan3A = arith.constant 0 : i32
    %scan3A_7 = arith.constant 0 : i32
    %scan3A_8 = arith.constant 80 : i32
    %scan3A_9 = arith.addi %scan3A_7, %scan3A_8 : i32
    %scan3A_10 = arith.constant 1 : i32
    %scan3A_11 = scf.for %scan3A_153 = %scan3A_7 to %scan3A_9 step %scan3A_10 iter_args(%scan3A_154 = %scan3A) -> (i32)  : i32 {
      %broadcast_in_dim3A = arith.constant 0.000000e+00 : f32
      %broadcast_in_dim3A_155 = vector.broadcast %broadcast_in_dim3A : f32 to vector<16xf32>
      %swap3A = arith.constant 0 : i32
      %swap3A_156 = arith.index_cast %swap3A : i32 to index
      %swap3A_157 = arith.index_cast %scan3A_153 : i32 to index
      %swap3A_158 = arith.constant 0 : index
      %swap3A_159 = tpu.vector_load %arg8[%swap3A_156, %swap3A_157, %swap3A_158] {strides = array<i32>} : memref<5x80x16xf32, #tpu.memory_space<vmem>>, vector<1x1x16xf32>,
      %swap3A_160 = vector.shape_cast %swap3A_159 : vector<1x1x16xf32> to vector<16xf32>
      %swap3A_161 = vector.shape_cast %broadcast_in_dim3A_155 : vector<16xf32> to vector<1x1x16xf32>
      tpu.vector_store %arg8[%swap3A_156, %swap3A_157, %swap3A_158], %swap3A_161 {strides = array<i32>} : memref<5x80x16xf32, #tpu.memory_space<vmem>>, vector<1x1x16xf32>,
      %scan3A_162 = arith.constant 0 : i32
      scf.yield %scan3A_162 : i32
    }
    %scan3A_12 = arith.constant 80 : i32
    %add3A_13 = arith.constant 0 : i32
    %add3A_14 = arith.addi %mul3A_2, %add3A_13 : i32
    %run_scoped3A = arith.constant 0 : i32
    "tpu.region"() ({
      %run_scoped3A_153 = tpu.sem_alloc : memref<!tpu.dma_semaphore, #tpu.memory_space<semaphore_mem>>
      %dma_start3A_154 = arith.constant 0 : i32
      %dma_start3A_155 = arith.constant 0 : i32
      %dma_start3A_156 = tpu.memref_slice %arg8[%run_scoped3A, %dma_start3A_154, %dma_start3A_155] : memref<5x80x16xf32, #tpu.memory_space<vmem>> -> memref<1x80x16xf32, #tpu.memory_space<vmem>>
      %dma_start3A_157 = tpu.memref_squeeze %dma_start3A_156 : memref<1x80x16xf32, #tpu.memory_space<vmem>> -> memref<80x16xf32, #tpu.memory_space<vmem>>
      %dma_start3A_158 = arith.constant 0 : i32
      %dma_start3A_159 = tpu.memref_slice %arg9[%add3A_14, %dma_start3A_158] : memref<10240x16xf32, #tpu.memory_space<vmem_shared>> -> memref<80x16xf32, #tpu.memory_space<vmem_shared>>
      %dma_start3A_160 = arith.constant 0 : i32
      %dma_start3A_161 = tpu.memref_slice %arg9[%add3A_14, %dma_start3A_160] : memref<10240x16xf32, #tpu.memory_space<vmem_shared>> -> memref<80x16xf32, #tpu.memory_space<vmem_shared>>
      %dma_start3A_162 = arith.constant 0 : i32
      %dma_start3A_163 = arith.constant 0 : i32
      %dma_start3A_164 = tpu.memref_slice %arg8[%run_scoped3A, %dma_start3A_162, %dma_start3A_163] : memref<5x80x16xf32, #tpu.memory_space<vmem>> -> memref<1x80x16xf32, #tpu.memory_space<vmem>>
      %dma_start3A_165 = tpu.memref_squeeze %dma_start3A_164 : memref<1x80x16xf32, #tpu.memory_space<vmem>> -> memref<80x16xf32, #tpu.memory_space<vmem>>
      tpu.enqueue_dma source(%dma_start3A_165 : memref<80x16xf32, #tpu.memory_space<vmem>>) target(%dma_start3A_161 : memref<80x16xf32, #tpu.memory_space<vmem_shared>>) target_semaphore(%run_scoped3A_153 : memref<!tpu.dma_semaphore, #tpu.memory_space<semaphore_mem>>)
      %dma_wait3A_166 = arith.constant 0 : i32
      %dma_wait3A_167 = arith.constant 0 : i32
      %dma_wait3A_168 = tpu.memref_slice %arg8[%run_scoped3A, %dma_wait3A_166, %dma_wait3A_167] : memref<5x80x16xf32, #tpu.memory_space<vmem>> -> memref<1x80x16xf32, #tpu.memory_space<vmem>>
      %dma_wait3A_169 = tpu.memref_squeeze %dma_wait3A_168 : memref<1x80x16xf32, #tpu.memory_space<vmem>> -> memref<80x16xf32, #tpu.memory_space<vmem>>
      %dma_wait3A_170 = arith.constant 0 : i32
      %dma_wait3A_171 = tpu.memref_slice %arg9[%add3A_14, %dma_wait3A_170] : memref<10240x16xf32, #tpu.memory_space<vmem_shared>> -> memref<80x16xf32, #tpu.memory_space<vmem_shared>>
      %dma_wait3A_172 = arith.constant 0 : i32
      %dma_wait3A_173 = tpu.memref_slice %arg9[%add3A_14, %dma_wait3A_172] : memref<10240x16xf32, #tpu.memory_space<vmem_shared>> -> memref<80x16xf32, #tpu.memory_space<vmem_shared>>
      %dma_wait3A_174 = arith.constant 0 : i32
      %dma_wait3A_175 = arith.constant 0 : i32
      %dma_wait3A_176 = tpu.memref_slice %arg8[%run_scoped3A, %dma_wait3A_174, %dma_wait3A_175] : memref<5x80x16xf32, #tpu.memory_space<vmem>> -> memref<1x80x16xf32, #tpu.memory_space<vmem>>
      %dma_wait3A_177 = tpu.memref_squeeze %dma_wait3A_176 : memref<1x80x16xf32, #tpu.memory_space<vmem>> -> memref<80x16xf32, #tpu.memory_space<vmem>>
      tpu.wait_dma2 semaphore(%run_scoped3A_153 : memref<!tpu.dma_semaphore, #tpu.memory_space<semaphore_mem>>) src(%dma_wait3A_177 : memref<80x16xf32, #tpu.memory_space<vmem>>) dst(%dma_wait3A_173 : memref<80x16xf32, #tpu.memory_space<vmem_shared>>)
      tpu.yield
    }) : () -> ()
    %add3A_15 = arith.constant 80 : i32
    %add3A_16 = arith.addi %mul3A_2, %add3A_15 : i32
    %run_scoped3A_17 = arith.constant 0 : i32
    "tpu.region"() ({
      %run_scoped3A_153 = tpu.sem_alloc : memref<!tpu.dma_semaphore, #tpu.memory_space<semaphore_mem>>
      %dma_start3A_154 = arith.constant 0 : i32
      %dma_start3A_155 = arith.constant 0 : i32
      %dma_start3A_156 = tpu.memref_slice %arg8[%run_scoped3A_17, %dma_start3A_154, %dma_start3A_155] : memref<5x80x16xf32, #tpu.memory_space<vmem>> -> memref<1x80x16xf32, #tpu.memory_space<vmem>>
      %dma_start3A_157 = tpu.memref_squeeze %dma_start3A_156 : memref<1x80x16xf32, #tpu.memory_space<vmem>> -> memref<80x16xf32, #tpu.memory_space<vmem>>
      %dma_start3A_158 = arith.constant 0 : i32
      %dma_start3A_159 = tpu.memref_slice %arg9[%add3A_16, %dma_start3A_158] : memref<10240x16xf32, #tpu.memory_space<vmem_shared>> -> memref<80x16xf32, #tpu.memory_space<vmem_shared>>
      %dma_start3A_160 = arith.constant 0 : i32
      %dma_start3A_161 = tpu.memref_slice %arg9[%add3A_16, %dma_start3A_160] : memref<10240x16xf32, #tpu.memory_space<vmem_shared>> -> memref<80x16xf32, #tpu.memory_space<vmem_shared>>
      %dma_start3A_162 = arith.constant 0 : i32
      %dma_start3A_163 = arith.constant 0 : i32
      %dma_start3A_164 = tpu.memref_slice %arg8[%run_scoped3A_17, %dma_start3A_162, %dma_start3A_163] : memref<5x80x16xf32, #tpu.memory_space<vmem>> -> memref<1x80x16xf32, #tpu.memory_space<vmem>>
      %dma_start3A_165 = tpu.memref_squeeze %dma_start3A_164 : memref<1x80x16xf32, #tpu.memory_space<vmem>> -> memref<80x16xf32, #tpu.memory_space<vmem>>
      tpu.enqueue_dma source(%dma_start3A_165 : memref<80x16xf32, #tpu.memory_space<vmem>>) target(%dma_start3A_161 : memref<80x16xf32, #tpu.memory_space<vmem_shared>>) target_semaphore(%run_scoped3A_153 : memref<!tpu.dma_semaphore, #tpu.memory_space<semaphore_mem>>)
      %dma_wait3A_166 = arith.constant 0 : i32
      %dma_wait3A_167 = arith.constant 0 : i32
      %dma_wait3A_168 = tpu.memref_slice %arg8[%run_scoped3A_17, %dma_wait3A_166, %dma_wait3A_167] : memref<5x80x16xf32, #tpu.memory_space<vmem>> -> memref<1x80x16xf32, #tpu.memory_space<vmem>>
      %dma_wait3A_169 = tpu.memref_squeeze %dma_wait3A_168 : memref<1x80x16xf32, #tpu.memory_space<vmem>> -> memref<80x16xf32, #tpu.memory_space<vmem>>
      %dma_wait3A_170 = arith.constant 0 : i32
      %dma_wait3A_171 = tpu.memref_slice %arg9[%add3A_16, %dma_wait3A_170] : memref<10240x16xf32, #tpu.memory_space<vmem_shared>> -> memref<80x16xf32, #tpu.memory_space<vmem_shared>>
      %dma_wait3A_172 = arith.constant 0 : i32
      %dma_wait3A_173 = tpu.memref_slice %arg9[%add3A_16, %dma_wait3A_172] : memref<10240x16xf32, #tpu.memory_space<vmem_shared>> -> memref<80x16xf32, #tpu.memory_space<vmem_shared>>
      %dma_wait3A_174 = arith.constant 0 : i32
      %dma_wait3A_175 = arith.constant 0 : i32
      %dma_wait3A_176 = tpu.memref_slice %arg8[%run_scoped3A_17, %dma_wait3A_174, %dma_wait3A_175] : memref<5x80x16xf32, #tpu.memory_space<vmem>> -> memref<1x80x16xf32, #tpu.memory_space<vmem>>
      %dma_wait3A_177 = tpu.memref_squeeze %dma_wait3A_176 : memref<1x80x16xf32, #tpu.memory_space<vmem>> -> memref<80x16xf32, #tpu.memory_space<vmem>>
      tpu.wait_dma2 semaphore(%run_scoped3A_153 : memref<!tpu.dma_semaphore, #tpu.memory_space<semaphore_mem>>) src(%dma_wait3A_177 : memref<80x16xf32, #tpu.memory_space<vmem>>) dst(%dma_wait3A_173 : memref<80x16xf32, #tpu.memory_space<vmem_shared>>)
      tpu.yield
    }) : () -> ()
    %add3A_18 = arith.constant 160 : i32
    %add3A_19 = arith.addi %mul3A_2, %add3A_18 : i32
    %run_scoped3A_20 = arith.constant 0 : i32
    "tpu.region"() ({
      %run_scoped3A_153 = tpu.sem_alloc : memref<!tpu.dma_semaphore, #tpu.memory_space<semaphore_mem>>
      %dma_start3A_154 = arith.constant 0 : i32
      %dma_start3A_155 = arith.constant 0 : i32
      %dma_start3A_156 = tpu.memref_slice %arg8[%run_scoped3A_20, %dma_start3A_154, %dma_start3A_155] : memref<5x80x16xf32, #tpu.memory_space<vmem>> -> memref<1x80x16xf32, #tpu.memory_space<vmem>>
      %dma_start3A_157 = tpu.memref_squeeze %dma_start3A_156 : memref<1x80x16xf32, #tpu.memory_space<vmem>> -> memref<80x16xf32, #tpu.memory_space<vmem>>
      %dma_start3A_158 = arith.constant 0 : i32
      %dma_start3A_159 = tpu.memref_slice %arg9[%add3A_19, %dma_start3A_158] : memref<10240x16xf32, #tpu.memory_space<vmem_shared>> -> memref<80x16xf32, #tpu.memory_space<vmem_shared>>
      %dma_start3A_160 = arith.constant 0 : i32
      %dma_start3A_161 = tpu.memref_slice %arg9[%add3A_19, %dma_start3A_160] : memref<10240x16xf32, #tpu.memory_space<vmem_shared>> -> memref<80x16xf32, #tpu.memory_space<vmem_shared>>
      %dma_start3A_162 = arith.constant 0 : i32
      %dma_start3A_163 = arith.constant 0 : i32
      %dma_start3A_164 = tpu.memref_slice %arg8[%run_scoped3A_20, %dma_start3A_162, %dma_start3A_163] : memref<5x80x16xf32, #tpu.memory_space<vmem>> -> memref<1x80x16xf32, #tpu.memory_space<vmem>>
      %dma_start3A_165 = tpu.memref_squeeze %dma_start3A_164 : memref<1x80x16xf32, #tpu.memory_space<vmem>> -> memref<80x16xf32, #tpu.memory_space<vmem>>
      tpu.enqueue_dma source(%dma_start3A_165 : memref<80x16xf32, #tpu.memory_space<vmem>>) target(%dma_start3A_161 : memref<80x16xf32, #tpu.memory_space<vmem_shared>>) target_semaphore(%run_scoped3A_153 : memref<!tpu.dma_semaphore, #tpu.memory_space<semaphore_mem>>)
      %dma_wait3A_166 = arith.constant 0 : i32
      %dma_wait3A_167 = arith.constant 0 : i32
      %dma_wait3A_168 = tpu.memref_slice %arg8[%run_scoped3A_20, %dma_wait3A_166, %dma_wait3A_167] : memref<5x80x16xf32, #tpu.memory_space<vmem>> -> memref<1x80x16xf32, #tpu.memory_space<vmem>>
      %dma_wait3A_169 = tpu.memref_squeeze %dma_wait3A_168 : memref<1x80x16xf32, #tpu.memory_space<vmem>> -> memref<80x16xf32, #tpu.memory_space<vmem>>
      %dma_wait3A_170 = arith.constant 0 : i32
      %dma_wait3A_171 = tpu.memref_slice %arg9[%add3A_19, %dma_wait3A_170] : memref<10240x16xf32, #tpu.memory_space<vmem_shared>> -> memref<80x16xf32, #tpu.memory_space<vmem_shared>>
      %dma_wait3A_172 = arith.constant 0 : i32
      %dma_wait3A_173 = tpu.memref_slice %arg9[%add3A_19, %dma_wait3A_172] : memref<10240x16xf32, #tpu.memory_space<vmem_shared>> -> memref<80x16xf32, #tpu.memory_space<vmem_shared>>
      %dma_wait3A_174 = arith.constant 0 : i32
      %dma_wait3A_175 = arith.constant 0 : i32
      %dma_wait3A_176 = tpu.memref_slice %arg8[%run_scoped3A_20, %dma_wait3A_174, %dma_wait3A_175] : memref<5x80x16xf32, #tpu.memory_space<vmem>> -> memref<1x80x16xf32, #tpu.memory_space<vmem>>
      %dma_wait3A_177 = tpu.memref_squeeze %dma_wait3A_176 : memref<1x80x16xf32, #tpu.memory_space<vmem>> -> memref<80x16xf32, #tpu.memory_space<vmem>>
      tpu.wait_dma2 semaphore(%run_scoped3A_153 : memref<!tpu.dma_semaphore, #tpu.memory_space<semaphore_mem>>) src(%dma_wait3A_177 : memref<80x16xf32, #tpu.memory_space<vmem>>) dst(%dma_wait3A_173 : memref<80x16xf32, #tpu.memory_space<vmem_shared>>)
      tpu.yield
    }) : () -> ()
    %add3A_21 = arith.constant 240 : i32
    %add3A_22 = arith.addi %mul3A_2, %add3A_21 : i32
    %run_scoped3A_23 = arith.constant 0 : i32
    "tpu.region"() ({
      %run_scoped3A_153 = tpu.sem_alloc : memref<!tpu.dma_semaphore, #tpu.memory_space<semaphore_mem>>
      %dma_start3A_154 = arith.constant 0 : i32
      %dma_start3A_155 = arith.constant 0 : i32
      %dma_start3A_156 = tpu.memref_slice %arg8[%run_scoped3A_23, %dma_start3A_154, %dma_start3A_155] : memref<5x80x16xf32, #tpu.memory_space<vmem>> -> memref<1x80x16xf32, #tpu.memory_space<vmem>>
      %dma_start3A_157 = tpu.memref_squeeze %dma_start3A_156 : memref<1x80x16xf32, #tpu.memory_space<vmem>> -> memref<80x16xf32, #tpu.memory_space<vmem>>
      %dma_start3A_158 = arith.constant 0 : i32
      %dma_start3A_159 = tpu.memref_slice %arg9[%add3A_22, %dma_start3A_158] : memref<10240x16xf32, #tpu.memory_space<vmem_shared>> -> memref<80x16xf32, #tpu.memory_space<vmem_shared>>
      %dma_start3A_160 = arith.constant 0 : i32
      %dma_start3A_161 = tpu.memref_slice %arg9[%add3A_22, %dma_start3A_160] : memref<10240x16xf32, #tpu.memory_space<vmem_shared>> -> memref<80x16xf32, #tpu.memory_space<vmem_shared>>
      %dma_start3A_162 = arith.constant 0 : i32
      %dma_start3A_163 = arith.constant 0 : i32
      %dma_start3A_164 = tpu.memref_slice %arg8[%run_scoped3A_23, %dma_start3A_162, %dma_start3A_163] : memref<5x80x16xf32, #tpu.memory_space<vmem>> -> memref<1x80x16xf32, #tpu.memory_space<vmem>>
      %dma_start3A_165 = tpu.memref_squeeze %dma_start3A_164 : memref<1x80x16xf32, #tpu.memory_space<vmem>> -> memref<80x16xf32, #tpu.memory_space<vmem>>
      tpu.enqueue_dma source(%dma_start3A_165 : memref<80x16xf32, #tpu.memory_space<vmem>>) target(%dma_start3A_161 : memref<80x16xf32, #tpu.memory_space<vmem_shared>>) target_semaphore(%run_scoped3A_153 : memref<!tpu.dma_semaphore, #tpu.memory_space<semaphore_mem>>)
      %dma_wait3A_166 = arith.constant 0 : i32
      %dma_wait3A_167 = arith.constant 0 : i32
      %dma_wait3A_168 = tpu.memref_slice %arg8[%run_scoped3A_23, %dma_wait3A_166, %dma_wait3A_167] : memref<5x80x16xf32, #tpu.memory_space<vmem>> -> memref<1x80x16xf32, #tpu.memory_space<vmem>>
      %dma_wait3A_169 = tpu.memref_squeeze %dma_wait3A_168 : memref<1x80x16xf32, #tpu.memory_space<vmem>> -> memref<80x16xf32, #tpu.memory_space<vmem>>
      %dma_wait3A_170 = arith.constant 0 : i32
      %dma_wait3A_171 = tpu.memref_slice %arg9[%add3A_22, %dma_wait3A_170] : memref<10240x16xf32, #tpu.memory_space<vmem_shared>> -> memref<80x16xf32, #tpu.memory_space<vmem_shared>>
      %dma_wait3A_172 = arith.constant 0 : i32
      %dma_wait3A_173 = tpu.memref_slice %arg9[%add3A_22, %dma_wait3A_172] : memref<10240x16xf32, #tpu.memory_space<vmem_shared>> -> memref<80x16xf32, #tpu.memory_space<vmem_shared>>
      %dma_wait3A_174 = arith.constant 0 : i32
      %dma_wait3A_175 = arith.constant 0 : i32
      %dma_wait3A_176 = tpu.memref_slice %arg8[%run_scoped3A_23, %dma_wait3A_174, %dma_wait3A_175] : memref<5x80x16xf32, #tpu.memory_space<vmem>> -> memref<1x80x16xf32, #tpu.memory_space<vmem>>
      %dma_wait3A_177 = tpu.memref_squeeze %dma_wait3A_176 : memref<1x80x16xf32, #tpu.memory_space<vmem>> -> memref<80x16xf32, #tpu.memory_space<vmem>>
      tpu.wait_dma2 semaphore(%run_scoped3A_153 : memref<!tpu.dma_semaphore, #tpu.memory_space<semaphore_mem>>) src(%dma_wait3A_177 : memref<80x16xf32, #tpu.memory_space<vmem>>) dst(%dma_wait3A_173 : memref<80x16xf32, #tpu.memory_space<vmem_shared>>)
      tpu.yield
    }) : () -> ()
    %add3A_24 = arith.constant 320 : i32
    %add3A_25 = arith.addi %mul3A_2, %add3A_24 : i32
    %run_scoped3A_26 = arith.constant 0 : i32
    "tpu.region"() ({
      %run_scoped3A_153 = tpu.sem_alloc : memref<!tpu.dma_semaphore, #tpu.memory_space<semaphore_mem>>
      %dma_start3A_154 = arith.constant 0 : i32
      %dma_start3A_155 = arith.constant 0 : i32
      %dma_start3A_156 = tpu.memref_slice %arg8[%run_scoped3A_26, %dma_start3A_154, %dma_start3A_155] : memref<5x80x16xf32, #tpu.memory_space<vmem>> -> memref<1x80x16xf32, #tpu.memory_space<vmem>>
      %dma_start3A_157 = tpu.memref_squeeze %dma_start3A_156 : memref<1x80x16xf32, #tpu.memory_space<vmem>> -> memref<80x16xf32, #tpu.memory_space<vmem>>
      %dma_start3A_158 = arith.constant 0 : i32
      %dma_start3A_159 = tpu.memref_slice %arg9[%add3A_25, %dma_start3A_158] : memref<10240x16xf32, #tpu.memory_space<vmem_shared>> -> memref<80x16xf32, #tpu.memory_space<vmem_shared>>
      %dma_start3A_160 = arith.constant 0 : i32
      %dma_start3A_161 = tpu.memref_slice %arg9[%add3A_25, %dma_start3A_160] : memref<10240x16xf32, #tpu.memory_space<vmem_shared>> -> memref<80x16xf32, #tpu.memory_space<vmem_shared>>
      %dma_start3A_162 = arith.constant 0 : i32
      %dma_start3A_163 = arith.constant 0 : i32
      %dma_start3A_164 = tpu.memref_slice %arg8[%run_scoped3A_26, %dma_start3A_162, %dma_start3A_163] : memref<5x80x16xf32, #tpu.memory_space<vmem>> -> memref<1x80x16xf32, #tpu.memory_space<vmem>>
      %dma_start3A_165 = tpu.memref_squeeze %dma_start3A_164 : memref<1x80x16xf32, #tpu.memory_space<vmem>> -> memref<80x16xf32, #tpu.memory_space<vmem>>
      tpu.enqueue_dma source(%dma_start3A_165 : memref<80x16xf32, #tpu.memory_space<vmem>>) target(%dma_start3A_161 : memref<80x16xf32, #tpu.memory_space<vmem_shared>>) target_semaphore(%run_scoped3A_153 : memref<!tpu.dma_semaphore, #tpu.memory_space<semaphore_mem>>)
      %dma_wait3A_166 = arith.constant 0 : i32
      %dma_wait3A_167 = arith.constant 0 : i32
      %dma_wait3A_168 = tpu.memref_slice %arg8[%run_scoped3A_26, %dma_wait3A_166, %dma_wait3A_167] : memref<5x80x16xf32, #tpu.memory_space<vmem>> -> memref<1x80x16xf32, #tpu.memory_space<vmem>>
      %dma_wait3A_169 = tpu.memref_squeeze %dma_wait3A_168 : memref<1x80x16xf32, #tpu.memory_space<vmem>> -> memref<80x16xf32, #tpu.memory_space<vmem>>
      %dma_wait3A_170 = arith.constant 0 : i32
      %dma_wait3A_171 = tpu.memref_slice %arg9[%add3A_25, %dma_wait3A_170] : memref<10240x16xf32, #tpu.memory_space<vmem_shared>> -> memref<80x16xf32, #tpu.memory_space<vmem_shared>>
      %dma_wait3A_172 = arith.constant 0 : i32
      %dma_wait3A_173 = tpu.memref_slice %arg9[%add3A_25, %dma_wait3A_172] : memref<10240x16xf32, #tpu.memory_space<vmem_shared>> -> memref<80x16xf32, #tpu.memory_space<vmem_shared>>
      %dma_wait3A_174 = arith.constant 0 : i32
      %dma_wait3A_175 = arith.constant 0 : i32
      %dma_wait3A_176 = tpu.memref_slice %arg8[%run_scoped3A_26, %dma_wait3A_174, %dma_wait3A_175] : memref<5x80x16xf32, #tpu.memory_space<vmem>> -> memref<1x80x16xf32, #tpu.memory_space<vmem>>
      %dma_wait3A_177 = tpu.memref_squeeze %dma_wait3A_176 : memref<1x80x16xf32, #tpu.memory_space<vmem>> -> memref<80x16xf32, #tpu.memory_space<vmem>>
      tpu.wait_dma2 semaphore(%run_scoped3A_153 : memref<!tpu.dma_semaphore, #tpu.memory_space<semaphore_mem>>) src(%dma_wait3A_177 : memref<80x16xf32, #tpu.memory_space<vmem>>) dst(%dma_wait3A_173 : memref<80x16xf32, #tpu.memory_space<vmem_shared>>)
      tpu.yield
    }) : () -> ()
    %add3A_27 = arith.constant 400 : i32
    %add3A_28 = arith.addi %mul3A_2, %add3A_27 : i32
    %run_scoped3A_29 = arith.constant 0 : i32
    "tpu.region"() ({
      %run_scoped3A_153 = tpu.sem_alloc : memref<!tpu.dma_semaphore, #tpu.memory_space<semaphore_mem>>
      %dma_start3A_154 = arith.constant 0 : i32
      %dma_start3A_155 = arith.constant 0 : i32
      %dma_start3A_156 = tpu.memref_slice %arg8[%run_scoped3A_29, %dma_start3A_154, %dma_start3A_155] : memref<5x80x16xf32, #tpu.memory_space<vmem>> -> memref<1x80x16xf32, #tpu.memory_space<vmem>>
      %dma_start3A_157 = tpu.memref_squeeze %dma_start3A_156 : memref<1x80x16xf32, #tpu.memory_space<vmem>> -> memref<80x16xf32, #tpu.memory_space<vmem>>
      %dma_start3A_158 = arith.constant 0 : i32
      %dma_start3A_159 = tpu.memref_slice %arg9[%add3A_28, %dma_start3A_158] : memref<10240x16xf32, #tpu.memory_space<vmem_shared>> -> memref<80x16xf32, #tpu.memory_space<vmem_shared>>
      %dma_start3A_160 = arith.constant 0 : i32
      %dma_start3A_161 = tpu.memref_slice %arg9[%add3A_28, %dma_start3A_160] : memref<10240x16xf32, #tpu.memory_space<vmem_shared>> -> memref<80x16xf32, #tpu.memory_space<vmem_shared>>
      %dma_start3A_162 = arith.constant 0 : i32
      %dma_start3A_163 = arith.constant 0 : i32
      %dma_start3A_164 = tpu.memref_slice %arg8[%run_scoped3A_29, %dma_start3A_162, %dma_start3A_163] : memref<5x80x16xf32, #tpu.memory_space<vmem>> -> memref<1x80x16xf32, #tpu.memory_space<vmem>>
      %dma_start3A_165 = tpu.memref_squeeze %dma_start3A_164 : memref<1x80x16xf32, #tpu.memory_space<vmem>> -> memref<80x16xf32, #tpu.memory_space<vmem>>
      tpu.enqueue_dma source(%dma_start3A_165 : memref<80x16xf32, #tpu.memory_space<vmem>>) target(%dma_start3A_161 : memref<80x16xf32, #tpu.memory_space<vmem_shared>>) target_semaphore(%run_scoped3A_153 : memref<!tpu.dma_semaphore, #tpu.memory_space<semaphore_mem>>)
      %dma_wait3A_166 = arith.constant 0 : i32
      %dma_wait3A_167 = arith.constant 0 : i32
      %dma_wait3A_168 = tpu.memref_slice %arg8[%run_scoped3A_29, %dma_wait3A_166, %dma_wait3A_167] : memref<5x80x16xf32, #tpu.memory_space<vmem>> -> memref<1x80x16xf32, #tpu.memory_space<vmem>>
      %dma_wait3A_169 = tpu.memref_squeeze %dma_wait3A_168 : memref<1x80x16xf32, #tpu.memory_space<vmem>> -> memref<80x16xf32, #tpu.memory_space<vmem>>
      %dma_wait3A_170 = arith.constant 0 : i32
      %dma_wait3A_171 = tpu.memref_slice %arg9[%add3A_28, %dma_wait3A_170] : memref<10240x16xf32, #tpu.memory_space<vmem_shared>> -> memref<80x16xf32, #tpu.memory_space<vmem_shared>>
      %dma_wait3A_172 = arith.constant 0 : i32
      %dma_wait3A_173 = tpu.memref_slice %arg9[%add3A_28, %dma_wait3A_172] : memref<10240x16xf32, #tpu.memory_space<vmem_shared>> -> memref<80x16xf32, #tpu.memory_space<vmem_shared>>
      %dma_wait3A_174 = arith.constant 0 : i32
      %dma_wait3A_175 = arith.constant 0 : i32
      %dma_wait3A_176 = tpu.memref_slice %arg8[%run_scoped3A_29, %dma_wait3A_174, %dma_wait3A_175] : memref<5x80x16xf32, #tpu.memory_space<vmem>> -> memref<1x80x16xf32, #tpu.memory_space<vmem>>
      %dma_wait3A_177 = tpu.memref_squeeze %dma_wait3A_176 : memref<1x80x16xf32, #tpu.memory_space<vmem>> -> memref<80x16xf32, #tpu.memory_space<vmem>>
      tpu.wait_dma2 semaphore(%run_scoped3A_153 : memref<!tpu.dma_semaphore, #tpu.memory_space<semaphore_mem>>) src(%dma_wait3A_177 : memref<80x16xf32, #tpu.memory_space<vmem>>) dst(%dma_wait3A_173 : memref<80x16xf32, #tpu.memory_space<vmem_shared>>)
      tpu.yield
    }) : () -> ()
    %add3A_30 = arith.constant 480 : i32
    %add3A_31 = arith.addi %mul3A_2, %add3A_30 : i32
    %run_scoped3A_32 = arith.constant 0 : i32
    "tpu.region"() ({
      %run_scoped3A_153 = tpu.sem_alloc : memref<!tpu.dma_semaphore, #tpu.memory_space<semaphore_mem>>
      %dma_start3A_154 = arith.constant 0 : i32
      %dma_start3A_155 = arith.constant 0 : i32
      %dma_start3A_156 = tpu.memref_slice %arg8[%run_scoped3A_32, %dma_start3A_154, %dma_start3A_155] : memref<5x80x16xf32, #tpu.memory_space<vmem>> -> memref<1x80x16xf32, #tpu.memory_space<vmem>>
      %dma_start3A_157 = tpu.memref_squeeze %dma_start3A_156 : memref<1x80x16xf32, #tpu.memory_space<vmem>> -> memref<80x16xf32, #tpu.memory_space<vmem>>
      %dma_start3A_158 = arith.constant 0 : i32
      %dma_start3A_159 = tpu.memref_slice %arg9[%add3A_31, %dma_start3A_158] : memref<10240x16xf32, #tpu.memory_space<vmem_shared>> -> memref<80x16xf32, #tpu.memory_space<vmem_shared>>
      %dma_start3A_160 = arith.constant 0 : i32
      %dma_start3A_161 = tpu.memref_slice %arg9[%add3A_31, %dma_start3A_160] : memref<10240x16xf32, #tpu.memory_space<vmem_shared>> -> memref<80x16xf32, #tpu.memory_space<vmem_shared>>
      %dma_start3A_162 = arith.constant 0 : i32
      %dma_start3A_163 = arith.constant 0 : i32
      %dma_start3A_164 = tpu.memref_slice %arg8[%run_scoped3A_32, %dma_start3A_162, %dma_start3A_163] : memref<5x80x16xf32, #tpu.memory_space<vmem>> -> memref<1x80x16xf32, #tpu.memory_space<vmem>>
      %dma_start3A_165 = tpu.memref_squeeze %dma_start3A_164 : memref<1x80x16xf32, #tpu.memory_space<vmem>> -> memref<80x16xf32, #tpu.memory_space<vmem>>
      tpu.enqueue_dma source(%dma_start3A_165 : memref<80x16xf32, #tpu.memory_space<vmem>>) target(%dma_start3A_161 : memref<80x16xf32, #tpu.memory_space<vmem_shared>>) target_semaphore(%run_scoped3A_153 : memref<!tpu.dma_semaphore, #tpu.memory_space<semaphore_mem>>)
      %dma_wait3A_166 = arith.constant 0 : i32
      %dma_wait3A_167 = arith.constant 0 : i32
      %dma_wait3A_168 = tpu.memref_slice %arg8[%run_scoped3A_32, %dma_wait3A_166, %dma_wait3A_167] : memref<5x80x16xf32, #tpu.memory_space<vmem>> -> memref<1x80x16xf32, #tpu.memory_space<vmem>>
      %dma_wait3A_169 = tpu.memref_squeeze %dma_wait3A_168 : memref<1x80x16xf32, #tpu.memory_space<vmem>> -> memref<80x16xf32, #tpu.memory_space<vmem>>
      %dma_wait3A_170 = arith.constant 0 : i32
      %dma_wait3A_171 = tpu.memref_slice %arg9[%add3A_31, %dma_wait3A_170] : memref<10240x16xf32, #tpu.memory_space<vmem_shared>> -> memref<80x16xf32, #tpu.memory_space<vmem_shared>>
      %dma_wait3A_172 = arith.constant 0 : i32
      %dma_wait3A_173 = tpu.memref_slice %arg9[%add3A_31, %dma_wait3A_172] : memref<10240x16xf32, #tpu.memory_space<vmem_shared>> -> memref<80x16xf32, #tpu.memory_space<vmem_shared>>
      %dma_wait3A_174 = arith.constant 0 : i32
      %dma_wait3A_175 = arith.constant 0 : i32
      %dma_wait3A_176 = tpu.memref_slice %arg8[%run_scoped3A_32, %dma_wait3A_174, %dma_wait3A_175] : memref<5x80x16xf32, #tpu.memory_space<vmem>> -> memref<1x80x16xf32, #tpu.memory_space<vmem>>
      %dma_wait3A_177 = tpu.memref_squeeze %dma_wait3A_176 : memref<1x80x16xf32, #tpu.memory_space<vmem>> -> memref<80x16xf32, #tpu.memory_space<vmem>>
      tpu.wait_dma2 semaphore(%run_scoped3A_153 : memref<!tpu.dma_semaphore, #tpu.memory_space<semaphore_mem>>) src(%dma_wait3A_177 : memref<80x16xf32, #tpu.memory_space<vmem>>) dst(%dma_wait3A_173 : memref<80x16xf32, #tpu.memory_space<vmem_shared>>)
      tpu.yield
    }) : () -> ()
    %add3A_33 = arith.constant 560 : i32
    %add3A_34 = arith.addi %mul3A_2, %add3A_33 : i32
    %run_scoped3A_35 = arith.constant 0 : i32
    "tpu.region"() ({
      %run_scoped3A_153 = tpu.sem_alloc : memref<!tpu.dma_semaphore, #tpu.memory_space<semaphore_mem>>
      %dma_start3A_154 = arith.constant 0 : i32
      %dma_start3A_155 = arith.constant 0 : i32
      %dma_start3A_156 = tpu.memref_slice %arg8[%run_scoped3A_35, %dma_start3A_154, %dma_start3A_155] : memref<5x80x16xf32, #tpu.memory_space<vmem>> -> memref<1x80x16xf32, #tpu.memory_space<vmem>>
      %dma_start3A_157 = tpu.memref_squeeze %dma_start3A_156 : memref<1x80x16xf32, #tpu.memory_space<vmem>> -> memref<80x16xf32, #tpu.memory_space<vmem>>
      %dma_start3A_158 = arith.constant 0 : i32
      %dma_start3A_159 = tpu.memref_slice %arg9[%add3A_34, %dma_start3A_158] : memref<10240x16xf32, #tpu.memory_space<vmem_shared>> -> memref<80x16xf32, #tpu.memory_space<vmem_shared>>
      %dma_start3A_160 = arith.constant 0 : i32
      %dma_start3A_161 = tpu.memref_slice %arg9[%add3A_34, %dma_start3A_160] : memref<10240x16xf32, #tpu.memory_space<vmem_shared>> -> memref<80x16xf32, #tpu.memory_space<vmem_shared>>
      %dma_start3A_162 = arith.constant 0 : i32
      %dma_start3A_163 = arith.constant 0 : i32
      %dma_start3A_164 = tpu.memref_slice %arg8[%run_scoped3A_35, %dma_start3A_162, %dma_start3A_163] : memref<5x80x16xf32, #tpu.memory_space<vmem>> -> memref<1x80x16xf32, #tpu.memory_space<vmem>>
      %dma_start3A_165 = tpu.memref_squeeze %dma_start3A_164 : memref<1x80x16xf32, #tpu.memory_space<vmem>> -> memref<80x16xf32, #tpu.memory_space<vmem>>
      tpu.enqueue_dma source(%dma_start3A_165 : memref<80x16xf32, #tpu.memory_space<vmem>>) target(%dma_start3A_161 : memref<80x16xf32, #tpu.memory_space<vmem_shared>>) target_semaphore(%run_scoped3A_153 : memref<!tpu.dma_semaphore, #tpu.memory_space<semaphore_mem>>)
      %dma_wait3A_166 = arith.constant 0 : i32
      %dma_wait3A_167 = arith.constant 0 : i32
      %dma_wait3A_168 = tpu.memref_slice %arg8[%run_scoped3A_35, %dma_wait3A_166, %dma_wait3A_167] : memref<5x80x16xf32, #tpu.memory_space<vmem>> -> memref<1x80x16xf32, #tpu.memory_space<vmem>>
      %dma_wait3A_169 = tpu.memref_squeeze %dma_wait3A_168 : memref<1x80x16xf32, #tpu.memory_space<vmem>> -> memref<80x16xf32, #tpu.memory_space<vmem>>
      %dma_wait3A_170 = arith.constant 0 : i32
      %dma_wait3A_171 = tpu.memref_slice %arg9[%add3A_34, %dma_wait3A_170] : memref<10240x16xf32, #tpu.memory_space<vmem_shared>> -> memref<80x16xf32, #tpu.memory_space<vmem_shared>>
      %dma_wait3A_172 = arith.constant 0 : i32
      %dma_wait3A_173 = tpu.memref_slice %arg9[%add3A_34, %dma_wait3A_172] : memref<10240x16xf32, #tpu.memory_space<vmem_shared>> -> memref<80x16xf32, #tpu.memory_space<vmem_shared>>
      %dma_wait3A_174 = arith.constant 0 : i32
      %dma_wait3A_175 = arith.constant 0 : i32
      %dma_wait3A_176 = tpu.memref_slice %arg8[%run_scoped3A_35, %dma_wait3A_174, %dma_wait3A_175] : memref<5x80x16xf32, #tpu.memory_space<vmem>> -> memref<1x80x16xf32, #tpu.memory_space<vmem>>
      %dma_wait3A_177 = tpu.memref_squeeze %dma_wait3A_176 : memref<1x80x16xf32, #tpu.memory_space<vmem>> -> memref<80x16xf32, #tpu.memory_space<vmem>>
      tpu.wait_dma2 semaphore(%run_scoped3A_153 : memref<!tpu.dma_semaphore, #tpu.memory_space<semaphore_mem>>) src(%dma_wait3A_177 : memref<80x16xf32, #tpu.memory_space<vmem>>) dst(%dma_wait3A_173 : memref<80x16xf32, #tpu.memory_space<vmem_shared>>)
      tpu.yield
    }) : () -> ()
    %barrier3A = arith.constant 0 : index
    tpu.barrier barrier_id(%barrier3A)
    %dma_start3A = arith.constant 0 : i32
    %dma_start3A_36 = arith.constant 0 : i32
    %dma_start3A_37 = arith.constant 0 : i32
    %dma_start3A_38 = arith.constant 0 : i32
    %dma_start3A_39 = tpu.memref_slice %arg8[%dma_start3A_36, %dma_start3A_37, %dma_start3A_38] : memref<5x80x16xf32, #tpu.memory_space<vmem>> -> memref<1x80x16xf32, #tpu.memory_space<vmem>>
    %dma_start3A_40 = tpu.memref_squeeze %dma_start3A_39 : memref<1x80x16xf32, #tpu.memory_space<vmem>> -> memref<80x16xf32, #tpu.memory_space<vmem>>
    %dma_start3A_41 = arith.constant 0 : i32
    %dma_start3A_42 = tpu.memref_slice %arg6[%dma_start3A, %dma_start3A_41] : memref<125x80xi32, #tpu.memory_space<vmem>> -> memref<1x80xi32, #tpu.memory_space<vmem>>
    %dma_start3A_43 = tpu.memref_squeeze %dma_start3A_42 : memref<1x80xi32, #tpu.memory_space<vmem>> -> memref<80xi32, #tpu.memory_space<vmem>>
    %dma_start3A_44 = arith.constant 0 : i32
    %dma_start3A_45 = arith.constant 0 : i32
    %dma_start3A_46 = tpu.memref_slice %arg2[%dma_start3A_44, %dma_start3A_45] : memref<10240x16xf32, #tpu.memory_space<hbm>> -> memref<10240x16xf32, #tpu.memory_space<hbm>>
    tpu.enqueue_indirect_dma source(%dma_start3A_46 : memref<10240x16xf32, #tpu.memory_space<hbm>>) target(%dma_start3A_40 : memref<80x16xf32, #tpu.memory_space<vmem>>) offsets(%dma_start3A_43 : memref<80xi32, #tpu.memory_space<vmem>>) semaphore(%arg10 : memref<!tpu.dma_semaphore, #tpu.memory_space<semaphore_mem>>)
    %dma_start3A_47 = arith.constant 1 : i32
    %dma_start3A_48 = arith.constant 1 : i32
    %dma_start3A_49 = arith.constant 0 : i32
    %dma_start3A_50 = arith.constant 0 : i32
    %dma_start3A_51 = tpu.memref_slice %arg8[%dma_start3A_48, %dma_start3A_49, %dma_start3A_50] : memref<5x80x16xf32, #tpu.memory_space<vmem>> -> memref<1x80x16xf32, #tpu.memory_space<vmem>>
    %dma_start3A_52 = tpu.memref_squeeze %dma_start3A_51 : memref<1x80x16xf32, #tpu.memory_space<vmem>> -> memref<80x16xf32, #tpu.memory_space<vmem>>
    %dma_start3A_53 = arith.constant 0 : i32
    %dma_start3A_54 = tpu.memref_slice %arg6[%dma_start3A_47, %dma_start3A_53] : memref<125x80xi32, #tpu.memory_space<vmem>> -> memref<1x80xi32, #tpu.memory_space<vmem>>
    %dma_start3A_55 = tpu.memref_squeeze %dma_start3A_54 : memref<1x80xi32, #tpu.memory_space<vmem>> -> memref<80xi32, #tpu.memory_space<vmem>>
    %dma_start3A_56 = arith.constant 0 : i32
    %dma_start3A_57 = arith.constant 0 : i32
    %dma_start3A_58 = tpu.memref_slice %arg2[%dma_start3A_56, %dma_start3A_57] : memref<10240x16xf32, #tpu.memory_space<hbm>> -> memref<10240x16xf32, #tpu.memory_space<hbm>>
    tpu.enqueue_indirect_dma source(%dma_start3A_58 : memref<10240x16xf32, #tpu.memory_space<hbm>>) target(%dma_start3A_52 : memref<80x16xf32, #tpu.memory_space<vmem>>) offsets(%dma_start3A_55 : memref<80xi32, #tpu.memory_space<vmem>>) semaphore(%arg11 : memref<!tpu.dma_semaphore, #tpu.memory_space<semaphore_mem>>)
    %dma_start3A_59 = arith.constant 2 : i32
    %dma_start3A_60 = arith.constant 2 : i32
    %dma_start3A_61 = arith.constant 0 : i32
    %dma_start3A_62 = arith.constant 0 : i32
    %dma_start3A_63 = tpu.memref_slice %arg8[%dma_start3A_60, %dma_start3A_61, %dma_start3A_62] : memref<5x80x16xf32, #tpu.memory_space<vmem>> -> memref<1x80x16xf32, #tpu.memory_space<vmem>>
    %dma_start3A_64 = tpu.memref_squeeze %dma_start3A_63 : memref<1x80x16xf32, #tpu.memory_space<vmem>> -> memref<80x16xf32, #tpu.memory_space<vmem>>
    %dma_start3A_65 = arith.constant 0 : i32
    %dma_start3A_66 = tpu.memref_slice %arg6[%dma_start3A_59, %dma_start3A_65] : memref<125x80xi32, #tpu.memory_space<vmem>> -> memref<1x80xi32, #tpu.memory_space<vmem>>
    %dma_start3A_67 = tpu.memref_squeeze %dma_start3A_66 : memref<1x80xi32, #tpu.memory_space<vmem>> -> memref<80xi32, #tpu.memory_space<vmem>>
    %dma_start3A_68 = arith.constant 0 : i32
    %dma_start3A_69 = arith.constant 0 : i32
    %dma_start3A_70 = tpu.memref_slice %arg2[%dma_start3A_68, %dma_start3A_69] : memref<10240x16xf32, #tpu.memory_space<hbm>> -> memref<10240x16xf32, #tpu.memory_space<hbm>>
    tpu.enqueue_indirect_dma source(%dma_start3A_70 : memref<10240x16xf32, #tpu.memory_space<hbm>>) target(%dma_start3A_64 : memref<80x16xf32, #tpu.memory_space<vmem>>) offsets(%dma_start3A_67 : memref<80xi32, #tpu.memory_space<vmem>>) semaphore(%arg12 : memref<!tpu.dma_semaphore, #tpu.memory_space<semaphore_mem>>)
    %dma_start3A_71 = arith.constant 3 : i32
    %dma_start3A_72 = arith.constant 3 : i32
    %dma_start3A_73 = arith.constant 0 : i32
    %dma_start3A_74 = arith.constant 0 : i32
    %dma_start3A_75 = tpu.memref_slice %arg8[%dma_start3A_72, %dma_start3A_73, %dma_start3A_74] : memref<5x80x16xf32, #tpu.memory_space<vmem>> -> memref<1x80x16xf32, #tpu.memory_space<vmem>>
    %dma_start3A_76 = tpu.memref_squeeze %dma_start3A_75 : memref<1x80x16xf32, #tpu.memory_space<vmem>> -> memref<80x16xf32, #tpu.memory_space<vmem>>
    %dma_start3A_77 = arith.constant 0 : i32
    %dma_start3A_78 = tpu.memref_slice %arg6[%dma_start3A_71, %dma_start3A_77] : memref<125x80xi32, #tpu.memory_space<vmem>> -> memref<1x80xi32, #tpu.memory_space<vmem>>
    %dma_start3A_79 = tpu.memref_squeeze %dma_start3A_78 : memref<1x80xi32, #tpu.memory_space<vmem>> -> memref<80xi32, #tpu.memory_space<vmem>>
    %dma_start3A_80 = arith.constant 0 : i32
    %dma_start3A_81 = arith.constant 0 : i32
    %dma_start3A_82 = tpu.memref_slice %arg2[%dma_start3A_80, %dma_start3A_81] : memref<10240x16xf32, #tpu.memory_space<hbm>> -> memref<10240x16xf32, #tpu.memory_space<hbm>>
    tpu.enqueue_indirect_dma source(%dma_start3A_82 : memref<10240x16xf32, #tpu.memory_space<hbm>>) target(%dma_start3A_76 : memref<80x16xf32, #tpu.memory_space<vmem>>) offsets(%dma_start3A_79 : memref<80xi32, #tpu.memory_space<vmem>>) semaphore(%arg13 : memref<!tpu.dma_semaphore, #tpu.memory_space<semaphore_mem>>)
    %scan3A_83 = arith.constant 0 : i32
    %scan3A_84 = arith.constant 0 : i32
    %scan3A_85 = arith.constant 25 : i32
    %scan3A_86 = arith.addi %scan3A_84, %scan3A_85 : i32
    %scan3A_87 = arith.constant 1 : i32
    %scan3A_88 = scf.for %scan3A_153 = %scan3A_84 to %scan3A_86 step %scan3A_87 iter_args(%scan3A_154 = %scan3A_83) -> (i32)  : i32 {
      %mul3A_155 = arith.constant 5 : i32
      %mul3A_156 = arith.muli %scan3A_153, %mul3A_155 : i32
      %add3A_157 = arith.constant 0 : i32
      %add3A_158 = arith.addi %mul3A_156, %add3A_157 : i32
      %dma_wait3A_159 = arith.constant 0 : i32
      %dma_wait3A_160 = arith.constant 0 : i32
      %dma_wait3A_161 = arith.constant 0 : i32
      %dma_wait3A_162 = tpu.memref_slice %arg8[%dma_wait3A_159, %dma_wait3A_160, %dma_wait3A_161] : memref<5x80x16xf32, #tpu.memory_space<vmem>> -> memref<1x80x16xf32, #tpu.memory_space<vmem>>
      %dma_wait3A_163 = tpu.memref_squeeze %dma_wait3A_162 : memref<1x80x16xf32, #tpu.memory_space<vmem>> -> memref<80x16xf32, #tpu.memory_space<vmem>>
      %dma_wait3A_164 = arith.constant 0 : i32
      %dma_wait3A_165 = tpu.memref_slice %arg6[%add3A_158, %dma_wait3A_164] : memref<125x80xi32, #tpu.memory_space<vmem>> -> memref<1x80xi32, #tpu.memory_space<vmem>>
      %dma_wait3A_166 = tpu.memref_squeeze %dma_wait3A_165 : memref<1x80xi32, #tpu.memory_space<vmem>> -> memref<80xi32, #tpu.memory_space<vmem>>
      %dma_wait3A_167 = arith.constant 0 : i32
      %dma_wait3A_168 = arith.constant 0 : i32
      %dma_wait3A_169 = tpu.memref_slice %arg2[%dma_wait3A_167, %dma_wait3A_168] : memref<10240x16xf32, #tpu.memory_space<hbm>> -> memref<10240x16xf32, #tpu.memory_space<hbm>>
      tpu.wait_indirect_dma semaphore(%arg10 : memref<!tpu.dma_semaphore, #tpu.memory_space<semaphore_mem>>) src(%dma_wait3A_169 : memref<10240x16xf32, #tpu.memory_space<hbm>>) dst(%dma_wait3A_163 : memref<80x16xf32, #tpu.memory_space<vmem>>)
      %dma_start3A_170 = arith.constant 0 : i32
      %dma_start3A_171 = arith.constant 0 : i32
      %dma_start3A_172 = arith.constant 0 : i32
      %dma_start3A_173 = tpu.memref_slice %arg8[%dma_start3A_170, %dma_start3A_171, %dma_start3A_172] : memref<5x80x16xf32, #tpu.memory_space<vmem>> -> memref<1x80x16xf32, #tpu.memory_space<vmem>>
      %dma_start3A_174 = tpu.memref_squeeze %dma_start3A_173 : memref<1x80x16xf32, #tpu.memory_space<vmem>> -> memref<80x16xf32, #tpu.memory_space<vmem>>
      %dma_start3A_175 = arith.constant 0 : i32
      %dma_start3A_176 = tpu.memref_slice %arg7[%add3A_158, %dma_start3A_175] : memref<125x80xi32, #tpu.memory_space<vmem>> -> memref<1x80xi32, #tpu.memory_space<vmem>>
      %dma_start3A_177 = tpu.memref_squeeze %dma_start3A_176 : memref<1x80xi32, #tpu.memory_space<vmem>> -> memref<80xi32, #tpu.memory_space<vmem>>
      %dma_start3A_178 = arith.constant 0 : i32
      %dma_start3A_179 = arith.constant 0 : i32
      %dma_start3A_180 = tpu.memref_slice %arg9[%dma_start3A_178, %dma_start3A_179] : memref<10240x16xf32, #tpu.memory_space<vmem_shared>> -> memref<10240x16xf32, #tpu.memory_space<vmem_shared>>
      tpu.enqueue_indirect_dma source(%dma_start3A_174 : memref<80x16xf32, #tpu.memory_space<vmem>>) target(%dma_start3A_180 : memref<10240x16xf32, #tpu.memory_space<vmem_shared>>) offsets(%dma_start3A_177 : memref<80xi32, #tpu.memory_space<vmem>>) semaphore(%arg15 : memref<!tpu.dma_semaphore, #tpu.memory_space<semaphore_mem>>) {add = true}
      %add3A_181 = arith.constant 4 : i32
      %add3A_182 = arith.addi %add3A_158, %add3A_181 : i32
      %lt3A = arith.constant 125 : i32
      %lt3A_183 = arith.cmpi slt, %add3A_182, %lt3A : i32
      %convert_element_type3A = arith.extui %lt3A_183 : i1 to i32
      %cond3A = arith.constant 0 : i32
      %cond3A_184 = arith.cmpi ne, %convert_element_type3A, %cond3A : i32
      scf.if %cond3A_184 {
        %ge3A = arith.constant 5 : i32
        %ge3A_318 = arith.cmpi sge, %add3A_182, %ge3A : i32
        %convert_element_type3A_319 = arith.extui %ge3A_318 : i1 to i32
        %cond3A_320 = arith.constant 0 : i32
        %cond3A_321 = arith.cmpi ne, %convert_element_type3A_319, %cond3A_320 : i32
        scf.if %cond3A_321 {
          %sub3A = arith.constant 5 : i32
          %sub3A_333 = arith.subi %add3A_182, %sub3A : i32
          %dma_wait3A_334 = arith.constant 4 : i32
          %dma_wait3A_335 = arith.constant 0 : i32
          %dma_wait3A_336 = arith.constant 0 : i32
          %dma_wait3A_337 = tpu.memref_slice %arg8[%dma_wait3A_334, %dma_wait3A_335, %dma_wait3A_336] : memref<5x80x16xf32, #tpu.memory_space<vmem>> -> memref<1x80x16xf32, #tpu.memory_space<vmem>>
          %dma_wait3A_338 = tpu.memref_squeeze %dma_wait3A_337 : memref<1x80x16xf32, #tpu.memory_space<vmem>> -> memref<80x16xf32, #tpu.memory_space<vmem>>
          %dma_wait3A_339 = arith.constant 0 : i32
          %dma_wait3A_340 = tpu.memref_slice %arg7[%sub3A_333, %dma_wait3A_339] : memref<125x80xi32, #tpu.memory_space<vmem>> -> memref<1x80xi32, #tpu.memory_space<vmem>>
          %dma_wait3A_341 = tpu.memref_squeeze %dma_wait3A_340 : memref<1x80xi32, #tpu.memory_space<vmem>> -> memref<80xi32, #tpu.memory_space<vmem>>
          %dma_wait3A_342 = arith.constant 0 : i32
          %dma_wait3A_343 = arith.constant 0 : i32
          %dma_wait3A_344 = tpu.memref_slice %arg9[%dma_wait3A_342, %dma_wait3A_343] : memref<10240x16xf32, #tpu.memory_space<vmem_shared>> -> memref<10240x16xf32, #tpu.memory_space<vmem_shared>>
          tpu.wait_indirect_dma semaphore(%arg19 : memref<!tpu.dma_semaphore, #tpu.memory_space<semaphore_mem>>) src(%dma_wait3A_338 : memref<80x16xf32, #tpu.memory_space<vmem>>) dst(%dma_wait3A_344 : memref<10240x16xf32, #tpu.memory_space<vmem_shared>>)
        } else {
        }
        %dma_start3A_322 = arith.constant 4 : i32
        %dma_start3A_323 = arith.constant 0 : i32
        %dma_start3A_324 = arith.constant 0 : i32
        %dma_start3A_325 = tpu.memref_slice %arg8[%dma_start3A_322, %dma_start3A_323, %dma_start3A_324] : memref<5x80x16xf32, #tpu.memory_space<vmem>> -> memref<1x80x16xf32, #tpu.memory_space<vmem>>
        %dma_start3A_326 = tpu.memref_squeeze %dma_start3A_325 : memref<1x80x16xf32, #tpu.memory_space<vmem>> -> memref<80x16xf32, #tpu.memory_space<vmem>>
        %dma_start3A_327 = arith.constant 0 : i32
        %dma_start3A_328 = tpu.memref_slice %arg6[%add3A_182, %dma_start3A_327] : memref<125x80xi32, #tpu.memory_space<vmem>> -> memref<1x80xi32, #tpu.memory_space<vmem>>
        %dma_start3A_329 = tpu.memref_squeeze %dma_start3A_328 : memref<1x80xi32, #tpu.memory_space<vmem>> -> memref<80xi32, #tpu.memory_space<vmem>>
        %dma_start3A_330 = arith.constant 0 : i32
        %dma_start3A_331 = arith.constant 0 : i32
        %dma_start3A_332 = tpu.memref_slice %arg2[%dma_start3A_330, %dma_start3A_331] : memref<10240x16xf32, #tpu.memory_space<hbm>> -> memref<10240x16xf32, #tpu.memory_space<hbm>>
        tpu.enqueue_indirect_dma source(%dma_start3A_332 : memref<10240x16xf32, #tpu.memory_space<hbm>>) target(%dma_start3A_326 : memref<80x16xf32, #tpu.memory_space<vmem>>) offsets(%dma_start3A_329 : memref<80xi32, #tpu.memory_space<vmem>>) semaphore(%arg14 : memref<!tpu.dma_semaphore, #tpu.memory_space<semaphore_mem>>)
      } else {
      }
      %mul3A_185 = arith.constant 5 : i32
      %mul3A_186 = arith.muli %scan3A_153, %mul3A_185 : i32
      %add3A_187 = arith.constant 1 : i32
      %add3A_188 = arith.addi %mul3A_186, %add3A_187 : i32
      %dma_wait3A_189 = arith.constant 1 : i32
      %dma_wait3A_190 = arith.constant 0 : i32
      %dma_wait3A_191 = arith.constant 0 : i32
      %dma_wait3A_192 = tpu.memref_slice %arg8[%dma_wait3A_189, %dma_wait3A_190, %dma_wait3A_191] : memref<5x80x16xf32, #tpu.memory_space<vmem>> -> memref<1x80x16xf32, #tpu.memory_space<vmem>>
      %dma_wait3A_193 = tpu.memref_squeeze %dma_wait3A_192 : memref<1x80x16xf32, #tpu.memory_space<vmem>> -> memref<80x16xf32, #tpu.memory_space<vmem>>
      %dma_wait3A_194 = arith.constant 0 : i32
      %dma_wait3A_195 = tpu.memref_slice %arg6[%add3A_188, %dma_wait3A_194] : memref<125x80xi32, #tpu.memory_space<vmem>> -> memref<1x80xi32, #tpu.memory_space<vmem>>
      %dma_wait3A_196 = tpu.memref_squeeze %dma_wait3A_195 : memref<1x80xi32, #tpu.memory_space<vmem>> -> memref<80xi32, #tpu.memory_space<vmem>>
      %dma_wait3A_197 = arith.constant 0 : i32
      %dma_wait3A_198 = arith.constant 0 : i32
      %dma_wait3A_199 = tpu.memref_slice %arg2[%dma_wait3A_197, %dma_wait3A_198] : memref<10240x16xf32, #tpu.memory_space<hbm>> -> memref<10240x16xf32, #tpu.memory_space<hbm>>
      tpu.wait_indirect_dma semaphore(%arg11 : memref<!tpu.dma_semaphore, #tpu.memory_space<semaphore_mem>>) src(%dma_wait3A_199 : memref<10240x16xf32, #tpu.memory_space<hbm>>) dst(%dma_wait3A_193 : memref<80x16xf32, #tpu.memory_space<vmem>>)
      %dma_start3A_200 = arith.constant 1 : i32
      %dma_start3A_201 = arith.constant 0 : i32
      %dma_start3A_202 = arith.constant 0 : i32
      %dma_start3A_203 = tpu.memref_slice %arg8[%dma_start3A_200, %dma_start3A_201, %dma_start3A_202] : memref<5x80x16xf32, #tpu.memory_space<vmem>> -> memref<1x80x16xf32, #tpu.memory_space<vmem>>
      %dma_start3A_204 = tpu.memref_squeeze %dma_start3A_203 : memref<1x80x16xf32, #tpu.memory_space<vmem>> -> memref<80x16xf32, #tpu.memory_space<vmem>>
      %dma_start3A_205 = arith.constant 0 : i32
      %dma_start3A_206 = tpu.memref_slice %arg7[%add3A_188, %dma_start3A_205] : memref<125x80xi32, #tpu.memory_space<vmem>> -> memref<1x80xi32, #tpu.memory_space<vmem>>
      %dma_start3A_207 = tpu.memref_squeeze %dma_start3A_206 : memref<1x80xi32, #tpu.memory_space<vmem>> -> memref<80xi32, #tpu.memory_space<vmem>>
      %dma_start3A_208 = arith.constant 0 : i32
      %dma_start3A_209 = arith.constant 0 : i32
      %dma_start3A_210 = tpu.memref_slice %arg9[%dma_start3A_208, %dma_start3A_209] : memref<10240x16xf32, #tpu.memory_space<vmem_shared>> -> memref<10240x16xf32, #tpu.memory_space<vmem_shared>>
      tpu.enqueue_indirect_dma source(%dma_start3A_204 : memref<80x16xf32, #tpu.memory_space<vmem>>) target(%dma_start3A_210 : memref<10240x16xf32, #tpu.memory_space<vmem_shared>>) offsets(%dma_start3A_207 : memref<80xi32, #tpu.memory_space<vmem>>) semaphore(%arg16 : memref<!tpu.dma_semaphore, #tpu.memory_space<semaphore_mem>>) {add = true}
      %add3A_211 = arith.constant 4 : i32
      %add3A_212 = arith.addi %add3A_188, %add3A_211 : i32
      %lt3A_213 = arith.constant 125 : i32
      %lt3A_214 = arith.cmpi slt, %add3A_212, %lt3A_213 : i32
      %convert_element_type3A_215 = arith.extui %lt3A_214 : i1 to i32
      %cond3A_216 = arith.constant 0 : i32
      %cond3A_217 = arith.cmpi ne, %convert_element_type3A_215, %cond3A_216 : i32
      scf.if %cond3A_217 {
        %ge3A = arith.constant 5 : i32
        %ge3A_318 = arith.cmpi sge, %add3A_212, %ge3A : i32
        %convert_element_type3A_319 = arith.extui %ge3A_318 : i1 to i32
        %cond3A_320 = arith.constant 0 : i32
        %cond3A_321 = arith.cmpi ne, %convert_element_type3A_319, %cond3A_320 : i32
        scf.if %cond3A_321 {
          %sub3A = arith.constant 5 : i32
          %sub3A_333 = arith.subi %add3A_212, %sub3A : i32
          %dma_wait3A_334 = arith.constant 0 : i32
          %dma_wait3A_335 = arith.constant 0 : i32
          %dma_wait3A_336 = arith.constant 0 : i32
          %dma_wait3A_337 = tpu.memref_slice %arg8[%dma_wait3A_334, %dma_wait3A_335, %dma_wait3A_336] : memref<5x80x16xf32, #tpu.memory_space<vmem>> -> memref<1x80x16xf32, #tpu.memory_space<vmem>>
          %dma_wait3A_338 = tpu.memref_squeeze %dma_wait3A_337 : memref<1x80x16xf32, #tpu.memory_space<vmem>> -> memref<80x16xf32, #tpu.memory_space<vmem>>
          %dma_wait3A_339 = arith.constant 0 : i32
          %dma_wait3A_340 = tpu.memref_slice %arg7[%sub3A_333, %dma_wait3A_339] : memref<125x80xi32, #tpu.memory_space<vmem>> -> memref<1x80xi32, #tpu.memory_space<vmem>>
          %dma_wait3A_341 = tpu.memref_squeeze %dma_wait3A_340 : memref<1x80xi32, #tpu.memory_space<vmem>> -> memref<80xi32, #tpu.memory_space<vmem>>
          %dma_wait3A_342 = arith.constant 0 : i32
          %dma_wait3A_343 = arith.constant 0 : i32
          %dma_wait3A_344 = tpu.memref_slice %arg9[%dma_wait3A_342, %dma_wait3A_343] : memref<10240x16xf32, #tpu.memory_space<vmem_shared>> -> memref<10240x16xf32, #tpu.memory_space<vmem_shared>>
          tpu.wait_indirect_dma semaphore(%arg15 : memref<!tpu.dma_semaphore, #tpu.memory_space<semaphore_mem>>) src(%dma_wait3A_338 : memref<80x16xf32, #tpu.memory_space<vmem>>) dst(%dma_wait3A_344 : memref<10240x16xf32, #tpu.memory_space<vmem_shared>>)
        } else {
        }
        %dma_start3A_322 = arith.constant 0 : i32
        %dma_start3A_323 = arith.constant 0 : i32
        %dma_start3A_324 = arith.constant 0 : i32
        %dma_start3A_325 = tpu.memref_slice %arg8[%dma_start3A_322, %dma_start3A_323, %dma_start3A_324] : memref<5x80x16xf32, #tpu.memory_space<vmem>> -> memref<1x80x16xf32, #tpu.memory_space<vmem>>
        %dma_start3A_326 = tpu.memref_squeeze %dma_start3A_325 : memref<1x80x16xf32, #tpu.memory_space<vmem>> -> memref<80x16xf32, #tpu.memory_space<vmem>>
        %dma_start3A_327 = arith.constant 0 : i32
        %dma_start3A_328 = tpu.memref_slice %arg6[%add3A_212, %dma_start3A_327] : memref<125x80xi32, #tpu.memory_space<vmem>> -> memref<1x80xi32, #tpu.memory_space<vmem>>
        %dma_start3A_329 = tpu.memref_squeeze %dma_start3A_328 : memref<1x80xi32, #tpu.memory_space<vmem>> -> memref<80xi32, #tpu.memory_space<vmem>>
        %dma_start3A_330 = arith.constant 0 : i32
        %dma_start3A_331 = arith.constant 0 : i32
        %dma_start3A_332 = tpu.memref_slice %arg2[%dma_start3A_330, %dma_start3A_331] : memref<10240x16xf32, #tpu.memory_space<hbm>> -> memref<10240x16xf32, #tpu.memory_space<hbm>>
        tpu.enqueue_indirect_dma source(%dma_start3A_332 : memref<10240x16xf32, #tpu.memory_space<hbm>>) target(%dma_start3A_326 : memref<80x16xf32, #tpu.memory_space<vmem>>) offsets(%dma_start3A_329 : memref<80xi32, #tpu.memory_space<vmem>>) semaphore(%arg10 : memref<!tpu.dma_semaphore, #tpu.memory_space<semaphore_mem>>)
      } else {
      }
      %mul3A_218 = arith.constant 5 : i32
      %mul3A_219 = arith.muli %scan3A_153, %mul3A_218 : i32
      %add3A_220 = arith.constant 2 : i32
      %add3A_221 = arith.addi %mul3A_219, %add3A_220 : i32
      %dma_wait3A_222 = arith.constant 2 : i32
      %dma_wait3A_223 = arith.constant 0 : i32
      %dma_wait3A_224 = arith.constant 0 : i32
      %dma_wait3A_225 = tpu.memref_slice %arg8[%dma_wait3A_222, %dma_wait3A_223, %dma_wait3A_224] : memref<5x80x16xf32, #tpu.memory_space<vmem>> -> memref<1x80x16xf32, #tpu.memory_space<vmem>>
      %dma_wait3A_226 = tpu.memref_squeeze %dma_wait3A_225 : memref<1x80x16xf32, #tpu.memory_space<vmem>> -> memref<80x16xf32, #tpu.memory_space<vmem>>
      %dma_wait3A_227 = arith.constant 0 : i32
      %dma_wait3A_228 = tpu.memref_slice %arg6[%add3A_221, %dma_wait3A_227] : memref<125x80xi32, #tpu.memory_space<vmem>> -> memref<1x80xi32, #tpu.memory_space<vmem>>
      %dma_wait3A_229 = tpu.memref_squeeze %dma_wait3A_228 : memref<1x80xi32, #tpu.memory_space<vmem>> -> memref<80xi32, #tpu.memory_space<vmem>>
      %dma_wait3A_230 = arith.constant 0 : i32
      %dma_wait3A_231 = arith.constant 0 : i32
      %dma_wait3A_232 = tpu.memref_slice %arg2[%dma_wait3A_230, %dma_wait3A_231] : memref<10240x16xf32, #tpu.memory_space<hbm>> -> memref<10240x16xf32, #tpu.memory_space<hbm>>
      tpu.wait_indirect_dma semaphore(%arg12 : memref<!tpu.dma_semaphore, #tpu.memory_space<semaphore_mem>>) src(%dma_wait3A_232 : memref<10240x16xf32, #tpu.memory_space<hbm>>) dst(%dma_wait3A_226 : memref<80x16xf32, #tpu.memory_space<vmem>>)
      %dma_start3A_233 = arith.constant 2 : i32
      %dma_start3A_234 = arith.constant 0 : i32
      %dma_start3A_235 = arith.constant 0 : i32
      %dma_start3A_236 = tpu.memref_slice %arg8[%dma_start3A_233, %dma_start3A_234, %dma_start3A_235] : memref<5x80x16xf32, #tpu.memory_space<vmem>> -> memref<1x80x16xf32, #tpu.memory_space<vmem>>
      %dma_start3A_237 = tpu.memref_squeeze %dma_start3A_236 : memref<1x80x16xf32, #tpu.memory_space<vmem>> -> memref<80x16xf32, #tpu.memory_space<vmem>>
      %dma_start3A_238 = arith.constant 0 : i32
      %dma_start3A_239 = tpu.memref_slice %arg7[%add3A_221, %dma_start3A_238] : memref<125x80xi32, #tpu.memory_space<vmem>> -> memref<1x80xi32, #tpu.memory_space<vmem>>
      %dma_start3A_240 = tpu.memref_squeeze %dma_start3A_239 : memref<1x80xi32, #tpu.memory_space<vmem>> -> memref<80xi32, #tpu.memory_space<vmem>>
      %dma_start3A_241 = arith.constant 0 : i32
      %dma_start3A_242 = arith.constant 0 : i32
      %dma_start3A_243 = tpu.memref_slice %arg9[%dma_start3A_241, %dma_start3A_242] : memref<10240x16xf32, #tpu.memory_space<vmem_shared>> -> memref<10240x16xf32, #tpu.memory_space<vmem_shared>>
      tpu.enqueue_indirect_dma source(%dma_start3A_237 : memref<80x16xf32, #tpu.memory_space<vmem>>) target(%dma_start3A_243 : memref<10240x16xf32, #tpu.memory_space<vmem_shared>>) offsets(%dma_start3A_240 : memref<80xi32, #tpu.memory_space<vmem>>) semaphore(%arg17 : memref<!tpu.dma_semaphore, #tpu.memory_space<semaphore_mem>>) {add = true}
      %add3A_244 = arith.constant 4 : i32
      %add3A_245 = arith.addi %add3A_221, %add3A_244 : i32
      %lt3A_246 = arith.constant 125 : i32
      %lt3A_247 = arith.cmpi slt, %add3A_245, %lt3A_246 : i32
      %convert_element_type3A_248 = arith.extui %lt3A_247 : i1 to i32
      %cond3A_249 = arith.constant 0 : i32
      %cond3A_250 = arith.cmpi ne, %convert_element_type3A_248, %cond3A_249 : i32
      scf.if %cond3A_250 {
        %ge3A = arith.constant 5 : i32
        %ge3A_318 = arith.cmpi sge, %add3A_245, %ge3A : i32
        %convert_element_type3A_319 = arith.extui %ge3A_318 : i1 to i32
        %cond3A_320 = arith.constant 0 : i32
        %cond3A_321 = arith.cmpi ne, %convert_element_type3A_319, %cond3A_320 : i32
        scf.if %cond3A_321 {
          %sub3A = arith.constant 5 : i32
          %sub3A_333 = arith.subi %add3A_245, %sub3A : i32
          %dma_wait3A_334 = arith.constant 1 : i32
          %dma_wait3A_335 = arith.constant 0 : i32
          %dma_wait3A_336 = arith.constant 0 : i32
          %dma_wait3A_337 = tpu.memref_slice %arg8[%dma_wait3A_334, %dma_wait3A_335, %dma_wait3A_336] : memref<5x80x16xf32, #tpu.memory_space<vmem>> -> memref<1x80x16xf32, #tpu.memory_space<vmem>>
          %dma_wait3A_338 = tpu.memref_squeeze %dma_wait3A_337 : memref<1x80x16xf32, #tpu.memory_space<vmem>> -> memref<80x16xf32, #tpu.memory_space<vmem>>
          %dma_wait3A_339 = arith.constant 0 : i32
          %dma_wait3A_340 = tpu.memref_slice %arg7[%sub3A_333, %dma_wait3A_339] : memref<125x80xi32, #tpu.memory_space<vmem>> -> memref<1x80xi32, #tpu.memory_space<vmem>>
          %dma_wait3A_341 = tpu.memref_squeeze %dma_wait3A_340 : memref<1x80xi32, #tpu.memory_space<vmem>> -> memref<80xi32, #tpu.memory_space<vmem>>
          %dma_wait3A_342 = arith.constant 0 : i32
          %dma_wait3A_343 = arith.constant 0 : i32
          %dma_wait3A_344 = tpu.memref_slice %arg9[%dma_wait3A_342, %dma_wait3A_343] : memref<10240x16xf32, #tpu.memory_space<vmem_shared>> -> memref<10240x16xf32, #tpu.memory_space<vmem_shared>>
          tpu.wait_indirect_dma semaphore(%arg16 : memref<!tpu.dma_semaphore, #tpu.memory_space<semaphore_mem>>) src(%dma_wait3A_338 : memref<80x16xf32, #tpu.memory_space<vmem>>) dst(%dma_wait3A_344 : memref<10240x16xf32, #tpu.memory_space<vmem_shared>>)
        } else {
        }
        %dma_start3A_322 = arith.constant 1 : i32
        %dma_start3A_323 = arith.constant 0 : i32
        %dma_start3A_324 = arith.constant 0 : i32
        %dma_start3A_325 = tpu.memref_slice %arg8[%dma_start3A_322, %dma_start3A_323, %dma_start3A_324] : memref<5x80x16xf32, #tpu.memory_space<vmem>> -> memref<1x80x16xf32, #tpu.memory_space<vmem>>
        %dma_start3A_326 = tpu.memref_squeeze %dma_start3A_325 : memref<1x80x16xf32, #tpu.memory_space<vmem>> -> memref<80x16xf32, #tpu.memory_space<vmem>>
        %dma_start3A_327 = arith.constant 0 : i32
        %dma_start3A_328 = tpu.memref_slice %arg6[%add3A_245, %dma_start3A_327] : memref<125x80xi32, #tpu.memory_space<vmem>> -> memref<1x80xi32, #tpu.memory_space<vmem>>
        %dma_start3A_329 = tpu.memref_squeeze %dma_start3A_328 : memref<1x80xi32, #tpu.memory_space<vmem>> -> memref<80xi32, #tpu.memory_space<vmem>>
        %dma_start3A_330 = arith.constant 0 : i32
        %dma_start3A_331 = arith.constant 0 : i32
        %dma_start3A_332 = tpu.memref_slice %arg2[%dma_start3A_330, %dma_start3A_331] : memref<10240x16xf32, #tpu.memory_space<hbm>> -> memref<10240x16xf32, #tpu.memory_space<hbm>>
        tpu.enqueue_indirect_dma source(%dma_start3A_332 : memref<10240x16xf32, #tpu.memory_space<hbm>>) target(%dma_start3A_326 : memref<80x16xf32, #tpu.memory_space<vmem>>) offsets(%dma_start3A_329 : memref<80xi32, #tpu.memory_space<vmem>>) semaphore(%arg11 : memref<!tpu.dma_semaphore, #tpu.memory_space<semaphore_mem>>)
      } else {
      }
      %mul3A_251 = arith.constant 5 : i32
      %mul3A_252 = arith.muli %scan3A_153, %mul3A_251 : i32
      %add3A_253 = arith.constant 3 : i32
      %add3A_254 = arith.addi %mul3A_252, %add3A_253 : i32
      %dma_wait3A_255 = arith.constant 3 : i32
      %dma_wait3A_256 = arith.constant 0 : i32
      %dma_wait3A_257 = arith.constant 0 : i32
      %dma_wait3A_258 = tpu.memref_slice %arg8[%dma_wait3A_255, %dma_wait3A_256, %dma_wait3A_257] : memref<5x80x16xf32, #tpu.memory_space<vmem>> -> memref<1x80x16xf32, #tpu.memory_space<vmem>>
      %dma_wait3A_259 = tpu.memref_squeeze %dma_wait3A_258 : memref<1x80x16xf32, #tpu.memory_space<vmem>> -> memref<80x16xf32, #tpu.memory_space<vmem>>
      %dma_wait3A_260 = arith.constant 0 : i32
      %dma_wait3A_261 = tpu.memref_slice %arg6[%add3A_254, %dma_wait3A_260] : memref<125x80xi32, #tpu.memory_space<vmem>> -> memref<1x80xi32, #tpu.memory_space<vmem>>
      %dma_wait3A_262 = tpu.memref_squeeze %dma_wait3A_261 : memref<1x80xi32, #tpu.memory_space<vmem>> -> memref<80xi32, #tpu.memory_space<vmem>>
      %dma_wait3A_263 = arith.constant 0 : i32
      %dma_wait3A_264 = arith.constant 0 : i32
      %dma_wait3A_265 = tpu.memref_slice %arg2[%dma_wait3A_263, %dma_wait3A_264] : memref<10240x16xf32, #tpu.memory_space<hbm>> -> memref<10240x16xf32, #tpu.memory_space<hbm>>
      tpu.wait_indirect_dma semaphore(%arg13 : memref<!tpu.dma_semaphore, #tpu.memory_space<semaphore_mem>>) src(%dma_wait3A_265 : memref<10240x16xf32, #tpu.memory_space<hbm>>) dst(%dma_wait3A_259 : memref<80x16xf32, #tpu.memory_space<vmem>>)
      %dma_start3A_266 = arith.constant 3 : i32
      %dma_start3A_267 = arith.constant 0 : i32
      %dma_start3A_268 = arith.constant 0 : i32
      %dma_start3A_269 = tpu.memref_slice %arg8[%dma_start3A_266, %dma_start3A_267, %dma_start3A_268] : memref<5x80x16xf32, #tpu.memory_space<vmem>> -> memref<1x80x16xf32, #tpu.memory_space<vmem>>
      %dma_start3A_270 = tpu.memref_squeeze %dma_start3A_269 : memref<1x80x16xf32, #tpu.memory_space<vmem>> -> memref<80x16xf32, #tpu.memory_space<vmem>>
      %dma_start3A_271 = arith.constant 0 : i32
      %dma_start3A_272 = tpu.memref_slice %arg7[%add3A_254, %dma_start3A_271] : memref<125x80xi32, #tpu.memory_space<vmem>> -> memref<1x80xi32, #tpu.memory_space<vmem>>
      %dma_start3A_273 = tpu.memref_squeeze %dma_start3A_272 : memref<1x80xi32, #tpu.memory_space<vmem>> -> memref<80xi32, #tpu.memory_space<vmem>>
      %dma_start3A_274 = arith.constant 0 : i32
      %dma_start3A_275 = arith.constant 0 : i32
      %dma_start3A_276 = tpu.memref_slice %arg9[%dma_start3A_274, %dma_start3A_275] : memref<10240x16xf32, #tpu.memory_space<vmem_shared>> -> memref<10240x16xf32, #tpu.memory_space<vmem_shared>>
      tpu.enqueue_indirect_dma source(%dma_start3A_270 : memref<80x16xf32, #tpu.memory_space<vmem>>) target(%dma_start3A_276 : memref<10240x16xf32, #tpu.memory_space<vmem_shared>>) offsets(%dma_start3A_273 : memref<80xi32, #tpu.memory_space<vmem>>) semaphore(%arg18 : memref<!tpu.dma_semaphore, #tpu.memory_space<semaphore_mem>>) {add = true}
      %add3A_277 = arith.constant 4 : i32
      %add3A_278 = arith.addi %add3A_254, %add3A_277 : i32
      %lt3A_279 = arith.constant 125 : i32
      %lt3A_280 = arith.cmpi slt, %add3A_278, %lt3A_279 : i32
      %convert_element_type3A_281 = arith.extui %lt3A_280 : i1 to i32
      %cond3A_282 = arith.constant 0 : i32
      %cond3A_283 = arith.cmpi ne, %convert_element_type3A_281, %cond3A_282 : i32
      scf.if %cond3A_283 {
        %ge3A = arith.constant 5 : i32
        %ge3A_318 = arith.cmpi sge, %add3A_278, %ge3A : i32
        %convert_element_type3A_319 = arith.extui %ge3A_318 : i1 to i32
        %cond3A_320 = arith.constant 0 : i32
        %cond3A_321 = arith.cmpi ne, %convert_element_type3A_319, %cond3A_320 : i32
        scf.if %cond3A_321 {
          %sub3A = arith.constant 5 : i32
          %sub3A_333 = arith.subi %add3A_278, %sub3A : i32
          %dma_wait3A_334 = arith.constant 2 : i32
          %dma_wait3A_335 = arith.constant 0 : i32
          %dma_wait3A_336 = arith.constant 0 : i32
          %dma_wait3A_337 = tpu.memref_slice %arg8[%dma_wait3A_334, %dma_wait3A_335, %dma_wait3A_336] : memref<5x80x16xf32, #tpu.memory_space<vmem>> -> memref<1x80x16xf32, #tpu.memory_space<vmem>>
          %dma_wait3A_338 = tpu.memref_squeeze %dma_wait3A_337 : memref<1x80x16xf32, #tpu.memory_space<vmem>> -> memref<80x16xf32, #tpu.memory_space<vmem>>
          %dma_wait3A_339 = arith.constant 0 : i32
          %dma_wait3A_340 = tpu.memref_slice %arg7[%sub3A_333, %dma_wait3A_339] : memref<125x80xi32, #tpu.memory_space<vmem>> -> memref<1x80xi32, #tpu.memory_space<vmem>>
          %dma_wait3A_341 = tpu.memref_squeeze %dma_wait3A_340 : memref<1x80xi32, #tpu.memory_space<vmem>> -> memref<80xi32, #tpu.memory_space<vmem>>
          %dma_wait3A_342 = arith.constant 0 : i32
          %dma_wait3A_343 = arith.constant 0 : i32
          %dma_wait3A_344 = tpu.memref_slice %arg9[%dma_wait3A_342, %dma_wait3A_343] : memref<10240x16xf32, #tpu.memory_space<vmem_shared>> -> memref<10240x16xf32, #tpu.memory_space<vmem_shared>>
          tpu.wait_indirect_dma semaphore(%arg17 : memref<!tpu.dma_semaphore, #tpu.memory_space<semaphore_mem>>) src(%dma_wait3A_338 : memref<80x16xf32, #tpu.memory_space<vmem>>) dst(%dma_wait3A_344 : memref<10240x16xf32, #tpu.memory_space<vmem_shared>>)
        } else {
        }
        %dma_start3A_322 = arith.constant 2 : i32
        %dma_start3A_323 = arith.constant 0 : i32
        %dma_start3A_324 = arith.constant 0 : i32
        %dma_start3A_325 = tpu.memref_slice %arg8[%dma_start3A_322, %dma_start3A_323, %dma_start3A_324] : memref<5x80x16xf32, #tpu.memory_space<vmem>> -> memref<1x80x16xf32, #tpu.memory_space<vmem>>
        %dma_start3A_326 = tpu.memref_squeeze %dma_start3A_325 : memref<1x80x16xf32, #tpu.memory_space<vmem>> -> memref<80x16xf32, #tpu.memory_space<vmem>>
        %dma_start3A_327 = arith.constant 0 : i32
        %dma_start3A_328 = tpu.memref_slice %arg6[%add3A_278, %dma_start3A_327] : memref<125x80xi32, #tpu.memory_space<vmem>> -> memref<1x80xi32, #tpu.memory_space<vmem>>
        %dma_start3A_329 = tpu.memref_squeeze %dma_start3A_328 : memref<1x80xi32, #tpu.memory_space<vmem>> -> memref<80xi32, #tpu.memory_space<vmem>>
        %dma_start3A_330 = arith.constant 0 : i32
        %dma_start3A_331 = arith.constant 0 : i32
        %dma_start3A_332 = tpu.memref_slice %arg2[%dma_start3A_330, %dma_start3A_331] : memref<10240x16xf32, #tpu.memory_space<hbm>> -> memref<10240x16xf32, #tpu.memory_space<hbm>>
        tpu.enqueue_indirect_dma source(%dma_start3A_332 : memref<10240x16xf32, #tpu.memory_space<hbm>>) target(%dma_start3A_326 : memref<80x16xf32, #tpu.memory_space<vmem>>) offsets(%dma_start3A_329 : memref<80xi32, #tpu.memory_space<vmem>>) semaphore(%arg12 : memref<!tpu.dma_semaphore, #tpu.memory_space<semaphore_mem>>)
      } else {
      }
      %mul3A_284 = arith.constant 5 : i32
      %mul3A_285 = arith.muli %scan3A_153, %mul3A_284 : i32
      %add3A_286 = arith.constant 4 : i32
      %add3A_287 = arith.addi %mul3A_285, %add3A_286 : i32
      %dma_wait3A_288 = arith.constant 4 : i32
      %dma_wait3A_289 = arith.constant 0 : i32
      %dma_wait3A_290 = arith.constant 0 : i32
      %dma_wait3A_291 = tpu.memref_slice %arg8[%dma_wait3A_288, %dma_wait3A_289, %dma_wait3A_290] : memref<5x80x16xf32, #tpu.memory_space<vmem>> -> memref<1x80x16xf32, #tpu.memory_space<vmem>>
      %dma_wait3A_292 = tpu.memref_squeeze %dma_wait3A_291 : memref<1x80x16xf32, #tpu.memory_space<vmem>> -> memref<80x16xf32, #tpu.memory_space<vmem>>
      %dma_wait3A_293 = arith.constant 0 : i32
      %dma_wait3A_294 = tpu.memref_slice %arg6[%add3A_287, %dma_wait3A_293] : memref<125x80xi32, #tpu.memory_space<vmem>> -> memref<1x80xi32, #tpu.memory_space<vmem>>
      %dma_wait3A_295 = tpu.memref_squeeze %dma_wait3A_294 : memref<1x80xi32, #tpu.memory_space<vmem>> -> memref<80xi32, #tpu.memory_space<vmem>>
      %dma_wait3A_296 = arith.constant 0 : i32
      %dma_wait3A_297 = arith.constant 0 : i32
      %dma_wait3A_298 = tpu.memref_slice %arg2[%dma_wait3A_296, %dma_wait3A_297] : memref<10240x16xf32, #tpu.memory_space<hbm>> -> memref<10240x16xf32, #tpu.memory_space<hbm>>
      tpu.wait_indirect_dma semaphore(%arg14 : memref<!tpu.dma_semaphore, #tpu.memory_space<semaphore_mem>>) src(%dma_wait3A_298 : memref<10240x16xf32, #tpu.memory_space<hbm>>) dst(%dma_wait3A_292 : memref<80x16xf32, #tpu.memory_space<vmem>>)
      %dma_start3A_299 = arith.constant 4 : i32
      %dma_start3A_300 = arith.constant 0 : i32
      %dma_start3A_301 = arith.constant 0 : i32
      %dma_start3A_302 = tpu.memref_slice %arg8[%dma_start3A_299, %dma_start3A_300, %dma_start3A_301] : memref<5x80x16xf32, #tpu.memory_space<vmem>> -> memref<1x80x16xf32, #tpu.memory_space<vmem>>
      %dma_start3A_303 = tpu.memref_squeeze %dma_start3A_302 : memref<1x80x16xf32, #tpu.memory_space<vmem>> -> memref<80x16xf32, #tpu.memory_space<vmem>>
      %dma_start3A_304 = arith.constant 0 : i32
      %dma_start3A_305 = tpu.memref_slice %arg7[%add3A_287, %dma_start3A_304] : memref<125x80xi32, #tpu.memory_space<vmem>> -> memref<1x80xi32, #tpu.memory_space<vmem>>
      %dma_start3A_306 = tpu.memref_squeeze %dma_start3A_305 : memref<1x80xi32, #tpu.memory_space<vmem>> -> memref<80xi32, #tpu.memory_space<vmem>>
      %dma_start3A_307 = arith.constant 0 : i32
      %dma_start3A_308 = arith.constant 0 : i32
      %dma_start3A_309 = tpu.memref_slice %arg9[%dma_start3A_307, %dma_start3A_308] : memref<10240x16xf32, #tpu.memory_space<vmem_shared>> -> memref<10240x16xf32, #tpu.memory_space<vmem_shared>>
      tpu.enqueue_indirect_dma source(%dma_start3A_303 : memref<80x16xf32, #tpu.memory_space<vmem>>) target(%dma_start3A_309 : memref<10240x16xf32, #tpu.memory_space<vmem_shared>>) offsets(%dma_start3A_306 : memref<80xi32, #tpu.memory_space<vmem>>) semaphore(%arg19 : memref<!tpu.dma_semaphore, #tpu.memory_space<semaphore_mem>>) {add = true}
      %add3A_310 = arith.constant 4 : i32
      %add3A_311 = arith.addi %add3A_287, %add3A_310 : i32
      %lt3A_312 = arith.constant 125 : i32
      %lt3A_313 = arith.cmpi slt, %add3A_311, %lt3A_312 : i32
      %convert_element_type3A_314 = arith.extui %lt3A_313 : i1 to i32
      %cond3A_315 = arith.constant 0 : i32
      %cond3A_316 = arith.cmpi ne, %convert_element_type3A_314, %cond3A_315 : i32
      scf.if %cond3A_316 {
        %ge3A = arith.constant 5 : i32
        %ge3A_318 = arith.cmpi sge, %add3A_311, %ge3A : i32
        %convert_element_type3A_319 = arith.extui %ge3A_318 : i1 to i32
        %cond3A_320 = arith.constant 0 : i32
        %cond3A_321 = arith.cmpi ne, %convert_element_type3A_319, %cond3A_320 : i32
        scf.if %cond3A_321 {
          %sub3A = arith.constant 5 : i32
          %sub3A_333 = arith.subi %add3A_311, %sub3A : i32
          %dma_wait3A_334 = arith.constant 3 : i32
          %dma_wait3A_335 = arith.constant 0 : i32
          %dma_wait3A_336 = arith.constant 0 : i32
          %dma_wait3A_337 = tpu.memref_slice %arg8[%dma_wait3A_334, %dma_wait3A_335, %dma_wait3A_336] : memref<5x80x16xf32, #tpu.memory_space<vmem>> -> memref<1x80x16xf32, #tpu.memory_space<vmem>>
          %dma_wait3A_338 = tpu.memref_squeeze %dma_wait3A_337 : memref<1x80x16xf32, #tpu.memory_space<vmem>> -> memref<80x16xf32, #tpu.memory_space<vmem>>
          %dma_wait3A_339 = arith.constant 0 : i32
          %dma_wait3A_340 = tpu.memref_slice %arg7[%sub3A_333, %dma_wait3A_339] : memref<125x80xi32, #tpu.memory_space<vmem>> -> memref<1x80xi32, #tpu.memory_space<vmem>>
          %dma_wait3A_341 = tpu.memref_squeeze %dma_wait3A_340 : memref<1x80xi32, #tpu.memory_space<vmem>> -> memref<80xi32, #tpu.memory_space<vmem>>
          %dma_wait3A_342 = arith.constant 0 : i32
          %dma_wait3A_343 = arith.constant 0 : i32
          %dma_wait3A_344 = tpu.memref_slice %arg9[%dma_wait3A_342, %dma_wait3A_343] : memref<10240x16xf32, #tpu.memory_space<vmem_shared>> -> memref<10240x16xf32, #tpu.memory_space<vmem_shared>>
          tpu.wait_indirect_dma semaphore(%arg18 : memref<!tpu.dma_semaphore, #tpu.memory_space<semaphore_mem>>) src(%dma_wait3A_338 : memref<80x16xf32, #tpu.memory_space<vmem>>) dst(%dma_wait3A_344 : memref<10240x16xf32, #tpu.memory_space<vmem_shared>>)
        } else {
        }
        %dma_start3A_322 = arith.constant 3 : i32
        %dma_start3A_323 = arith.constant 0 : i32
        %dma_start3A_324 = arith.constant 0 : i32
        %dma_start3A_325 = tpu.memref_slice %arg8[%dma_start3A_322, %dma_start3A_323, %dma_start3A_324] : memref<5x80x16xf32, #tpu.memory_space<vmem>> -> memref<1x80x16xf32, #tpu.memory_space<vmem>>
        %dma_start3A_326 = tpu.memref_squeeze %dma_start3A_325 : memref<1x80x16xf32, #tpu.memory_space<vmem>> -> memref<80x16xf32, #tpu.memory_space<vmem>>
        %dma_start3A_327 = arith.constant 0 : i32
        %dma_start3A_328 = tpu.memref_slice %arg6[%add3A_311, %dma_start3A_327] : memref<125x80xi32, #tpu.memory_space<vmem>> -> memref<1x80xi32, #tpu.memory_space<vmem>>
        %dma_start3A_329 = tpu.memref_squeeze %dma_start3A_328 : memref<1x80xi32, #tpu.memory_space<vmem>> -> memref<80xi32, #tpu.memory_space<vmem>>
        %dma_start3A_330 = arith.constant 0 : i32
        %dma_start3A_331 = arith.constant 0 : i32
        %dma_start3A_332 = tpu.memref_slice %arg2[%dma_start3A_330, %dma_start3A_331] : memref<10240x16xf32, #tpu.memory_space<hbm>> -> memref<10240x16xf32, #tpu.memory_space<hbm>>
        tpu.enqueue_indirect_dma source(%dma_start3A_332 : memref<10240x16xf32, #tpu.memory_space<hbm>>) target(%dma_start3A_326 : memref<80x16xf32, #tpu.memory_space<vmem>>) offsets(%dma_start3A_329 : memref<80xi32, #tpu.memory_space<vmem>>) semaphore(%arg13 : memref<!tpu.dma_semaphore, #tpu.memory_space<semaphore_mem>>)
      } else {
      }
      %scan3A_317 = arith.constant 0 : i32
      scf.yield %scan3A_317 : i32
    }
    %scan3A_89 = arith.constant 25 : i32
    %dma_wait3A = arith.constant 0 : i32
    %dma_wait3A_90 = arith.constant 120 : i32
    %dma_wait3A_91 = arith.constant 0 : i32
    %dma_wait3A_92 = arith.constant 0 : i32
    %dma_wait3A_93 = tpu.memref_slice %arg8[%dma_wait3A, %dma_wait3A_91, %dma_wait3A_92] : memref<5x80x16xf32, #tpu.memory_space<vmem>> -> memref<1x80x16xf32, #tpu.memory_space<vmem>>
    %dma_wait3A_94 = tpu.memref_squeeze %dma_wait3A_93 : memref<1x80x16xf32, #tpu.memory_space<vmem>> -> memref<80x16xf32, #tpu.memory_space<vmem>>
    %dma_wait3A_95 = arith.constant 0 : i32
    %dma_wait3A_96 = tpu.memref_slice %arg7[%dma_wait3A_90, %dma_wait3A_95] : memref<125x80xi32, #tpu.memory_space<vmem>> -> memref<1x80xi32, #tpu.memory_space<vmem>>
    %dma_wait3A_97 = tpu.memref_squeeze %dma_wait3A_96 : memref<1x80xi32, #tpu.memory_space<vmem>> -> memref<80xi32, #tpu.memory_space<vmem>>
    %dma_wait3A_98 = arith.constant 0 : i32
    %dma_wait3A_99 = arith.constant 0 : i32
    %dma_wait3A_100 = tpu.memref_slice %arg9[%dma_wait3A_98, %dma_wait3A_99] : memref<10240x16xf32, #tpu.memory_space<vmem_shared>> -> memref<10240x16xf32, #tpu.memory_space<vmem_shared>>
    tpu.wait_indirect_dma semaphore(%arg15 : memref<!tpu.dma_semaphore, #tpu.memory_space<semaphore_mem>>) src(%dma_wait3A_94 : memref<80x16xf32, #tpu.memory_space<vmem>>) dst(%dma_wait3A_100 : memref<10240x16xf32, #tpu.memory_space<vmem_shared>>)
    %dma_wait3A_101 = arith.constant 1 : i32
    %dma_wait3A_102 = arith.constant 121 : i32
    %dma_wait3A_103 = arith.constant 0 : i32
    %dma_wait3A_104 = arith.constant 0 : i32
    %dma_wait3A_105 = tpu.memref_slice %arg8[%dma_wait3A_101, %dma_wait3A_103, %dma_wait3A_104] : memref<5x80x16xf32, #tpu.memory_space<vmem>> -> memref<1x80x16xf32, #tpu.memory_space<vmem>>
    %dma_wait3A_106 = tpu.memref_squeeze %dma_wait3A_105 : memref<1x80x16xf32, #tpu.memory_space<vmem>> -> memref<80x16xf32, #tpu.memory_space<vmem>>
    %dma_wait3A_107 = arith.constant 0 : i32
    %dma_wait3A_108 = tpu.memref_slice %arg7[%dma_wait3A_102, %dma_wait3A_107] : memref<125x80xi32, #tpu.memory_space<vmem>> -> memref<1x80xi32, #tpu.memory_space<vmem>>
    %dma_wait3A_109 = tpu.memref_squeeze %dma_wait3A_108 : memref<1x80xi32, #tpu.memory_space<vmem>> -> memref<80xi32, #tpu.memory_space<vmem>>
    %dma_wait3A_110 = arith.constant 0 : i32
    %dma_wait3A_111 = arith.constant 0 : i32
    %dma_wait3A_112 = tpu.memref_slice %arg9[%dma_wait3A_110, %dma_wait3A_111] : memref<10240x16xf32, #tpu.memory_space<vmem_shared>> -> memref<10240x16xf32, #tpu.memory_space<vmem_shared>>
    tpu.wait_indirect_dma semaphore(%arg16 : memref<!tpu.dma_semaphore, #tpu.memory_space<semaphore_mem>>) src(%dma_wait3A_106 : memref<80x16xf32, #tpu.memory_space<vmem>>) dst(%dma_wait3A_112 : memref<10240x16xf32, #tpu.memory_space<vmem_shared>>)
    %dma_wait3A_113 = arith.constant 2 : i32
    %dma_wait3A_114 = arith.constant 122 : i32
    %dma_wait3A_115 = arith.constant 0 : i32
    %dma_wait3A_116 = arith.constant 0 : i32
    %dma_wait3A_117 = tpu.memref_slice %arg8[%dma_wait3A_113, %dma_wait3A_115, %dma_wait3A_116] : memref<5x80x16xf32, #tpu.memory_space<vmem>> -> memref<1x80x16xf32, #tpu.memory_space<vmem>>
    %dma_wait3A_118 = tpu.memref_squeeze %dma_wait3A_117 : memref<1x80x16xf32, #tpu.memory_space<vmem>> -> memref<80x16xf32, #tpu.memory_space<vmem>>
    %dma_wait3A_119 = arith.constant 0 : i32
    %dma_wait3A_120 = tpu.memref_slice %arg7[%dma_wait3A_114, %dma_wait3A_119] : memref<125x80xi32, #tpu.memory_space<vmem>> -> memref<1x80xi32, #tpu.memory_space<vmem>>
    %dma_wait3A_121 = tpu.memref_squeeze %dma_wait3A_120 : memref<1x80xi32, #tpu.memory_space<vmem>> -> memref<80xi32, #tpu.memory_space<vmem>>
    %dma_wait3A_122 = arith.constant 0 : i32
    %dma_wait3A_123 = arith.constant 0 : i32
    %dma_wait3A_124 = tpu.memref_slice %arg9[%dma_wait3A_122, %dma_wait3A_123] : memref<10240x16xf32, #tpu.memory_space<vmem_shared>> -> memref<10240x16xf32, #tpu.memory_space<vmem_shared>>
    tpu.wait_indirect_dma semaphore(%arg17 : memref<!tpu.dma_semaphore, #tpu.memory_space<semaphore_mem>>) src(%dma_wait3A_118 : memref<80x16xf32, #tpu.memory_space<vmem>>) dst(%dma_wait3A_124 : memref<10240x16xf32, #tpu.memory_space<vmem_shared>>)
    %dma_wait3A_125 = arith.constant 3 : i32
    %dma_wait3A_126 = arith.constant 123 : i32
    %dma_wait3A_127 = arith.constant 0 : i32
    %dma_wait3A_128 = arith.constant 0 : i32
    %dma_wait3A_129 = tpu.memref_slice %arg8[%dma_wait3A_125, %dma_wait3A_127, %dma_wait3A_128] : memref<5x80x16xf32, #tpu.memory_space<vmem>> -> memref<1x80x16xf32, #tpu.memory_space<vmem>>
    %dma_wait3A_130 = tpu.memref_squeeze %dma_wait3A_129 : memref<1x80x16xf32, #tpu.memory_space<vmem>> -> memref<80x16xf32, #tpu.memory_space<vmem>>
    %dma_wait3A_131 = arith.constant 0 : i32
    %dma_wait3A_132 = tpu.memref_slice %arg7[%dma_wait3A_126, %dma_wait3A_131] : memref<125x80xi32, #tpu.memory_space<vmem>> -> memref<1x80xi32, #tpu.memory_space<vmem>>
    %dma_wait3A_133 = tpu.memref_squeeze %dma_wait3A_132 : memref<1x80xi32, #tpu.memory_space<vmem>> -> memref<80xi32, #tpu.memory_space<vmem>>
    %dma_wait3A_134 = arith.constant 0 : i32
    %dma_wait3A_135 = arith.constant 0 : i32
    %dma_wait3A_136 = tpu.memref_slice %arg9[%dma_wait3A_134, %dma_wait3A_135] : memref<10240x16xf32, #tpu.memory_space<vmem_shared>> -> memref<10240x16xf32, #tpu.memory_space<vmem_shared>>
    tpu.wait_indirect_dma semaphore(%arg18 : memref<!tpu.dma_semaphore, #tpu.memory_space<semaphore_mem>>) src(%dma_wait3A_130 : memref<80x16xf32, #tpu.memory_space<vmem>>) dst(%dma_wait3A_136 : memref<10240x16xf32, #tpu.memory_space<vmem_shared>>)
    %dma_wait3A_137 = arith.constant 4 : i32
    %dma_wait3A_138 = arith.constant 124 : i32
    %dma_wait3A_139 = arith.constant 0 : i32
    %dma_wait3A_140 = arith.constant 0 : i32
    %dma_wait3A_141 = tpu.memref_slice %arg8[%dma_wait3A_137, %dma_wait3A_139, %dma_wait3A_140] : memref<5x80x16xf32, #tpu.memory_space<vmem>> -> memref<1x80x16xf32, #tpu.memory_space<vmem>>
    %dma_wait3A_142 = tpu.memref_squeeze %dma_wait3A_141 : memref<1x80x16xf32, #tpu.memory_space<vmem>> -> memref<80x16xf32, #tpu.memory_space<vmem>>
    %dma_wait3A_143 = arith.constant 0 : i32
    %dma_wait3A_144 = tpu.memref_slice %arg7[%dma_wait3A_138, %dma_wait3A_143] : memref<125x80xi32, #tpu.memory_space<vmem>> -> memref<1x80xi32, #tpu.memory_space<vmem>>
    %dma_wait3A_145 = tpu.memref_squeeze %dma_wait3A_144 : memref<1x80xi32, #tpu.memory_space<vmem>> -> memref<80xi32, #tpu.memory_space<vmem>>
    %dma_wait3A_146 = arith.constant 0 : i32
    %dma_wait3A_147 = arith.constant 0 : i32
    %dma_wait3A_148 = tpu.memref_slice %arg9[%dma_wait3A_146, %dma_wait3A_147] : memref<10240x16xf32, #tpu.memory_space<vmem_shared>> -> memref<10240x16xf32, #tpu.memory_space<vmem_shared>>
    tpu.wait_indirect_dma semaphore(%arg19 : memref<!tpu.dma_semaphore, #tpu.memory_space<semaphore_mem>>) src(%dma_wait3A_142 : memref<80x16xf32, #tpu.memory_space<vmem>>) dst(%dma_wait3A_148 : memref<10240x16xf32, #tpu.memory_space<vmem_shared>>)
    %barrier3A_149 = arith.constant 0 : index
    tpu.barrier barrier_id(%barrier3A_149)
    %mul3A_150 = arith.constant 10240 : i32
    %mul3A_151 = arith.muli %arg0, %mul3A_150 : i32
    %add3A_152 = arith.addi %mul3A_151, %mul3A_2 : i32
    "tpu.region"() ({
      %run_scoped3A_153 = tpu.sem_alloc : memref<!tpu.dma_semaphore, #tpu.memory_space<semaphore_mem>>
      %dma_start3A_154 = arith.constant 0 : i32
      %dma_start3A_155 = tpu.memref_slice %arg5[%add3A_152, %dma_start3A_154] : memref<20480x16xf32, #tpu.memory_space<hbm>> -> memref<640x16xf32, #tpu.memory_space<hbm>>
      %dma_start3A_156 = arith.constant 0 : i32
      %dma_start3A_157 = tpu.memref_slice %arg9[%mul3A_2, %dma_start3A_156] : memref<10240x16xf32, #tpu.memory_space<vmem_shared>> -> memref<640x16xf32, #tpu.memory_space<vmem_shared>>
      tpu.enqueue_dma source(%dma_start3A_157 : memref<640x16xf32, #tpu.memory_space<vmem_shared>>) target(%dma_start3A_155 : memref<640x16xf32, #tpu.memory_space<hbm>>) target_semaphore(%run_scoped3A_153 : memref<!tpu.dma_semaphore, #tpu.memory_space<semaphore_mem>>)
      %dma_wait3A_158 = arith.constant 0 : i32
      %dma_wait3A_159 = tpu.memref_slice %arg5[%add3A_152, %dma_wait3A_158] : memref<20480x16xf32, #tpu.memory_space<hbm>> -> memref<640x16xf32, #tpu.memory_space<hbm>>
      %dma_wait3A_160 = arith.constant 0 : i32
      %dma_wait3A_161 = tpu.memref_slice %arg9[%mul3A_2, %dma_wait3A_160] : memref<10240x16xf32, #tpu.memory_space<vmem_shared>> -> memref<640x16xf32, #tpu.memory_space<vmem_shared>>
      tpu.wait_dma2 semaphore(%run_scoped3A_153 : memref<!tpu.dma_semaphore, #tpu.memory_space<semaphore_mem>>) src(%dma_wait3A_161 : memref<640x16xf32, #tpu.memory_space<vmem_shared>>) dst(%dma_wait3A_159 : memref<640x16xf32, #tpu.memory_space<hbm>>)
      tpu.yield
    }) : () -> ()
    return
  }
}

#map = affine_map<(d0, d1) -> (0, 0)>
module attributes {stable_mosaic.version = 14 : i64} {
  func.func @k(%arg0: i32, %arg1: i32, %arg2: memref<20480x64xf32, #tpu.memory_space<hbm>>, %arg3: memref<4000x80xi32, #tpu.memory_space<hbm>>, %arg4: memref<4000x80xi32, #tpu.memory_space<hbm>>, %arg5: memref<20480x64xf32, #tpu.memory_space<hbm>>, %arg6: memref<10240x16xf32, #tpu.memory_space<hbm>>, %arg7: memref<250x80xi32, #tpu.memory_space<vmem>>, %arg8: memref<250x80xi32, #tpu.memory_space<vmem>>, %arg9: memref<5x80x64xf32, #tpu.memory_space<vmem>>, %arg10: memref<80x16xf32, #tpu.memory_space<vmem>>, %arg11: memref<10240x64xf32, #tpu.memory_space<vmem_shared>>, %arg12: memref<10240x16xf32, #tpu.memory_space<vmem_shared>>, %arg13: memref<!tpu.dma_semaphore, #tpu.memory_space<semaphore_mem>>, %arg14: memref<!tpu.dma_semaphore, #tpu.memory_space<semaphore_mem>>, %arg15: memref<!tpu.dma_semaphore, #tpu.memory_space<semaphore_mem>>, %arg16: memref<!tpu.dma_semaphore, #tpu.memory_space<semaphore_mem>>, %arg17: memref<!tpu.dma_semaphore, #tpu.memory_space<semaphore_mem>>, %arg18: memref<!tpu.dma_semaphore, #tpu.memory_space<semaphore_mem>>, %arg19: memref<!tpu.dma_semaphore, #tpu.memory_space<semaphore_mem>>, %arg20: memref<!tpu.dma_semaphore, #tpu.memory_space<semaphore_mem>>, %arg21: memref<!tpu.dma_semaphore, #tpu.memory_space<semaphore_mem>>, %arg22: memref<!tpu.dma_semaphore, #tpu.memory_space<semaphore_mem>>, %arg23: memref<!tpu.dma_semaphore, #tpu.memory_space<semaphore_mem>>, %arg24: memref<!tpu.dma_semaphore, #tpu.memory_space<semaphore_mem>>, %arg25: memref<!tpu.dma_semaphore, #tpu.memory_space<semaphore_mem>>, %arg26: memref<!tpu.dma_semaphore, #tpu.memory_space<semaphore_mem>>, %arg27: memref<!tpu.dma_semaphore, #tpu.memory_space<semaphore_mem>>) attributes {dimension_semantics = [#tpu.dimension_semantics<core_parallel>, #tpu.dimension_semantics<subcore_parallel>], iteration_bounds = array<i64: 2, 16>, scalar_prefetch = 0 : i64, scratch_operands = 21 : i64, tpu.core_type = #tpu.core_type<sc_vector_subcore>, window_params = [{transform_indices = #map}, {transform_indices = #map}, {transform_indices = #map}, {transform_indices = #map}, {transform_indices = #map}]} {
    %mul3A = arith.constant 640 : i32
    %mul3A_0 = arith.muli %arg1, %mul3A : i32
    %mul3A_1 = arith.constant 10240 : i32
    %mul3A_2 = arith.muli %arg0, %mul3A_1 : i32
    %mul3A_3 = arith.constant 250 : i32
    %mul3A_4 = arith.muli %arg1, %mul3A_3 : i32
    "tpu.region"() ({
      %run_scoped3A_205 = tpu.sem_alloc : memref<!tpu.dma_semaphore, #tpu.memory_space<semaphore_mem>>
      %dma_start3A_206 = arith.constant 0 : i32
      %dma_start3A_207 = tpu.memref_slice %arg3[%mul3A_4, %dma_start3A_206] : memref<4000x80xi32, #tpu.memory_space<hbm>> -> memref<250x80xi32, #tpu.memory_space<hbm>>
      %dma_start3A_208 = arith.constant 0 : i32
      %dma_start3A_209 = tpu.memref_slice %arg3[%mul3A_4, %dma_start3A_208] : memref<4000x80xi32, #tpu.memory_space<hbm>> -> memref<250x80xi32, #tpu.memory_space<hbm>>
      tpu.enqueue_dma source(%dma_start3A_209 : memref<250x80xi32, #tpu.memory_space<hbm>>) target(%arg7 : memref<250x80xi32, #tpu.memory_space<vmem>>) target_semaphore(%run_scoped3A_205 : memref<!tpu.dma_semaphore, #tpu.memory_space<semaphore_mem>>)
      %dma_wait3A_210 = arith.constant 0 : i32
      %dma_wait3A_211 = tpu.memref_slice %arg3[%mul3A_4, %dma_wait3A_210] : memref<4000x80xi32, #tpu.memory_space<hbm>> -> memref<250x80xi32, #tpu.memory_space<hbm>>
      %dma_wait3A_212 = arith.constant 0 : i32
      %dma_wait3A_213 = tpu.memref_slice %arg3[%mul3A_4, %dma_wait3A_212] : memref<4000x80xi32, #tpu.memory_space<hbm>> -> memref<250x80xi32, #tpu.memory_space<hbm>>
      tpu.wait_dma2 semaphore(%run_scoped3A_205 : memref<!tpu.dma_semaphore, #tpu.memory_space<semaphore_mem>>) src(%dma_wait3A_213 : memref<250x80xi32, #tpu.memory_space<hbm>>) dst(%arg7 : memref<250x80xi32, #tpu.memory_space<vmem>>)
      tpu.yield
    }) : () -> ()
    %mul3A_5 = arith.constant 250 : i32
    %mul3A_6 = arith.muli %arg1, %mul3A_5 : i32
    "tpu.region"() ({
      %run_scoped3A_205 = tpu.sem_alloc : memref<!tpu.dma_semaphore, #tpu.memory_space<semaphore_mem>>
      %dma_start3A_206 = arith.constant 0 : i32
      %dma_start3A_207 = tpu.memref_slice %arg4[%mul3A_6, %dma_start3A_206] : memref<4000x80xi32, #tpu.memory_space<hbm>> -> memref<250x80xi32, #tpu.memory_space<hbm>>
      %dma_start3A_208 = arith.constant 0 : i32
      %dma_start3A_209 = tpu.memref_slice %arg4[%mul3A_6, %dma_start3A_208] : memref<4000x80xi32, #tpu.memory_space<hbm>> -> memref<250x80xi32, #tpu.memory_space<hbm>>
      tpu.enqueue_dma source(%dma_start3A_209 : memref<250x80xi32, #tpu.memory_space<hbm>>) target(%arg8 : memref<250x80xi32, #tpu.memory_space<vmem>>) target_semaphore(%run_scoped3A_205 : memref<!tpu.dma_semaphore, #tpu.memory_space<semaphore_mem>>)
      %dma_wait3A_210 = arith.constant 0 : i32
      %dma_wait3A_211 = tpu.memref_slice %arg4[%mul3A_6, %dma_wait3A_210] : memref<4000x80xi32, #tpu.memory_space<hbm>> -> memref<250x80xi32, #tpu.memory_space<hbm>>
      %dma_wait3A_212 = arith.constant 0 : i32
      %dma_wait3A_213 = tpu.memref_slice %arg4[%mul3A_6, %dma_wait3A_212] : memref<4000x80xi32, #tpu.memory_space<hbm>> -> memref<250x80xi32, #tpu.memory_space<hbm>>
      tpu.wait_dma2 semaphore(%run_scoped3A_205 : memref<!tpu.dma_semaphore, #tpu.memory_space<semaphore_mem>>) src(%dma_wait3A_213 : memref<250x80xi32, #tpu.memory_space<hbm>>) dst(%arg8 : memref<250x80xi32, #tpu.memory_space<vmem>>)
      tpu.yield
    }) : () -> ()
    %eq3A = arith.constant 1 : i32
    %eq3A_7 = arith.cmpi eq, %arg0, %eq3A : i32
    %convert_element_type3A = arith.extui %eq3A_7 : i1 to i32
    %cond3A = arith.constant 0 : i32
    %cond3A_8 = arith.cmpi ne, %convert_element_type3A, %cond3A : i32
    scf.if %cond3A_8 {
      %scan3A_205 = arith.constant 0 : i32
      %scan3A_206 = arith.constant 0 : i32
      %scan3A_207 = arith.constant 250 : i32
      %scan3A_208 = arith.addi %scan3A_206, %scan3A_207 : i32
      %scan3A_209 = arith.constant 1 : i32
      %scan3A_210 = scf.for %scan3A_212 = %scan3A_206 to %scan3A_208 step %scan3A_209 iter_args(%scan3A_213 = %scan3A_205) -> (i32)  : i32 {
        %get3A = arith.index_cast %scan3A_212 : i32 to index
        %get3A_214 = arith.constant 0 : index
        %get3A_215 = tpu.vector_load %arg7[%get3A, %get3A_214] {strides = array<i32>} : memref<250x80xi32, #tpu.memory_space<vmem>>, vector<1x16xi32>,
        %get3A_216 = vector.shape_cast %get3A_215 : vector<1x16xi32> to vector<16xi32>
        %add3A_217 = arith.constant 10240 : i32
        %add3A_218 = vector.broadcast %add3A_217 : i32 to vector<16xi32>
        %add3A_219 = arith.addi %get3A_216, %add3A_218 : vector<16xi32>
        %swap3A = arith.index_cast %scan3A_212 : i32 to index
        %swap3A_220 = arith.constant 0 : index
        %swap3A_221 = tpu.vector_load %arg7[%swap3A, %swap3A_220] {strides = array<i32>} : memref<250x80xi32, #tpu.memory_space<vmem>>, vector<1x16xi32>,
        %swap3A_222 = vector.shape_cast %swap3A_221 : vector<1x16xi32> to vector<16xi32>
        %swap3A_223 = vector.shape_cast %add3A_219 : vector<16xi32> to vector<1x16xi32>
        tpu.vector_store %arg7[%swap3A, %swap3A_220], %swap3A_223 {strides = array<i32>} : memref<250x80xi32, #tpu.memory_space<vmem>>, vector<1x16xi32>,
        %get3A_224 = arith.index_cast %scan3A_212 : i32 to index
        %get3A_225 = arith.constant 16 : index
        %get3A_226 = tpu.vector_load %arg7[%get3A_224, %get3A_225] {strides = array<i32>} : memref<250x80xi32, #tpu.memory_space<vmem>>, vector<1x16xi32>,
        %get3A_227 = vector.shape_cast %get3A_226 : vector<1x16xi32> to vector<16xi32>
        %add3A_228 = arith.constant 10240 : i32
        %add3A_229 = vector.broadcast %add3A_228 : i32 to vector<16xi32>
        %add3A_230 = arith.addi %get3A_227, %add3A_229 : vector<16xi32>
        %swap3A_231 = arith.index_cast %scan3A_212 : i32 to index
        %swap3A_232 = arith.constant 16 : index
        %swap3A_233 = tpu.vector_load %arg7[%swap3A_231, %swap3A_232] {strides = array<i32>} : memref<250x80xi32, #tpu.memory_space<vmem>>, vector<1x16xi32>,
        %swap3A_234 = vector.shape_cast %swap3A_233 : vector<1x16xi32> to vector<16xi32>
        %swap3A_235 = vector.shape_cast %add3A_230 : vector<16xi32> to vector<1x16xi32>
        tpu.vector_store %arg7[%swap3A_231, %swap3A_232], %swap3A_235 {strides = array<i32>} : memref<250x80xi32, #tpu.memory_space<vmem>>, vector<1x16xi32>,
        %get3A_236 = arith.index_cast %scan3A_212 : i32 to index
        %get3A_237 = arith.constant 32 : index
        %get3A_238 = tpu.vector_load %arg7[%get3A_236, %get3A_237] {strides = array<i32>} : memref<250x80xi32, #tpu.memory_space<vmem>>, vector<1x16xi32>,
        %get3A_239 = vector.shape_cast %get3A_238 : vector<1x16xi32> to vector<16xi32>
        %add3A_240 = arith.constant 10240 : i32
        %add3A_241 = vector.broadcast %add3A_240 : i32 to vector<16xi32>
        %add3A_242 = arith.addi %get3A_239, %add3A_241 : vector<16xi32>
        %swap3A_243 = arith.index_cast %scan3A_212 : i32 to index
        %swap3A_244 = arith.constant 32 : index
        %swap3A_245 = tpu.vector_load %arg7[%swap3A_243, %swap3A_244] {strides = array<i32>} : memref<250x80xi32, #tpu.memory_space<vmem>>, vector<1x16xi32>,
        %swap3A_246 = vector.shape_cast %swap3A_245 : vector<1x16xi32> to vector<16xi32>
        %swap3A_247 = vector.shape_cast %add3A_242 : vector<16xi32> to vector<1x16xi32>
        tpu.vector_store %arg7[%swap3A_243, %swap3A_244], %swap3A_247 {strides = array<i32>} : memref<250x80xi32, #tpu.memory_space<vmem>>, vector<1x16xi32>,
        %get3A_248 = arith.index_cast %scan3A_212 : i32 to index
        %get3A_249 = arith.constant 48 : index
        %get3A_250 = tpu.vector_load %arg7[%get3A_248, %get3A_249] {strides = array<i32>} : memref<250x80xi32, #tpu.memory_space<vmem>>, vector<1x16xi32>,
        %get3A_251 = vector.shape_cast %get3A_250 : vector<1x16xi32> to vector<16xi32>
        %add3A_252 = arith.constant 10240 : i32
        %add3A_253 = vector.broadcast %add3A_252 : i32 to vector<16xi32>
        %add3A_254 = arith.addi %get3A_251, %add3A_253 : vector<16xi32>
        %swap3A_255 = arith.index_cast %scan3A_212 : i32 to index
        %swap3A_256 = arith.constant 48 : index
        %swap3A_257 = tpu.vector_load %arg7[%swap3A_255, %swap3A_256] {strides = array<i32>} : memref<250x80xi32, #tpu.memory_space<vmem>>, vector<1x16xi32>,
        %swap3A_258 = vector.shape_cast %swap3A_257 : vector<1x16xi32> to vector<16xi32>
        %swap3A_259 = vector.shape_cast %add3A_254 : vector<16xi32> to vector<1x16xi32>
        tpu.vector_store %arg7[%swap3A_255, %swap3A_256], %swap3A_259 {strides = array<i32>} : memref<250x80xi32, #tpu.memory_space<vmem>>, vector<1x16xi32>,
        %get3A_260 = arith.index_cast %scan3A_212 : i32 to index
        %get3A_261 = arith.constant 64 : index
        %get3A_262 = tpu.vector_load %arg7[%get3A_260, %get3A_261] {strides = array<i32>} : memref<250x80xi32, #tpu.memory_space<vmem>>, vector<1x16xi32>,
        %get3A_263 = vector.shape_cast %get3A_262 : vector<1x16xi32> to vector<16xi32>
        %add3A_264 = arith.constant 10240 : i32
        %add3A_265 = vector.broadcast %add3A_264 : i32 to vector<16xi32>
        %add3A_266 = arith.addi %get3A_263, %add3A_265 : vector<16xi32>
        %swap3A_267 = arith.index_cast %scan3A_212 : i32 to index
        %swap3A_268 = arith.constant 64 : index
        %swap3A_269 = tpu.vector_load %arg7[%swap3A_267, %swap3A_268] {strides = array<i32>} : memref<250x80xi32, #tpu.memory_space<vmem>>, vector<1x16xi32>,
        %swap3A_270 = vector.shape_cast %swap3A_269 : vector<1x16xi32> to vector<16xi32>
        %swap3A_271 = vector.shape_cast %add3A_266 : vector<16xi32> to vector<1x16xi32>
        tpu.vector_store %arg7[%swap3A_267, %swap3A_268], %swap3A_271 {strides = array<i32>} : memref<250x80xi32, #tpu.memory_space<vmem>>, vector<1x16xi32>,
        %scan3A_272 = arith.constant 0 : i32
        scf.yield %scan3A_272 : i32
      }
      %scan3A_211 = arith.constant 250 : i32
    } else {
    }
    %scan3A = arith.constant 0 : i32
    %scan3A_9 = arith.constant 0 : i32
    %scan3A_10 = arith.constant 80 : i32
    %scan3A_11 = arith.addi %scan3A_9, %scan3A_10 : i32
    %scan3A_12 = arith.constant 1 : i32
    %scan3A_13 = scf.for %scan3A_205 = %scan3A_9 to %scan3A_11 step %scan3A_12 iter_args(%scan3A_206 = %scan3A) -> (i32)  : i32 {
      %broadcast_in_dim3A = arith.constant 0.000000e+00 : f32
      %broadcast_in_dim3A_207 = vector.broadcast %broadcast_in_dim3A : f32 to vector<16xf32>
      %swap3A = arith.constant 0 : i32
      %swap3A_208 = arith.index_cast %swap3A : i32 to index
      %swap3A_209 = arith.index_cast %scan3A_205 : i32 to index
      %swap3A_210 = arith.constant 0 : index
      %swap3A_211 = tpu.vector_load %arg9[%swap3A_208, %swap3A_209, %swap3A_210] {strides = array<i32>} : memref<5x80x64xf32, #tpu.memory_space<vmem>>, vector<1x1x16xf32>,
      %swap3A_212 = vector.shape_cast %swap3A_211 : vector<1x1x16xf32> to vector<16xf32>
      %swap3A_213 = vector.shape_cast %broadcast_in_dim3A_207 : vector<16xf32> to vector<1x1x16xf32>
      tpu.vector_store %arg9[%swap3A_208, %swap3A_209, %swap3A_210], %swap3A_213 {strides = array<i32>} : memref<5x80x64xf32, #tpu.memory_space<vmem>>, vector<1x1x16xf32>,
      %broadcast_in_dim3A_214 = arith.constant 0.000000e+00 : f32
      %broadcast_in_dim3A_215 = vector.broadcast %broadcast_in_dim3A_214 : f32 to vector<16xf32>
      %swap3A_216 = arith.constant 0 : i32
      %swap3A_217 = arith.index_cast %swap3A_216 : i32 to index
      %swap3A_218 = arith.index_cast %scan3A_205 : i32 to index
      %swap3A_219 = arith.constant 16 : index
      %swap3A_220 = tpu.vector_load %arg9[%swap3A_217, %swap3A_218, %swap3A_219] {strides = array<i32>} : memref<5x80x64xf32, #tpu.memory_space<vmem>>, vector<1x1x16xf32>,
      %swap3A_221 = vector.shape_cast %swap3A_220 : vector<1x1x16xf32> to vector<16xf32>
      %swap3A_222 = vector.shape_cast %broadcast_in_dim3A_215 : vector<16xf32> to vector<1x1x16xf32>
      tpu.vector_store %arg9[%swap3A_217, %swap3A_218, %swap3A_219], %swap3A_222 {strides = array<i32>} : memref<5x80x64xf32, #tpu.memory_space<vmem>>, vector<1x1x16xf32>,
      %broadcast_in_dim3A_223 = arith.constant 0.000000e+00 : f32
      %broadcast_in_dim3A_224 = vector.broadcast %broadcast_in_dim3A_223 : f32 to vector<16xf32>
      %swap3A_225 = arith.constant 0 : i32
      %swap3A_226 = arith.index_cast %swap3A_225 : i32 to index
      %swap3A_227 = arith.index_cast %scan3A_205 : i32 to index
      %swap3A_228 = arith.constant 32 : index
      %swap3A_229 = tpu.vector_load %arg9[%swap3A_226, %swap3A_227, %swap3A_228] {strides = array<i32>} : memref<5x80x64xf32, #tpu.memory_space<vmem>>, vector<1x1x16xf32>,
      %swap3A_230 = vector.shape_cast %swap3A_229 : vector<1x1x16xf32> to vector<16xf32>
      %swap3A_231 = vector.shape_cast %broadcast_in_dim3A_224 : vector<16xf32> to vector<1x1x16xf32>
      tpu.vector_store %arg9[%swap3A_226, %swap3A_227, %swap3A_228], %swap3A_231 {strides = array<i32>} : memref<5x80x64xf32, #tpu.memory_space<vmem>>, vector<1x1x16xf32>,
      %broadcast_in_dim3A_232 = arith.constant 0.000000e+00 : f32
      %broadcast_in_dim3A_233 = vector.broadcast %broadcast_in_dim3A_232 : f32 to vector<16xf32>
      %swap3A_234 = arith.constant 0 : i32
      %swap3A_235 = arith.index_cast %swap3A_234 : i32 to index
      %swap3A_236 = arith.index_cast %scan3A_205 : i32 to index
      %swap3A_237 = arith.constant 48 : index
      %swap3A_238 = tpu.vector_load %arg9[%swap3A_235, %swap3A_236, %swap3A_237] {strides = array<i32>} : memref<5x80x64xf32, #tpu.memory_space<vmem>>, vector<1x1x16xf32>,
      %swap3A_239 = vector.shape_cast %swap3A_238 : vector<1x1x16xf32> to vector<16xf32>
      %swap3A_240 = vector.shape_cast %broadcast_in_dim3A_233 : vector<16xf32> to vector<1x1x16xf32>
      tpu.vector_store %arg9[%swap3A_235, %swap3A_236, %swap3A_237], %swap3A_240 {strides = array<i32>} : memref<5x80x64xf32, #tpu.memory_space<vmem>>, vector<1x1x16xf32>,
      %broadcast_in_dim3A_241 = arith.constant 0.000000e+00 : f32
      %broadcast_in_dim3A_242 = vector.broadcast %broadcast_in_dim3A_241 : f32 to vector<16xf32>
      %swap3A_243 = arith.index_cast %scan3A_205 : i32 to index
      %swap3A_244 = arith.constant 0 : index
      %swap3A_245 = tpu.vector_load %arg10[%swap3A_243, %swap3A_244] {strides = array<i32>} : memref<80x16xf32, #tpu.memory_space<vmem>>, vector<1x16xf32>,
      %swap3A_246 = vector.shape_cast %swap3A_245 : vector<1x16xf32> to vector<16xf32>
      %swap3A_247 = vector.shape_cast %broadcast_in_dim3A_242 : vector<16xf32> to vector<1x16xf32>
      tpu.vector_store %arg10[%swap3A_243, %swap3A_244], %swap3A_247 {strides = array<i32>} : memref<80x16xf32, #tpu.memory_space<vmem>>, vector<1x16xf32>,
      %scan3A_248 = arith.constant 0 : i32
      scf.yield %scan3A_248 : i32
    }
    %scan3A_14 = arith.constant 80 : i32
    %add3A = arith.constant 0 : i32
    %add3A_15 = arith.addi %mul3A_0, %add3A : i32
    %run_scoped3A = arith.constant 0 : i32
    "tpu.region"() ({
      %run_scoped3A_205 = tpu.sem_alloc : memref<!tpu.dma_semaphore, #tpu.memory_space<semaphore_mem>>
      %dma_start3A_206 = arith.constant 0 : i32
      %dma_start3A_207 = arith.constant 0 : i32
      %dma_start3A_208 = tpu.memref_slice %arg9[%run_scoped3A, %dma_start3A_206, %dma_start3A_207] : memref<5x80x64xf32, #tpu.memory_space<vmem>> -> memref<1x80x64xf32, #tpu.memory_space<vmem>>
      %dma_start3A_209 = tpu.memref_squeeze %dma_start3A_208 : memref<1x80x64xf32, #tpu.memory_space<vmem>> -> memref<80x64xf32, #tpu.memory_space<vmem>>
      %dma_start3A_210 = arith.constant 0 : i32
      %dma_start3A_211 = tpu.memref_slice %arg11[%add3A_15, %dma_start3A_210] : memref<10240x64xf32, #tpu.memory_space<vmem_shared>> -> memref<80x64xf32, #tpu.memory_space<vmem_shared>>
      %dma_start3A_212 = arith.constant 0 : i32
      %dma_start3A_213 = tpu.memref_slice %arg11[%add3A_15, %dma_start3A_212] : memref<10240x64xf32, #tpu.memory_space<vmem_shared>> -> memref<80x64xf32, #tpu.memory_space<vmem_shared>>
      %dma_start3A_214 = arith.constant 0 : i32
      %dma_start3A_215 = arith.constant 0 : i32
      %dma_start3A_216 = tpu.memref_slice %arg9[%run_scoped3A, %dma_start3A_214, %dma_start3A_215] : memref<5x80x64xf32, #tpu.memory_space<vmem>> -> memref<1x80x64xf32, #tpu.memory_space<vmem>>
      %dma_start3A_217 = tpu.memref_squeeze %dma_start3A_216 : memref<1x80x64xf32, #tpu.memory_space<vmem>> -> memref<80x64xf32, #tpu.memory_space<vmem>>
      tpu.enqueue_dma source(%dma_start3A_217 : memref<80x64xf32, #tpu.memory_space<vmem>>) target(%dma_start3A_213 : memref<80x64xf32, #tpu.memory_space<vmem_shared>>) target_semaphore(%run_scoped3A_205 : memref<!tpu.dma_semaphore, #tpu.memory_space<semaphore_mem>>)
      %dma_wait3A_218 = arith.constant 0 : i32
      %dma_wait3A_219 = arith.constant 0 : i32
      %dma_wait3A_220 = tpu.memref_slice %arg9[%run_scoped3A, %dma_wait3A_218, %dma_wait3A_219] : memref<5x80x64xf32, #tpu.memory_space<vmem>> -> memref<1x80x64xf32, #tpu.memory_space<vmem>>
      %dma_wait3A_221 = tpu.memref_squeeze %dma_wait3A_220 : memref<1x80x64xf32, #tpu.memory_space<vmem>> -> memref<80x64xf32, #tpu.memory_space<vmem>>
      %dma_wait3A_222 = arith.constant 0 : i32
      %dma_wait3A_223 = tpu.memref_slice %arg11[%add3A_15, %dma_wait3A_222] : memref<10240x64xf32, #tpu.memory_space<vmem_shared>> -> memref<80x64xf32, #tpu.memory_space<vmem_shared>>
      %dma_wait3A_224 = arith.constant 0 : i32
      %dma_wait3A_225 = tpu.memref_slice %arg11[%add3A_15, %dma_wait3A_224] : memref<10240x64xf32, #tpu.memory_space<vmem_shared>> -> memref<80x64xf32, #tpu.memory_space<vmem_shared>>
      %dma_wait3A_226 = arith.constant 0 : i32
      %dma_wait3A_227 = arith.constant 0 : i32
      %dma_wait3A_228 = tpu.memref_slice %arg9[%run_scoped3A, %dma_wait3A_226, %dma_wait3A_227] : memref<5x80x64xf32, #tpu.memory_space<vmem>> -> memref<1x80x64xf32, #tpu.memory_space<vmem>>
      %dma_wait3A_229 = tpu.memref_squeeze %dma_wait3A_228 : memref<1x80x64xf32, #tpu.memory_space<vmem>> -> memref<80x64xf32, #tpu.memory_space<vmem>>
      tpu.wait_dma2 semaphore(%run_scoped3A_205 : memref<!tpu.dma_semaphore, #tpu.memory_space<semaphore_mem>>) src(%dma_wait3A_229 : memref<80x64xf32, #tpu.memory_space<vmem>>) dst(%dma_wait3A_225 : memref<80x64xf32, #tpu.memory_space<vmem_shared>>)
      tpu.yield
    }) : () -> ()
    %add3A_16 = arith.constant 0 : i32
    %add3A_17 = arith.addi %mul3A_0, %add3A_16 : i32
    "tpu.region"() ({
      %run_scoped3A_205 = tpu.sem_alloc : memref<!tpu.dma_semaphore, #tpu.memory_space<semaphore_mem>>
      %dma_start3A_206 = arith.constant 0 : i32
      %dma_start3A_207 = tpu.memref_slice %arg12[%add3A_17, %dma_start3A_206] : memref<10240x16xf32, #tpu.memory_space<vmem_shared>> -> memref<80x16xf32, #tpu.memory_space<vmem_shared>>
      %dma_start3A_208 = arith.constant 0 : i32
      %dma_start3A_209 = tpu.memref_slice %arg12[%add3A_17, %dma_start3A_208] : memref<10240x16xf32, #tpu.memory_space<vmem_shared>> -> memref<80x16xf32, #tpu.memory_space<vmem_shared>>
      tpu.enqueue_dma source(%arg10 : memref<80x16xf32, #tpu.memory_space<vmem>>) target(%dma_start3A_209 : memref<80x16xf32, #tpu.memory_space<vmem_shared>>) target_semaphore(%run_scoped3A_205 : memref<!tpu.dma_semaphore, #tpu.memory_space<semaphore_mem>>)
      %dma_wait3A_210 = arith.constant 0 : i32
      %dma_wait3A_211 = tpu.memref_slice %arg12[%add3A_17, %dma_wait3A_210] : memref<10240x16xf32, #tpu.memory_space<vmem_shared>> -> memref<80x16xf32, #tpu.memory_space<vmem_shared>>
      %dma_wait3A_212 = arith.constant 0 : i32
      %dma_wait3A_213 = tpu.memref_slice %arg12[%add3A_17, %dma_wait3A_212] : memref<10240x16xf32, #tpu.memory_space<vmem_shared>> -> memref<80x16xf32, #tpu.memory_space<vmem_shared>>
      tpu.wait_dma2 semaphore(%run_scoped3A_205 : memref<!tpu.dma_semaphore, #tpu.memory_space<semaphore_mem>>) src(%arg10 : memref<80x16xf32, #tpu.memory_space<vmem>>) dst(%dma_wait3A_213 : memref<80x16xf32, #tpu.memory_space<vmem_shared>>)
      tpu.yield
    }) : () -> ()
    %add3A_18 = arith.constant 80 : i32
    %add3A_19 = arith.addi %mul3A_0, %add3A_18 : i32
    %run_scoped3A_20 = arith.constant 0 : i32
    "tpu.region"() ({
      %run_scoped3A_205 = tpu.sem_alloc : memref<!tpu.dma_semaphore, #tpu.memory_space<semaphore_mem>>
      %dma_start3A_206 = arith.constant 0 : i32
      %dma_start3A_207 = arith.constant 0 : i32
      %dma_start3A_208 = tpu.memref_slice %arg9[%run_scoped3A_20, %dma_start3A_206, %dma_start3A_207] : memref<5x80x64xf32, #tpu.memory_space<vmem>> -> memref<1x80x64xf32, #tpu.memory_space<vmem>>
      %dma_start3A_209 = tpu.memref_squeeze %dma_start3A_208 : memref<1x80x64xf32, #tpu.memory_space<vmem>> -> memref<80x64xf32, #tpu.memory_space<vmem>>
      %dma_start3A_210 = arith.constant 0 : i32
      %dma_start3A_211 = tpu.memref_slice %arg11[%add3A_19, %dma_start3A_210] : memref<10240x64xf32, #tpu.memory_space<vmem_shared>> -> memref<80x64xf32, #tpu.memory_space<vmem_shared>>
      %dma_start3A_212 = arith.constant 0 : i32
      %dma_start3A_213 = tpu.memref_slice %arg11[%add3A_19, %dma_start3A_212] : memref<10240x64xf32, #tpu.memory_space<vmem_shared>> -> memref<80x64xf32, #tpu.memory_space<vmem_shared>>
      %dma_start3A_214 = arith.constant 0 : i32
      %dma_start3A_215 = arith.constant 0 : i32
      %dma_start3A_216 = tpu.memref_slice %arg9[%run_scoped3A_20, %dma_start3A_214, %dma_start3A_215] : memref<5x80x64xf32, #tpu.memory_space<vmem>> -> memref<1x80x64xf32, #tpu.memory_space<vmem>>
      %dma_start3A_217 = tpu.memref_squeeze %dma_start3A_216 : memref<1x80x64xf32, #tpu.memory_space<vmem>> -> memref<80x64xf32, #tpu.memory_space<vmem>>
      tpu.enqueue_dma source(%dma_start3A_217 : memref<80x64xf32, #tpu.memory_space<vmem>>) target(%dma_start3A_213 : memref<80x64xf32, #tpu.memory_space<vmem_shared>>) target_semaphore(%run_scoped3A_205 : memref<!tpu.dma_semaphore, #tpu.memory_space<semaphore_mem>>)
      %dma_wait3A_218 = arith.constant 0 : i32
      %dma_wait3A_219 = arith.constant 0 : i32
      %dma_wait3A_220 = tpu.memref_slice %arg9[%run_scoped3A_20, %dma_wait3A_218, %dma_wait3A_219] : memref<5x80x64xf32, #tpu.memory_space<vmem>> -> memref<1x80x64xf32, #tpu.memory_space<vmem>>
      %dma_wait3A_221 = tpu.memref_squeeze %dma_wait3A_220 : memref<1x80x64xf32, #tpu.memory_space<vmem>> -> memref<80x64xf32, #tpu.memory_space<vmem>>
      %dma_wait3A_222 = arith.constant 0 : i32
      %dma_wait3A_223 = tpu.memref_slice %arg11[%add3A_19, %dma_wait3A_222] : memref<10240x64xf32, #tpu.memory_space<vmem_shared>> -> memref<80x64xf32, #tpu.memory_space<vmem_shared>>
      %dma_wait3A_224 = arith.constant 0 : i32
      %dma_wait3A_225 = tpu.memref_slice %arg11[%add3A_19, %dma_wait3A_224] : memref<10240x64xf32, #tpu.memory_space<vmem_shared>> -> memref<80x64xf32, #tpu.memory_space<vmem_shared>>
      %dma_wait3A_226 = arith.constant 0 : i32
      %dma_wait3A_227 = arith.constant 0 : i32
      %dma_wait3A_228 = tpu.memref_slice %arg9[%run_scoped3A_20, %dma_wait3A_226, %dma_wait3A_227] : memref<5x80x64xf32, #tpu.memory_space<vmem>> -> memref<1x80x64xf32, #tpu.memory_space<vmem>>
      %dma_wait3A_229 = tpu.memref_squeeze %dma_wait3A_228 : memref<1x80x64xf32, #tpu.memory_space<vmem>> -> memref<80x64xf32, #tpu.memory_space<vmem>>
      tpu.wait_dma2 semaphore(%run_scoped3A_205 : memref<!tpu.dma_semaphore, #tpu.memory_space<semaphore_mem>>) src(%dma_wait3A_229 : memref<80x64xf32, #tpu.memory_space<vmem>>) dst(%dma_wait3A_225 : memref<80x64xf32, #tpu.memory_space<vmem_shared>>)
      tpu.yield
    }) : () -> ()
    %add3A_21 = arith.constant 80 : i32
    %add3A_22 = arith.addi %mul3A_0, %add3A_21 : i32
    "tpu.region"() ({
      %run_scoped3A_205 = tpu.sem_alloc : memref<!tpu.dma_semaphore, #tpu.memory_space<semaphore_mem>>
      %dma_start3A_206 = arith.constant 0 : i32
      %dma_start3A_207 = tpu.memref_slice %arg12[%add3A_22, %dma_start3A_206] : memref<10240x16xf32, #tpu.memory_space<vmem_shared>> -> memref<80x16xf32, #tpu.memory_space<vmem_shared>>
      %dma_start3A_208 = arith.constant 0 : i32
      %dma_start3A_209 = tpu.memref_slice %arg12[%add3A_22, %dma_start3A_208] : memref<10240x16xf32, #tpu.memory_space<vmem_shared>> -> memref<80x16xf32, #tpu.memory_space<vmem_shared>>
      tpu.enqueue_dma source(%arg10 : memref<80x16xf32, #tpu.memory_space<vmem>>) target(%dma_start3A_209 : memref<80x16xf32, #tpu.memory_space<vmem_shared>>) target_semaphore(%run_scoped3A_205 : memref<!tpu.dma_semaphore, #tpu.memory_space<semaphore_mem>>)
      %dma_wait3A_210 = arith.constant 0 : i32
      %dma_wait3A_211 = tpu.memref_slice %arg12[%add3A_22, %dma_wait3A_210] : memref<10240x16xf32, #tpu.memory_space<vmem_shared>> -> memref<80x16xf32, #tpu.memory_space<vmem_shared>>
      %dma_wait3A_212 = arith.constant 0 : i32
      %dma_wait3A_213 = tpu.memref_slice %arg12[%add3A_22, %dma_wait3A_212] : memref<10240x16xf32, #tpu.memory_space<vmem_shared>> -> memref<80x16xf32, #tpu.memory_space<vmem_shared>>
      tpu.wait_dma2 semaphore(%run_scoped3A_205 : memref<!tpu.dma_semaphore, #tpu.memory_space<semaphore_mem>>) src(%arg10 : memref<80x16xf32, #tpu.memory_space<vmem>>) dst(%dma_wait3A_213 : memref<80x16xf32, #tpu.memory_space<vmem_shared>>)
      tpu.yield
    }) : () -> ()
    %add3A_23 = arith.constant 160 : i32
    %add3A_24 = arith.addi %mul3A_0, %add3A_23 : i32
    %run_scoped3A_25 = arith.constant 0 : i32
    "tpu.region"() ({
      %run_scoped3A_205 = tpu.sem_alloc : memref<!tpu.dma_semaphore, #tpu.memory_space<semaphore_mem>>
      %dma_start3A_206 = arith.constant 0 : i32
      %dma_start3A_207 = arith.constant 0 : i32
      %dma_start3A_208 = tpu.memref_slice %arg9[%run_scoped3A_25, %dma_start3A_206, %dma_start3A_207] : memref<5x80x64xf32, #tpu.memory_space<vmem>> -> memref<1x80x64xf32, #tpu.memory_space<vmem>>
      %dma_start3A_209 = tpu.memref_squeeze %dma_start3A_208 : memref<1x80x64xf32, #tpu.memory_space<vmem>> -> memref<80x64xf32, #tpu.memory_space<vmem>>
      %dma_start3A_210 = arith.constant 0 : i32
      %dma_start3A_211 = tpu.memref_slice %arg11[%add3A_24, %dma_start3A_210] : memref<10240x64xf32, #tpu.memory_space<vmem_shared>> -> memref<80x64xf32, #tpu.memory_space<vmem_shared>>
      %dma_start3A_212 = arith.constant 0 : i32
      %dma_start3A_213 = tpu.memref_slice %arg11[%add3A_24, %dma_start3A_212] : memref<10240x64xf32, #tpu.memory_space<vmem_shared>> -> memref<80x64xf32, #tpu.memory_space<vmem_shared>>
      %dma_start3A_214 = arith.constant 0 : i32
      %dma_start3A_215 = arith.constant 0 : i32
      %dma_start3A_216 = tpu.memref_slice %arg9[%run_scoped3A_25, %dma_start3A_214, %dma_start3A_215] : memref<5x80x64xf32, #tpu.memory_space<vmem>> -> memref<1x80x64xf32, #tpu.memory_space<vmem>>
      %dma_start3A_217 = tpu.memref_squeeze %dma_start3A_216 : memref<1x80x64xf32, #tpu.memory_space<vmem>> -> memref<80x64xf32, #tpu.memory_space<vmem>>
      tpu.enqueue_dma source(%dma_start3A_217 : memref<80x64xf32, #tpu.memory_space<vmem>>) target(%dma_start3A_213 : memref<80x64xf32, #tpu.memory_space<vmem_shared>>) target_semaphore(%run_scoped3A_205 : memref<!tpu.dma_semaphore, #tpu.memory_space<semaphore_mem>>)
      %dma_wait3A_218 = arith.constant 0 : i32
      %dma_wait3A_219 = arith.constant 0 : i32
      %dma_wait3A_220 = tpu.memref_slice %arg9[%run_scoped3A_25, %dma_wait3A_218, %dma_wait3A_219] : memref<5x80x64xf32, #tpu.memory_space<vmem>> -> memref<1x80x64xf32, #tpu.memory_space<vmem>>
      %dma_wait3A_221 = tpu.memref_squeeze %dma_wait3A_220 : memref<1x80x64xf32, #tpu.memory_space<vmem>> -> memref<80x64xf32, #tpu.memory_space<vmem>>
      %dma_wait3A_222 = arith.constant 0 : i32
      %dma_wait3A_223 = tpu.memref_slice %arg11[%add3A_24, %dma_wait3A_222] : memref<10240x64xf32, #tpu.memory_space<vmem_shared>> -> memref<80x64xf32, #tpu.memory_space<vmem_shared>>
      %dma_wait3A_224 = arith.constant 0 : i32
      %dma_wait3A_225 = tpu.memref_slice %arg11[%add3A_24, %dma_wait3A_224] : memref<10240x64xf32, #tpu.memory_space<vmem_shared>> -> memref<80x64xf32, #tpu.memory_space<vmem_shared>>
      %dma_wait3A_226 = arith.constant 0 : i32
      %dma_wait3A_227 = arith.constant 0 : i32
      %dma_wait3A_228 = tpu.memref_slice %arg9[%run_scoped3A_25, %dma_wait3A_226, %dma_wait3A_227] : memref<5x80x64xf32, #tpu.memory_space<vmem>> -> memref<1x80x64xf32, #tpu.memory_space<vmem>>
      %dma_wait3A_229 = tpu.memref_squeeze %dma_wait3A_228 : memref<1x80x64xf32, #tpu.memory_space<vmem>> -> memref<80x64xf32, #tpu.memory_space<vmem>>
      tpu.wait_dma2 semaphore(%run_scoped3A_205 : memref<!tpu.dma_semaphore, #tpu.memory_space<semaphore_mem>>) src(%dma_wait3A_229 : memref<80x64xf32, #tpu.memory_space<vmem>>) dst(%dma_wait3A_225 : memref<80x64xf32, #tpu.memory_space<vmem_shared>>)
      tpu.yield
    }) : () -> ()
    %add3A_26 = arith.constant 160 : i32
    %add3A_27 = arith.addi %mul3A_0, %add3A_26 : i32
    "tpu.region"() ({
      %run_scoped3A_205 = tpu.sem_alloc : memref<!tpu.dma_semaphore, #tpu.memory_space<semaphore_mem>>
      %dma_start3A_206 = arith.constant 0 : i32
      %dma_start3A_207 = tpu.memref_slice %arg12[%add3A_27, %dma_start3A_206] : memref<10240x16xf32, #tpu.memory_space<vmem_shared>> -> memref<80x16xf32, #tpu.memory_space<vmem_shared>>
      %dma_start3A_208 = arith.constant 0 : i32
      %dma_start3A_209 = tpu.memref_slice %arg12[%add3A_27, %dma_start3A_208] : memref<10240x16xf32, #tpu.memory_space<vmem_shared>> -> memref<80x16xf32, #tpu.memory_space<vmem_shared>>
      tpu.enqueue_dma source(%arg10 : memref<80x16xf32, #tpu.memory_space<vmem>>) target(%dma_start3A_209 : memref<80x16xf32, #tpu.memory_space<vmem_shared>>) target_semaphore(%run_scoped3A_205 : memref<!tpu.dma_semaphore, #tpu.memory_space<semaphore_mem>>)
      %dma_wait3A_210 = arith.constant 0 : i32
      %dma_wait3A_211 = tpu.memref_slice %arg12[%add3A_27, %dma_wait3A_210] : memref<10240x16xf32, #tpu.memory_space<vmem_shared>> -> memref<80x16xf32, #tpu.memory_space<vmem_shared>>
      %dma_wait3A_212 = arith.constant 0 : i32
      %dma_wait3A_213 = tpu.memref_slice %arg12[%add3A_27, %dma_wait3A_212] : memref<10240x16xf32, #tpu.memory_space<vmem_shared>> -> memref<80x16xf32, #tpu.memory_space<vmem_shared>>
      tpu.wait_dma2 semaphore(%run_scoped3A_205 : memref<!tpu.dma_semaphore, #tpu.memory_space<semaphore_mem>>) src(%arg10 : memref<80x16xf32, #tpu.memory_space<vmem>>) dst(%dma_wait3A_213 : memref<80x16xf32, #tpu.memory_space<vmem_shared>>)
      tpu.yield
    }) : () -> ()
    %add3A_28 = arith.constant 240 : i32
    %add3A_29 = arith.addi %mul3A_0, %add3A_28 : i32
    %run_scoped3A_30 = arith.constant 0 : i32
    "tpu.region"() ({
      %run_scoped3A_205 = tpu.sem_alloc : memref<!tpu.dma_semaphore, #tpu.memory_space<semaphore_mem>>
      %dma_start3A_206 = arith.constant 0 : i32
      %dma_start3A_207 = arith.constant 0 : i32
      %dma_start3A_208 = tpu.memref_slice %arg9[%run_scoped3A_30, %dma_start3A_206, %dma_start3A_207] : memref<5x80x64xf32, #tpu.memory_space<vmem>> -> memref<1x80x64xf32, #tpu.memory_space<vmem>>
      %dma_start3A_209 = tpu.memref_squeeze %dma_start3A_208 : memref<1x80x64xf32, #tpu.memory_space<vmem>> -> memref<80x64xf32, #tpu.memory_space<vmem>>
      %dma_start3A_210 = arith.constant 0 : i32
      %dma_start3A_211 = tpu.memref_slice %arg11[%add3A_29, %dma_start3A_210] : memref<10240x64xf32, #tpu.memory_space<vmem_shared>> -> memref<80x64xf32, #tpu.memory_space<vmem_shared>>
      %dma_start3A_212 = arith.constant 0 : i32
      %dma_start3A_213 = tpu.memref_slice %arg11[%add3A_29, %dma_start3A_212] : memref<10240x64xf32, #tpu.memory_space<vmem_shared>> -> memref<80x64xf32, #tpu.memory_space<vmem_shared>>
      %dma_start3A_214 = arith.constant 0 : i32
      %dma_start3A_215 = arith.constant 0 : i32
      %dma_start3A_216 = tpu.memref_slice %arg9[%run_scoped3A_30, %dma_start3A_214, %dma_start3A_215] : memref<5x80x64xf32, #tpu.memory_space<vmem>> -> memref<1x80x64xf32, #tpu.memory_space<vmem>>
      %dma_start3A_217 = tpu.memref_squeeze %dma_start3A_216 : memref<1x80x64xf32, #tpu.memory_space<vmem>> -> memref<80x64xf32, #tpu.memory_space<vmem>>
      tpu.enqueue_dma source(%dma_start3A_217 : memref<80x64xf32, #tpu.memory_space<vmem>>) target(%dma_start3A_213 : memref<80x64xf32, #tpu.memory_space<vmem_shared>>) target_semaphore(%run_scoped3A_205 : memref<!tpu.dma_semaphore, #tpu.memory_space<semaphore_mem>>)
      %dma_wait3A_218 = arith.constant 0 : i32
      %dma_wait3A_219 = arith.constant 0 : i32
      %dma_wait3A_220 = tpu.memref_slice %arg9[%run_scoped3A_30, %dma_wait3A_218, %dma_wait3A_219] : memref<5x80x64xf32, #tpu.memory_space<vmem>> -> memref<1x80x64xf32, #tpu.memory_space<vmem>>
      %dma_wait3A_221 = tpu.memref_squeeze %dma_wait3A_220 : memref<1x80x64xf32, #tpu.memory_space<vmem>> -> memref<80x64xf32, #tpu.memory_space<vmem>>
      %dma_wait3A_222 = arith.constant 0 : i32
      %dma_wait3A_223 = tpu.memref_slice %arg11[%add3A_29, %dma_wait3A_222] : memref<10240x64xf32, #tpu.memory_space<vmem_shared>> -> memref<80x64xf32, #tpu.memory_space<vmem_shared>>
      %dma_wait3A_224 = arith.constant 0 : i32
      %dma_wait3A_225 = tpu.memref_slice %arg11[%add3A_29, %dma_wait3A_224] : memref<10240x64xf32, #tpu.memory_space<vmem_shared>> -> memref<80x64xf32, #tpu.memory_space<vmem_shared>>
      %dma_wait3A_226 = arith.constant 0 : i32
      %dma_wait3A_227 = arith.constant 0 : i32
      %dma_wait3A_228 = tpu.memref_slice %arg9[%run_scoped3A_30, %dma_wait3A_226, %dma_wait3A_227] : memref<5x80x64xf32, #tpu.memory_space<vmem>> -> memref<1x80x64xf32, #tpu.memory_space<vmem>>
      %dma_wait3A_229 = tpu.memref_squeeze %dma_wait3A_228 : memref<1x80x64xf32, #tpu.memory_space<vmem>> -> memref<80x64xf32, #tpu.memory_space<vmem>>
      tpu.wait_dma2 semaphore(%run_scoped3A_205 : memref<!tpu.dma_semaphore, #tpu.memory_space<semaphore_mem>>) src(%dma_wait3A_229 : memref<80x64xf32, #tpu.memory_space<vmem>>) dst(%dma_wait3A_225 : memref<80x64xf32, #tpu.memory_space<vmem_shared>>)
      tpu.yield
    }) : () -> ()
    %add3A_31 = arith.constant 240 : i32
    %add3A_32 = arith.addi %mul3A_0, %add3A_31 : i32
    "tpu.region"() ({
      %run_scoped3A_205 = tpu.sem_alloc : memref<!tpu.dma_semaphore, #tpu.memory_space<semaphore_mem>>
      %dma_start3A_206 = arith.constant 0 : i32
      %dma_start3A_207 = tpu.memref_slice %arg12[%add3A_32, %dma_start3A_206] : memref<10240x16xf32, #tpu.memory_space<vmem_shared>> -> memref<80x16xf32, #tpu.memory_space<vmem_shared>>
      %dma_start3A_208 = arith.constant 0 : i32
      %dma_start3A_209 = tpu.memref_slice %arg12[%add3A_32, %dma_start3A_208] : memref<10240x16xf32, #tpu.memory_space<vmem_shared>> -> memref<80x16xf32, #tpu.memory_space<vmem_shared>>
      tpu.enqueue_dma source(%arg10 : memref<80x16xf32, #tpu.memory_space<vmem>>) target(%dma_start3A_209 : memref<80x16xf32, #tpu.memory_space<vmem_shared>>) target_semaphore(%run_scoped3A_205 : memref<!tpu.dma_semaphore, #tpu.memory_space<semaphore_mem>>)
      %dma_wait3A_210 = arith.constant 0 : i32
      %dma_wait3A_211 = tpu.memref_slice %arg12[%add3A_32, %dma_wait3A_210] : memref<10240x16xf32, #tpu.memory_space<vmem_shared>> -> memref<80x16xf32, #tpu.memory_space<vmem_shared>>
      %dma_wait3A_212 = arith.constant 0 : i32
      %dma_wait3A_213 = tpu.memref_slice %arg12[%add3A_32, %dma_wait3A_212] : memref<10240x16xf32, #tpu.memory_space<vmem_shared>> -> memref<80x16xf32, #tpu.memory_space<vmem_shared>>
      tpu.wait_dma2 semaphore(%run_scoped3A_205 : memref<!tpu.dma_semaphore, #tpu.memory_space<semaphore_mem>>) src(%arg10 : memref<80x16xf32, #tpu.memory_space<vmem>>) dst(%dma_wait3A_213 : memref<80x16xf32, #tpu.memory_space<vmem_shared>>)
      tpu.yield
    }) : () -> ()
    %add3A_33 = arith.constant 320 : i32
    %add3A_34 = arith.addi %mul3A_0, %add3A_33 : i32
    %run_scoped3A_35 = arith.constant 0 : i32
    "tpu.region"() ({
      %run_scoped3A_205 = tpu.sem_alloc : memref<!tpu.dma_semaphore, #tpu.memory_space<semaphore_mem>>
      %dma_start3A_206 = arith.constant 0 : i32
      %dma_start3A_207 = arith.constant 0 : i32
      %dma_start3A_208 = tpu.memref_slice %arg9[%run_scoped3A_35, %dma_start3A_206, %dma_start3A_207] : memref<5x80x64xf32, #tpu.memory_space<vmem>> -> memref<1x80x64xf32, #tpu.memory_space<vmem>>
      %dma_start3A_209 = tpu.memref_squeeze %dma_start3A_208 : memref<1x80x64xf32, #tpu.memory_space<vmem>> -> memref<80x64xf32, #tpu.memory_space<vmem>>
      %dma_start3A_210 = arith.constant 0 : i32
      %dma_start3A_211 = tpu.memref_slice %arg11[%add3A_34, %dma_start3A_210] : memref<10240x64xf32, #tpu.memory_space<vmem_shared>> -> memref<80x64xf32, #tpu.memory_space<vmem_shared>>
      %dma_start3A_212 = arith.constant 0 : i32
      %dma_start3A_213 = tpu.memref_slice %arg11[%add3A_34, %dma_start3A_212] : memref<10240x64xf32, #tpu.memory_space<vmem_shared>> -> memref<80x64xf32, #tpu.memory_space<vmem_shared>>
      %dma_start3A_214 = arith.constant 0 : i32
      %dma_start3A_215 = arith.constant 0 : i32
      %dma_start3A_216 = tpu.memref_slice %arg9[%run_scoped3A_35, %dma_start3A_214, %dma_start3A_215] : memref<5x80x64xf32, #tpu.memory_space<vmem>> -> memref<1x80x64xf32, #tpu.memory_space<vmem>>
      %dma_start3A_217 = tpu.memref_squeeze %dma_start3A_216 : memref<1x80x64xf32, #tpu.memory_space<vmem>> -> memref<80x64xf32, #tpu.memory_space<vmem>>
      tpu.enqueue_dma source(%dma_start3A_217 : memref<80x64xf32, #tpu.memory_space<vmem>>) target(%dma_start3A_213 : memref<80x64xf32, #tpu.memory_space<vmem_shared>>) target_semaphore(%run_scoped3A_205 : memref<!tpu.dma_semaphore, #tpu.memory_space<semaphore_mem>>)
      %dma_wait3A_218 = arith.constant 0 : i32
      %dma_wait3A_219 = arith.constant 0 : i32
      %dma_wait3A_220 = tpu.memref_slice %arg9[%run_scoped3A_35, %dma_wait3A_218, %dma_wait3A_219] : memref<5x80x64xf32, #tpu.memory_space<vmem>> -> memref<1x80x64xf32, #tpu.memory_space<vmem>>
      %dma_wait3A_221 = tpu.memref_squeeze %dma_wait3A_220 : memref<1x80x64xf32, #tpu.memory_space<vmem>> -> memref<80x64xf32, #tpu.memory_space<vmem>>
      %dma_wait3A_222 = arith.constant 0 : i32
      %dma_wait3A_223 = tpu.memref_slice %arg11[%add3A_34, %dma_wait3A_222] : memref<10240x64xf32, #tpu.memory_space<vmem_shared>> -> memref<80x64xf32, #tpu.memory_space<vmem_shared>>
      %dma_wait3A_224 = arith.constant 0 : i32
      %dma_wait3A_225 = tpu.memref_slice %arg11[%add3A_34, %dma_wait3A_224] : memref<10240x64xf32, #tpu.memory_space<vmem_shared>> -> memref<80x64xf32, #tpu.memory_space<vmem_shared>>
      %dma_wait3A_226 = arith.constant 0 : i32
      %dma_wait3A_227 = arith.constant 0 : i32
      %dma_wait3A_228 = tpu.memref_slice %arg9[%run_scoped3A_35, %dma_wait3A_226, %dma_wait3A_227] : memref<5x80x64xf32, #tpu.memory_space<vmem>> -> memref<1x80x64xf32, #tpu.memory_space<vmem>>
      %dma_wait3A_229 = tpu.memref_squeeze %dma_wait3A_228 : memref<1x80x64xf32, #tpu.memory_space<vmem>> -> memref<80x64xf32, #tpu.memory_space<vmem>>
      tpu.wait_dma2 semaphore(%run_scoped3A_205 : memref<!tpu.dma_semaphore, #tpu.memory_space<semaphore_mem>>) src(%dma_wait3A_229 : memref<80x64xf32, #tpu.memory_space<vmem>>) dst(%dma_wait3A_225 : memref<80x64xf32, #tpu.memory_space<vmem_shared>>)
      tpu.yield
    }) : () -> ()
    %add3A_36 = arith.constant 320 : i32
    %add3A_37 = arith.addi %mul3A_0, %add3A_36 : i32
    "tpu.region"() ({
      %run_scoped3A_205 = tpu.sem_alloc : memref<!tpu.dma_semaphore, #tpu.memory_space<semaphore_mem>>
      %dma_start3A_206 = arith.constant 0 : i32
      %dma_start3A_207 = tpu.memref_slice %arg12[%add3A_37, %dma_start3A_206] : memref<10240x16xf32, #tpu.memory_space<vmem_shared>> -> memref<80x16xf32, #tpu.memory_space<vmem_shared>>
      %dma_start3A_208 = arith.constant 0 : i32
      %dma_start3A_209 = tpu.memref_slice %arg12[%add3A_37, %dma_start3A_208] : memref<10240x16xf32, #tpu.memory_space<vmem_shared>> -> memref<80x16xf32, #tpu.memory_space<vmem_shared>>
      tpu.enqueue_dma source(%arg10 : memref<80x16xf32, #tpu.memory_space<vmem>>) target(%dma_start3A_209 : memref<80x16xf32, #tpu.memory_space<vmem_shared>>) target_semaphore(%run_scoped3A_205 : memref<!tpu.dma_semaphore, #tpu.memory_space<semaphore_mem>>)
      %dma_wait3A_210 = arith.constant 0 : i32
      %dma_wait3A_211 = tpu.memref_slice %arg12[%add3A_37, %dma_wait3A_210] : memref<10240x16xf32, #tpu.memory_space<vmem_shared>> -> memref<80x16xf32, #tpu.memory_space<vmem_shared>>
      %dma_wait3A_212 = arith.constant 0 : i32
      %dma_wait3A_213 = tpu.memref_slice %arg12[%add3A_37, %dma_wait3A_212] : memref<10240x16xf32, #tpu.memory_space<vmem_shared>> -> memref<80x16xf32, #tpu.memory_space<vmem_shared>>
      tpu.wait_dma2 semaphore(%run_scoped3A_205 : memref<!tpu.dma_semaphore, #tpu.memory_space<semaphore_mem>>) src(%arg10 : memref<80x16xf32, #tpu.memory_space<vmem>>) dst(%dma_wait3A_213 : memref<80x16xf32, #tpu.memory_space<vmem_shared>>)
      tpu.yield
    }) : () -> ()
    %add3A_38 = arith.constant 400 : i32
    %add3A_39 = arith.addi %mul3A_0, %add3A_38 : i32
    %run_scoped3A_40 = arith.constant 0 : i32
    "tpu.region"() ({
      %run_scoped3A_205 = tpu.sem_alloc : memref<!tpu.dma_semaphore, #tpu.memory_space<semaphore_mem>>
      %dma_start3A_206 = arith.constant 0 : i32
      %dma_start3A_207 = arith.constant 0 : i32
      %dma_start3A_208 = tpu.memref_slice %arg9[%run_scoped3A_40, %dma_start3A_206, %dma_start3A_207] : memref<5x80x64xf32, #tpu.memory_space<vmem>> -> memref<1x80x64xf32, #tpu.memory_space<vmem>>
      %dma_start3A_209 = tpu.memref_squeeze %dma_start3A_208 : memref<1x80x64xf32, #tpu.memory_space<vmem>> -> memref<80x64xf32, #tpu.memory_space<vmem>>
      %dma_start3A_210 = arith.constant 0 : i32
      %dma_start3A_211 = tpu.memref_slice %arg11[%add3A_39, %dma_start3A_210] : memref<10240x64xf32, #tpu.memory_space<vmem_shared>> -> memref<80x64xf32, #tpu.memory_space<vmem_shared>>
      %dma_start3A_212 = arith.constant 0 : i32
      %dma_start3A_213 = tpu.memref_slice %arg11[%add3A_39, %dma_start3A_212] : memref<10240x64xf32, #tpu.memory_space<vmem_shared>> -> memref<80x64xf32, #tpu.memory_space<vmem_shared>>
      %dma_start3A_214 = arith.constant 0 : i32
      %dma_start3A_215 = arith.constant 0 : i32
      %dma_start3A_216 = tpu.memref_slice %arg9[%run_scoped3A_40, %dma_start3A_214, %dma_start3A_215] : memref<5x80x64xf32, #tpu.memory_space<vmem>> -> memref<1x80x64xf32, #tpu.memory_space<vmem>>
      %dma_start3A_217 = tpu.memref_squeeze %dma_start3A_216 : memref<1x80x64xf32, #tpu.memory_space<vmem>> -> memref<80x64xf32, #tpu.memory_space<vmem>>
      tpu.enqueue_dma source(%dma_start3A_217 : memref<80x64xf32, #tpu.memory_space<vmem>>) target(%dma_start3A_213 : memref<80x64xf32, #tpu.memory_space<vmem_shared>>) target_semaphore(%run_scoped3A_205 : memref<!tpu.dma_semaphore, #tpu.memory_space<semaphore_mem>>)
      %dma_wait3A_218 = arith.constant 0 : i32
      %dma_wait3A_219 = arith.constant 0 : i32
      %dma_wait3A_220 = tpu.memref_slice %arg9[%run_scoped3A_40, %dma_wait3A_218, %dma_wait3A_219] : memref<5x80x64xf32, #tpu.memory_space<vmem>> -> memref<1x80x64xf32, #tpu.memory_space<vmem>>
      %dma_wait3A_221 = tpu.memref_squeeze %dma_wait3A_220 : memref<1x80x64xf32, #tpu.memory_space<vmem>> -> memref<80x64xf32, #tpu.memory_space<vmem>>
      %dma_wait3A_222 = arith.constant 0 : i32
      %dma_wait3A_223 = tpu.memref_slice %arg11[%add3A_39, %dma_wait3A_222] : memref<10240x64xf32, #tpu.memory_space<vmem_shared>> -> memref<80x64xf32, #tpu.memory_space<vmem_shared>>
      %dma_wait3A_224 = arith.constant 0 : i32
      %dma_wait3A_225 = tpu.memref_slice %arg11[%add3A_39, %dma_wait3A_224] : memref<10240x64xf32, #tpu.memory_space<vmem_shared>> -> memref<80x64xf32, #tpu.memory_space<vmem_shared>>
      %dma_wait3A_226 = arith.constant 0 : i32
      %dma_wait3A_227 = arith.constant 0 : i32
      %dma_wait3A_228 = tpu.memref_slice %arg9[%run_scoped3A_40, %dma_wait3A_226, %dma_wait3A_227] : memref<5x80x64xf32, #tpu.memory_space<vmem>> -> memref<1x80x64xf32, #tpu.memory_space<vmem>>
      %dma_wait3A_229 = tpu.memref_squeeze %dma_wait3A_228 : memref<1x80x64xf32, #tpu.memory_space<vmem>> -> memref<80x64xf32, #tpu.memory_space<vmem>>
      tpu.wait_dma2 semaphore(%run_scoped3A_205 : memref<!tpu.dma_semaphore, #tpu.memory_space<semaphore_mem>>) src(%dma_wait3A_229 : memref<80x64xf32, #tpu.memory_space<vmem>>) dst(%dma_wait3A_225 : memref<80x64xf32, #tpu.memory_space<vmem_shared>>)
      tpu.yield
    }) : () -> ()
    %add3A_41 = arith.constant 400 : i32
    %add3A_42 = arith.addi %mul3A_0, %add3A_41 : i32
    "tpu.region"() ({
      %run_scoped3A_205 = tpu.sem_alloc : memref<!tpu.dma_semaphore, #tpu.memory_space<semaphore_mem>>
      %dma_start3A_206 = arith.constant 0 : i32
      %dma_start3A_207 = tpu.memref_slice %arg12[%add3A_42, %dma_start3A_206] : memref<10240x16xf32, #tpu.memory_space<vmem_shared>> -> memref<80x16xf32, #tpu.memory_space<vmem_shared>>
      %dma_start3A_208 = arith.constant 0 : i32
      %dma_start3A_209 = tpu.memref_slice %arg12[%add3A_42, %dma_start3A_208] : memref<10240x16xf32, #tpu.memory_space<vmem_shared>> -> memref<80x16xf32, #tpu.memory_space<vmem_shared>>
      tpu.enqueue_dma source(%arg10 : memref<80x16xf32, #tpu.memory_space<vmem>>) target(%dma_start3A_209 : memref<80x16xf32, #tpu.memory_space<vmem_shared>>) target_semaphore(%run_scoped3A_205 : memref<!tpu.dma_semaphore, #tpu.memory_space<semaphore_mem>>)
      %dma_wait3A_210 = arith.constant 0 : i32
      %dma_wait3A_211 = tpu.memref_slice %arg12[%add3A_42, %dma_wait3A_210] : memref<10240x16xf32, #tpu.memory_space<vmem_shared>> -> memref<80x16xf32, #tpu.memory_space<vmem_shared>>
      %dma_wait3A_212 = arith.constant 0 : i32
      %dma_wait3A_213 = tpu.memref_slice %arg12[%add3A_42, %dma_wait3A_212] : memref<10240x16xf32, #tpu.memory_space<vmem_shared>> -> memref<80x16xf32, #tpu.memory_space<vmem_shared>>
      tpu.wait_dma2 semaphore(%run_scoped3A_205 : memref<!tpu.dma_semaphore, #tpu.memory_space<semaphore_mem>>) src(%arg10 : memref<80x16xf32, #tpu.memory_space<vmem>>) dst(%dma_wait3A_213 : memref<80x16xf32, #tpu.memory_space<vmem_shared>>)
      tpu.yield
    }) : () -> ()
    %add3A_43 = arith.constant 480 : i32
    %add3A_44 = arith.addi %mul3A_0, %add3A_43 : i32
    %run_scoped3A_45 = arith.constant 0 : i32
    "tpu.region"() ({
      %run_scoped3A_205 = tpu.sem_alloc : memref<!tpu.dma_semaphore, #tpu.memory_space<semaphore_mem>>
      %dma_start3A_206 = arith.constant 0 : i32
      %dma_start3A_207 = arith.constant 0 : i32
      %dma_start3A_208 = tpu.memref_slice %arg9[%run_scoped3A_45, %dma_start3A_206, %dma_start3A_207] : memref<5x80x64xf32, #tpu.memory_space<vmem>> -> memref<1x80x64xf32, #tpu.memory_space<vmem>>
      %dma_start3A_209 = tpu.memref_squeeze %dma_start3A_208 : memref<1x80x64xf32, #tpu.memory_space<vmem>> -> memref<80x64xf32, #tpu.memory_space<vmem>>
      %dma_start3A_210 = arith.constant 0 : i32
      %dma_start3A_211 = tpu.memref_slice %arg11[%add3A_44, %dma_start3A_210] : memref<10240x64xf32, #tpu.memory_space<vmem_shared>> -> memref<80x64xf32, #tpu.memory_space<vmem_shared>>
      %dma_start3A_212 = arith.constant 0 : i32
      %dma_start3A_213 = tpu.memref_slice %arg11[%add3A_44, %dma_start3A_212] : memref<10240x64xf32, #tpu.memory_space<vmem_shared>> -> memref<80x64xf32, #tpu.memory_space<vmem_shared>>
      %dma_start3A_214 = arith.constant 0 : i32
      %dma_start3A_215 = arith.constant 0 : i32
      %dma_start3A_216 = tpu.memref_slice %arg9[%run_scoped3A_45, %dma_start3A_214, %dma_start3A_215] : memref<5x80x64xf32, #tpu.memory_space<vmem>> -> memref<1x80x64xf32, #tpu.memory_space<vmem>>
      %dma_start3A_217 = tpu.memref_squeeze %dma_start3A_216 : memref<1x80x64xf32, #tpu.memory_space<vmem>> -> memref<80x64xf32, #tpu.memory_space<vmem>>
      tpu.enqueue_dma source(%dma_start3A_217 : memref<80x64xf32, #tpu.memory_space<vmem>>) target(%dma_start3A_213 : memref<80x64xf32, #tpu.memory_space<vmem_shared>>) target_semaphore(%run_scoped3A_205 : memref<!tpu.dma_semaphore, #tpu.memory_space<semaphore_mem>>)
      %dma_wait3A_218 = arith.constant 0 : i32
      %dma_wait3A_219 = arith.constant 0 : i32
      %dma_wait3A_220 = tpu.memref_slice %arg9[%run_scoped3A_45, %dma_wait3A_218, %dma_wait3A_219] : memref<5x80x64xf32, #tpu.memory_space<vmem>> -> memref<1x80x64xf32, #tpu.memory_space<vmem>>
      %dma_wait3A_221 = tpu.memref_squeeze %dma_wait3A_220 : memref<1x80x64xf32, #tpu.memory_space<vmem>> -> memref<80x64xf32, #tpu.memory_space<vmem>>
      %dma_wait3A_222 = arith.constant 0 : i32
      %dma_wait3A_223 = tpu.memref_slice %arg11[%add3A_44, %dma_wait3A_222] : memref<10240x64xf32, #tpu.memory_space<vmem_shared>> -> memref<80x64xf32, #tpu.memory_space<vmem_shared>>
      %dma_wait3A_224 = arith.constant 0 : i32
      %dma_wait3A_225 = tpu.memref_slice %arg11[%add3A_44, %dma_wait3A_224] : memref<10240x64xf32, #tpu.memory_space<vmem_shared>> -> memref<80x64xf32, #tpu.memory_space<vmem_shared>>
      %dma_wait3A_226 = arith.constant 0 : i32
      %dma_wait3A_227 = arith.constant 0 : i32
      %dma_wait3A_228 = tpu.memref_slice %arg9[%run_scoped3A_45, %dma_wait3A_226, %dma_wait3A_227] : memref<5x80x64xf32, #tpu.memory_space<vmem>> -> memref<1x80x64xf32, #tpu.memory_space<vmem>>
      %dma_wait3A_229 = tpu.memref_squeeze %dma_wait3A_228 : memref<1x80x64xf32, #tpu.memory_space<vmem>> -> memref<80x64xf32, #tpu.memory_space<vmem>>
      tpu.wait_dma2 semaphore(%run_scoped3A_205 : memref<!tpu.dma_semaphore, #tpu.memory_space<semaphore_mem>>) src(%dma_wait3A_229 : memref<80x64xf32, #tpu.memory_space<vmem>>) dst(%dma_wait3A_225 : memref<80x64xf32, #tpu.memory_space<vmem_shared>>)
      tpu.yield
    }) : () -> ()
    %add3A_46 = arith.constant 480 : i32
    %add3A_47 = arith.addi %mul3A_0, %add3A_46 : i32
    "tpu.region"() ({
      %run_scoped3A_205 = tpu.sem_alloc : memref<!tpu.dma_semaphore, #tpu.memory_space<semaphore_mem>>
      %dma_start3A_206 = arith.constant 0 : i32
      %dma_start3A_207 = tpu.memref_slice %arg12[%add3A_47, %dma_start3A_206] : memref<10240x16xf32, #tpu.memory_space<vmem_shared>> -> memref<80x16xf32, #tpu.memory_space<vmem_shared>>
      %dma_start3A_208 = arith.constant 0 : i32
      %dma_start3A_209 = tpu.memref_slice %arg12[%add3A_47, %dma_start3A_208] : memref<10240x16xf32, #tpu.memory_space<vmem_shared>> -> memref<80x16xf32, #tpu.memory_space<vmem_shared>>
      tpu.enqueue_dma source(%arg10 : memref<80x16xf32, #tpu.memory_space<vmem>>) target(%dma_start3A_209 : memref<80x16xf32, #tpu.memory_space<vmem_shared>>) target_semaphore(%run_scoped3A_205 : memref<!tpu.dma_semaphore, #tpu.memory_space<semaphore_mem>>)
      %dma_wait3A_210 = arith.constant 0 : i32
      %dma_wait3A_211 = tpu.memref_slice %arg12[%add3A_47, %dma_wait3A_210] : memref<10240x16xf32, #tpu.memory_space<vmem_shared>> -> memref<80x16xf32, #tpu.memory_space<vmem_shared>>
      %dma_wait3A_212 = arith.constant 0 : i32
      %dma_wait3A_213 = tpu.memref_slice %arg12[%add3A_47, %dma_wait3A_212] : memref<10240x16xf32, #tpu.memory_space<vmem_shared>> -> memref<80x16xf32, #tpu.memory_space<vmem_shared>>
      tpu.wait_dma2 semaphore(%run_scoped3A_205 : memref<!tpu.dma_semaphore, #tpu.memory_space<semaphore_mem>>) src(%arg10 : memref<80x16xf32, #tpu.memory_space<vmem>>) dst(%dma_wait3A_213 : memref<80x16xf32, #tpu.memory_space<vmem_shared>>)
      tpu.yield
    }) : () -> ()
    %add3A_48 = arith.constant 560 : i32
    %add3A_49 = arith.addi %mul3A_0, %add3A_48 : i32
    %run_scoped3A_50 = arith.constant 0 : i32
    "tpu.region"() ({
      %run_scoped3A_205 = tpu.sem_alloc : memref<!tpu.dma_semaphore, #tpu.memory_space<semaphore_mem>>
      %dma_start3A_206 = arith.constant 0 : i32
      %dma_start3A_207 = arith.constant 0 : i32
      %dma_start3A_208 = tpu.memref_slice %arg9[%run_scoped3A_50, %dma_start3A_206, %dma_start3A_207] : memref<5x80x64xf32, #tpu.memory_space<vmem>> -> memref<1x80x64xf32, #tpu.memory_space<vmem>>
      %dma_start3A_209 = tpu.memref_squeeze %dma_start3A_208 : memref<1x80x64xf32, #tpu.memory_space<vmem>> -> memref<80x64xf32, #tpu.memory_space<vmem>>
      %dma_start3A_210 = arith.constant 0 : i32
      %dma_start3A_211 = tpu.memref_slice %arg11[%add3A_49, %dma_start3A_210] : memref<10240x64xf32, #tpu.memory_space<vmem_shared>> -> memref<80x64xf32, #tpu.memory_space<vmem_shared>>
      %dma_start3A_212 = arith.constant 0 : i32
      %dma_start3A_213 = tpu.memref_slice %arg11[%add3A_49, %dma_start3A_212] : memref<10240x64xf32, #tpu.memory_space<vmem_shared>> -> memref<80x64xf32, #tpu.memory_space<vmem_shared>>
      %dma_start3A_214 = arith.constant 0 : i32
      %dma_start3A_215 = arith.constant 0 : i32
      %dma_start3A_216 = tpu.memref_slice %arg9[%run_scoped3A_50, %dma_start3A_214, %dma_start3A_215] : memref<5x80x64xf32, #tpu.memory_space<vmem>> -> memref<1x80x64xf32, #tpu.memory_space<vmem>>
      %dma_start3A_217 = tpu.memref_squeeze %dma_start3A_216 : memref<1x80x64xf32, #tpu.memory_space<vmem>> -> memref<80x64xf32, #tpu.memory_space<vmem>>
      tpu.enqueue_dma source(%dma_start3A_217 : memref<80x64xf32, #tpu.memory_space<vmem>>) target(%dma_start3A_213 : memref<80x64xf32, #tpu.memory_space<vmem_shared>>) target_semaphore(%run_scoped3A_205 : memref<!tpu.dma_semaphore, #tpu.memory_space<semaphore_mem>>)
      %dma_wait3A_218 = arith.constant 0 : i32
      %dma_wait3A_219 = arith.constant 0 : i32
      %dma_wait3A_220 = tpu.memref_slice %arg9[%run_scoped3A_50, %dma_wait3A_218, %dma_wait3A_219] : memref<5x80x64xf32, #tpu.memory_space<vmem>> -> memref<1x80x64xf32, #tpu.memory_space<vmem>>
      %dma_wait3A_221 = tpu.memref_squeeze %dma_wait3A_220 : memref<1x80x64xf32, #tpu.memory_space<vmem>> -> memref<80x64xf32, #tpu.memory_space<vmem>>
      %dma_wait3A_222 = arith.constant 0 : i32
      %dma_wait3A_223 = tpu.memref_slice %arg11[%add3A_49, %dma_wait3A_222] : memref<10240x64xf32, #tpu.memory_space<vmem_shared>> -> memref<80x64xf32, #tpu.memory_space<vmem_shared>>
      %dma_wait3A_224 = arith.constant 0 : i32
      %dma_wait3A_225 = tpu.memref_slice %arg11[%add3A_49, %dma_wait3A_224] : memref<10240x64xf32, #tpu.memory_space<vmem_shared>> -> memref<80x64xf32, #tpu.memory_space<vmem_shared>>
      %dma_wait3A_226 = arith.constant 0 : i32
      %dma_wait3A_227 = arith.constant 0 : i32
      %dma_wait3A_228 = tpu.memref_slice %arg9[%run_scoped3A_50, %dma_wait3A_226, %dma_wait3A_227] : memref<5x80x64xf32, #tpu.memory_space<vmem>> -> memref<1x80x64xf32, #tpu.memory_space<vmem>>
      %dma_wait3A_229 = tpu.memref_squeeze %dma_wait3A_228 : memref<1x80x64xf32, #tpu.memory_space<vmem>> -> memref<80x64xf32, #tpu.memory_space<vmem>>
      tpu.wait_dma2 semaphore(%run_scoped3A_205 : memref<!tpu.dma_semaphore, #tpu.memory_space<semaphore_mem>>) src(%dma_wait3A_229 : memref<80x64xf32, #tpu.memory_space<vmem>>) dst(%dma_wait3A_225 : memref<80x64xf32, #tpu.memory_space<vmem_shared>>)
      tpu.yield
    }) : () -> ()
    %add3A_51 = arith.constant 560 : i32
    %add3A_52 = arith.addi %mul3A_0, %add3A_51 : i32
    "tpu.region"() ({
      %run_scoped3A_205 = tpu.sem_alloc : memref<!tpu.dma_semaphore, #tpu.memory_space<semaphore_mem>>
      %dma_start3A_206 = arith.constant 0 : i32
      %dma_start3A_207 = tpu.memref_slice %arg12[%add3A_52, %dma_start3A_206] : memref<10240x16xf32, #tpu.memory_space<vmem_shared>> -> memref<80x16xf32, #tpu.memory_space<vmem_shared>>
      %dma_start3A_208 = arith.constant 0 : i32
      %dma_start3A_209 = tpu.memref_slice %arg12[%add3A_52, %dma_start3A_208] : memref<10240x16xf32, #tpu.memory_space<vmem_shared>> -> memref<80x16xf32, #tpu.memory_space<vmem_shared>>
      tpu.enqueue_dma source(%arg10 : memref<80x16xf32, #tpu.memory_space<vmem>>) target(%dma_start3A_209 : memref<80x16xf32, #tpu.memory_space<vmem_shared>>) target_semaphore(%run_scoped3A_205 : memref<!tpu.dma_semaphore, #tpu.memory_space<semaphore_mem>>)
      %dma_wait3A_210 = arith.constant 0 : i32
      %dma_wait3A_211 = tpu.memref_slice %arg12[%add3A_52, %dma_wait3A_210] : memref<10240x16xf32, #tpu.memory_space<vmem_shared>> -> memref<80x16xf32, #tpu.memory_space<vmem_shared>>
      %dma_wait3A_212 = arith.constant 0 : i32
      %dma_wait3A_213 = tpu.memref_slice %arg12[%add3A_52, %dma_wait3A_212] : memref<10240x16xf32, #tpu.memory_space<vmem_shared>> -> memref<80x16xf32, #tpu.memory_space<vmem_shared>>
      tpu.wait_dma2 semaphore(%run_scoped3A_205 : memref<!tpu.dma_semaphore, #tpu.memory_space<semaphore_mem>>) src(%arg10 : memref<80x16xf32, #tpu.memory_space<vmem>>) dst(%dma_wait3A_213 : memref<80x16xf32, #tpu.memory_space<vmem_shared>>)
      tpu.yield
    }) : () -> ()
    %barrier3A = arith.constant 0 : index
    tpu.barrier barrier_id(%barrier3A)
    %scan3A_53 = arith.constant 0 : i32
    %scan3A_54 = arith.constant 0 : i32
    %scan3A_55 = arith.constant 80 : i32
    %scan3A_56 = arith.addi %scan3A_54, %scan3A_55 : i32
    %scan3A_57 = arith.constant 1 : i32
    %scan3A_58 = scf.for %scan3A_205 = %scan3A_54 to %scan3A_56 step %scan3A_57 iter_args(%scan3A_206 = %scan3A_53) -> (i32)  : i32 {
      %broadcast_in_dim3A = arith.constant 1.000000e+00 : f32
      %broadcast_in_dim3A_207 = vector.broadcast %broadcast_in_dim3A : f32 to vector<16xf32>
      %swap3A = arith.index_cast %scan3A_205 : i32 to index
      %swap3A_208 = arith.constant 0 : index
      %swap3A_209 = tpu.vector_load %arg10[%swap3A, %swap3A_208] {strides = array<i32>} : memref<80x16xf32, #tpu.memory_space<vmem>>, vector<1x16xf32>,
      %swap3A_210 = vector.shape_cast %swap3A_209 : vector<1x16xf32> to vector<16xf32>
      %swap3A_211 = vector.shape_cast %broadcast_in_dim3A_207 : vector<16xf32> to vector<1x16xf32>
      tpu.vector_store %arg10[%swap3A, %swap3A_208], %swap3A_211 {strides = array<i32>} : memref<80x16xf32, #tpu.memory_space<vmem>>, vector<1x16xf32>,
      %scan3A_212 = arith.constant 0 : i32
      scf.yield %scan3A_212 : i32
    }
    %scan3A_59 = arith.constant 80 : i32
    %dma_start3A = arith.constant 0 : i32
    %dma_start3A_60 = arith.constant 0 : i32
    %dma_start3A_61 = arith.constant 0 : i32
    %dma_start3A_62 = arith.constant 0 : i32
    %dma_start3A_63 = tpu.memref_slice %arg9[%dma_start3A_60, %dma_start3A_61, %dma_start3A_62] : memref<5x80x64xf32, #tpu.memory_space<vmem>> -> memref<1x80x64xf32, #tpu.memory_space<vmem>>
    %dma_start3A_64 = tpu.memref_squeeze %dma_start3A_63 : memref<1x80x64xf32, #tpu.memory_space<vmem>> -> memref<80x64xf32, #tpu.memory_space<vmem>>
    %dma_start3A_65 = arith.constant 0 : i32
    %dma_start3A_66 = tpu.memref_slice %arg7[%dma_start3A, %dma_start3A_65] : memref<250x80xi32, #tpu.memory_space<vmem>> -> memref<1x80xi32, #tpu.memory_space<vmem>>
    %dma_start3A_67 = tpu.memref_squeeze %dma_start3A_66 : memref<1x80xi32, #tpu.memory_space<vmem>> -> memref<80xi32, #tpu.memory_space<vmem>>
    %dma_start3A_68 = arith.constant 0 : i32
    %dma_start3A_69 = arith.constant 0 : i32
    %dma_start3A_70 = tpu.memref_slice %arg2[%dma_start3A_68, %dma_start3A_69] : memref<20480x64xf32, #tpu.memory_space<hbm>> -> memref<20480x64xf32, #tpu.memory_space<hbm>>
    tpu.enqueue_indirect_dma source(%dma_start3A_70 : memref<20480x64xf32, #tpu.memory_space<hbm>>) target(%dma_start3A_64 : memref<80x64xf32, #tpu.memory_space<vmem>>) offsets(%dma_start3A_67 : memref<80xi32, #tpu.memory_space<vmem>>) semaphore(%arg13 : memref<!tpu.dma_semaphore, #tpu.memory_space<semaphore_mem>>)
    %dma_start3A_71 = arith.constant 1 : i32
    %dma_start3A_72 = arith.constant 1 : i32
    %dma_start3A_73 = arith.constant 0 : i32
    %dma_start3A_74 = arith.constant 0 : i32
    %dma_start3A_75 = tpu.memref_slice %arg9[%dma_start3A_72, %dma_start3A_73, %dma_start3A_74] : memref<5x80x64xf32, #tpu.memory_space<vmem>> -> memref<1x80x64xf32, #tpu.memory_space<vmem>>
    %dma_start3A_76 = tpu.memref_squeeze %dma_start3A_75 : memref<1x80x64xf32, #tpu.memory_space<vmem>> -> memref<80x64xf32, #tpu.memory_space<vmem>>
    %dma_start3A_77 = arith.constant 0 : i32
    %dma_start3A_78 = tpu.memref_slice %arg7[%dma_start3A_71, %dma_start3A_77] : memref<250x80xi32, #tpu.memory_space<vmem>> -> memref<1x80xi32, #tpu.memory_space<vmem>>
    %dma_start3A_79 = tpu.memref_squeeze %dma_start3A_78 : memref<1x80xi32, #tpu.memory_space<vmem>> -> memref<80xi32, #tpu.memory_space<vmem>>
    %dma_start3A_80 = arith.constant 0 : i32
    %dma_start3A_81 = arith.constant 0 : i32
    %dma_start3A_82 = tpu.memref_slice %arg2[%dma_start3A_80, %dma_start3A_81] : memref<20480x64xf32, #tpu.memory_space<hbm>> -> memref<20480x64xf32, #tpu.memory_space<hbm>>
    tpu.enqueue_indirect_dma source(%dma_start3A_82 : memref<20480x64xf32, #tpu.memory_space<hbm>>) target(%dma_start3A_76 : memref<80x64xf32, #tpu.memory_space<vmem>>) offsets(%dma_start3A_79 : memref<80xi32, #tpu.memory_space<vmem>>) semaphore(%arg14 : memref<!tpu.dma_semaphore, #tpu.memory_space<semaphore_mem>>)
    %dma_start3A_83 = arith.constant 2 : i32
    %dma_start3A_84 = arith.constant 2 : i32
    %dma_start3A_85 = arith.constant 0 : i32
    %dma_start3A_86 = arith.constant 0 : i32
    %dma_start3A_87 = tpu.memref_slice %arg9[%dma_start3A_84, %dma_start3A_85, %dma_start3A_86] : memref<5x80x64xf32, #tpu.memory_space<vmem>> -> memref<1x80x64xf32, #tpu.memory_space<vmem>>
    %dma_start3A_88 = tpu.memref_squeeze %dma_start3A_87 : memref<1x80x64xf32, #tpu.memory_space<vmem>> -> memref<80x64xf32, #tpu.memory_space<vmem>>
    %dma_start3A_89 = arith.constant 0 : i32
    %dma_start3A_90 = tpu.memref_slice %arg7[%dma_start3A_83, %dma_start3A_89] : memref<250x80xi32, #tpu.memory_space<vmem>> -> memref<1x80xi32, #tpu.memory_space<vmem>>
    %dma_start3A_91 = tpu.memref_squeeze %dma_start3A_90 : memref<1x80xi32, #tpu.memory_space<vmem>> -> memref<80xi32, #tpu.memory_space<vmem>>
    %dma_start3A_92 = arith.constant 0 : i32
    %dma_start3A_93 = arith.constant 0 : i32
    %dma_start3A_94 = tpu.memref_slice %arg2[%dma_start3A_92, %dma_start3A_93] : memref<20480x64xf32, #tpu.memory_space<hbm>> -> memref<20480x64xf32, #tpu.memory_space<hbm>>
    tpu.enqueue_indirect_dma source(%dma_start3A_94 : memref<20480x64xf32, #tpu.memory_space<hbm>>) target(%dma_start3A_88 : memref<80x64xf32, #tpu.memory_space<vmem>>) offsets(%dma_start3A_91 : memref<80xi32, #tpu.memory_space<vmem>>) semaphore(%arg15 : memref<!tpu.dma_semaphore, #tpu.memory_space<semaphore_mem>>)
    %dma_start3A_95 = arith.constant 3 : i32
    %dma_start3A_96 = arith.constant 3 : i32
    %dma_start3A_97 = arith.constant 0 : i32
    %dma_start3A_98 = arith.constant 0 : i32
    %dma_start3A_99 = tpu.memref_slice %arg9[%dma_start3A_96, %dma_start3A_97, %dma_start3A_98] : memref<5x80x64xf32, #tpu.memory_space<vmem>> -> memref<1x80x64xf32, #tpu.memory_space<vmem>>
    %dma_start3A_100 = tpu.memref_squeeze %dma_start3A_99 : memref<1x80x64xf32, #tpu.memory_space<vmem>> -> memref<80x64xf32, #tpu.memory_space<vmem>>
    %dma_start3A_101 = arith.constant 0 : i32
    %dma_start3A_102 = tpu.memref_slice %arg7[%dma_start3A_95, %dma_start3A_101] : memref<250x80xi32, #tpu.memory_space<vmem>> -> memref<1x80xi32, #tpu.memory_space<vmem>>
    %dma_start3A_103 = tpu.memref_squeeze %dma_start3A_102 : memref<1x80xi32, #tpu.memory_space<vmem>> -> memref<80xi32, #tpu.memory_space<vmem>>
    %dma_start3A_104 = arith.constant 0 : i32
    %dma_start3A_105 = arith.constant 0 : i32
    %dma_start3A_106 = tpu.memref_slice %arg2[%dma_start3A_104, %dma_start3A_105] : memref<20480x64xf32, #tpu.memory_space<hbm>> -> memref<20480x64xf32, #tpu.memory_space<hbm>>
    tpu.enqueue_indirect_dma source(%dma_start3A_106 : memref<20480x64xf32, #tpu.memory_space<hbm>>) target(%dma_start3A_100 : memref<80x64xf32, #tpu.memory_space<vmem>>) offsets(%dma_start3A_103 : memref<80xi32, #tpu.memory_space<vmem>>) semaphore(%arg16 : memref<!tpu.dma_semaphore, #tpu.memory_space<semaphore_mem>>)
    %scan3A_107 = arith.constant 0 : i32
    %scan3A_108 = arith.constant 0 : i32
    %scan3A_109 = arith.constant 50 : i32
    %scan3A_110 = arith.addi %scan3A_108, %scan3A_109 : i32
    %scan3A_111 = arith.constant 1 : i32
    %scan3A_112 = scf.for %scan3A_205 = %scan3A_108 to %scan3A_110 step %scan3A_111 iter_args(%scan3A_206 = %scan3A_107) -> (i32)  : i32 {
      %mul3A_207 = arith.constant 5 : i32
      %mul3A_208 = arith.muli %scan3A_205, %mul3A_207 : i32
      %add3A_209 = arith.constant 0 : i32
      %add3A_210 = arith.addi %mul3A_208, %add3A_209 : i32
      %dma_wait3A_211 = arith.constant 0 : i32
      %dma_wait3A_212 = arith.constant 0 : i32
      %dma_wait3A_213 = arith.constant 0 : i32
      %dma_wait3A_214 = tpu.memref_slice %arg9[%dma_wait3A_211, %dma_wait3A_212, %dma_wait3A_213] : memref<5x80x64xf32, #tpu.memory_space<vmem>> -> memref<1x80x64xf32, #tpu.memory_space<vmem>>
      %dma_wait3A_215 = tpu.memref_squeeze %dma_wait3A_214 : memref<1x80x64xf32, #tpu.memory_space<vmem>> -> memref<80x64xf32, #tpu.memory_space<vmem>>
      %dma_wait3A_216 = arith.constant 0 : i32
      %dma_wait3A_217 = tpu.memref_slice %arg7[%add3A_210, %dma_wait3A_216] : memref<250x80xi32, #tpu.memory_space<vmem>> -> memref<1x80xi32, #tpu.memory_space<vmem>>
      %dma_wait3A_218 = tpu.memref_squeeze %dma_wait3A_217 : memref<1x80xi32, #tpu.memory_space<vmem>> -> memref<80xi32, #tpu.memory_space<vmem>>
      %dma_wait3A_219 = arith.constant 0 : i32
      %dma_wait3A_220 = arith.constant 0 : i32
      %dma_wait3A_221 = tpu.memref_slice %arg2[%dma_wait3A_219, %dma_wait3A_220] : memref<20480x64xf32, #tpu.memory_space<hbm>> -> memref<20480x64xf32, #tpu.memory_space<hbm>>
      tpu.wait_indirect_dma semaphore(%arg13 : memref<!tpu.dma_semaphore, #tpu.memory_space<semaphore_mem>>) src(%dma_wait3A_221 : memref<20480x64xf32, #tpu.memory_space<hbm>>) dst(%dma_wait3A_215 : memref<80x64xf32, #tpu.memory_space<vmem>>)
      %dma_start3A_222 = arith.constant 0 : i32
      %dma_start3A_223 = arith.constant 0 : i32
      %dma_start3A_224 = arith.constant 0 : i32
      %dma_start3A_225 = tpu.memref_slice %arg9[%dma_start3A_222, %dma_start3A_223, %dma_start3A_224] : memref<5x80x64xf32, #tpu.memory_space<vmem>> -> memref<1x80x64xf32, #tpu.memory_space<vmem>>
      %dma_start3A_226 = tpu.memref_squeeze %dma_start3A_225 : memref<1x80x64xf32, #tpu.memory_space<vmem>> -> memref<80x64xf32, #tpu.memory_space<vmem>>
      %dma_start3A_227 = arith.constant 0 : i32
      %dma_start3A_228 = tpu.memref_slice %arg8[%add3A_210, %dma_start3A_227] : memref<250x80xi32, #tpu.memory_space<vmem>> -> memref<1x80xi32, #tpu.memory_space<vmem>>
      %dma_start3A_229 = tpu.memref_squeeze %dma_start3A_228 : memref<1x80xi32, #tpu.memory_space<vmem>> -> memref<80xi32, #tpu.memory_space<vmem>>
      %dma_start3A_230 = arith.constant 0 : i32
      %dma_start3A_231 = arith.constant 0 : i32
      %dma_start3A_232 = tpu.memref_slice %arg11[%dma_start3A_230, %dma_start3A_231] : memref<10240x64xf32, #tpu.memory_space<vmem_shared>> -> memref<10240x64xf32, #tpu.memory_space<vmem_shared>>
      tpu.enqueue_indirect_dma source(%dma_start3A_226 : memref<80x64xf32, #tpu.memory_space<vmem>>) target(%dma_start3A_232 : memref<10240x64xf32, #tpu.memory_space<vmem_shared>>) offsets(%dma_start3A_229 : memref<80xi32, #tpu.memory_space<vmem>>) semaphore(%arg18 : memref<!tpu.dma_semaphore, #tpu.memory_space<semaphore_mem>>) {add = true}
      %eq3A_233 = arith.constant 0 : i32
      %eq3A_234 = arith.cmpi eq, %arg0, %eq3A_233 : i32
      %convert_element_type3A_235 = arith.extui %eq3A_234 : i1 to i32
      %cond3A_236 = arith.constant 0 : i32
      %cond3A_237 = arith.cmpi ne, %convert_element_type3A_235, %cond3A_236 : i32
      scf.if %cond3A_237 {
        %dma_start3A_397 = arith.constant 0 : i32
        %dma_start3A_398 = tpu.memref_slice %arg8[%add3A_210, %dma_start3A_397] : memref<250x80xi32, #tpu.memory_space<vmem>> -> memref<1x80xi32, #tpu.memory_space<vmem>>
        %dma_start3A_399 = tpu.memref_squeeze %dma_start3A_398 : memref<1x80xi32, #tpu.memory_space<vmem>> -> memref<80xi32, #tpu.memory_space<vmem>>
        %dma_start3A_400 = arith.constant 0 : i32
        %dma_start3A_401 = arith.constant 0 : i32
        %dma_start3A_402 = tpu.memref_slice %arg12[%dma_start3A_400, %dma_start3A_401] : memref<10240x16xf32, #tpu.memory_space<vmem_shared>> -> memref<10240x16xf32, #tpu.memory_space<vmem_shared>>
        tpu.enqueue_indirect_dma source(%arg10 : memref<80x16xf32, #tpu.memory_space<vmem>>) target(%dma_start3A_402 : memref<10240x16xf32, #tpu.memory_space<vmem_shared>>) offsets(%dma_start3A_399 : memref<80xi32, #tpu.memory_space<vmem>>) semaphore(%arg23 : memref<!tpu.dma_semaphore, #tpu.memory_space<semaphore_mem>>) {add = true}
      } else {
      }
      %add3A_238 = arith.constant 4 : i32
      %add3A_239 = arith.addi %add3A_210, %add3A_238 : i32
      %lt3A = arith.constant 250 : i32
      %lt3A_240 = arith.cmpi slt, %add3A_239, %lt3A : i32
      %convert_element_type3A_241 = arith.extui %lt3A_240 : i1 to i32
      %cond3A_242 = arith.constant 0 : i32
      %cond3A_243 = arith.cmpi ne, %convert_element_type3A_241, %cond3A_242 : i32
      scf.if %cond3A_243 {
        %ge3A = arith.constant 5 : i32
        %ge3A_397 = arith.cmpi sge, %add3A_239, %ge3A : i32
        %convert_element_type3A_398 = arith.extui %ge3A_397 : i1 to i32
        %cond3A_399 = arith.constant 0 : i32
        %cond3A_400 = arith.cmpi ne, %convert_element_type3A_398, %cond3A_399 : i32
        scf.if %cond3A_400 {
          %sub3A = arith.constant 5 : i32
          %sub3A_412 = arith.subi %add3A_239, %sub3A : i32
          %dma_wait3A_413 = arith.constant 4 : i32
          %dma_wait3A_414 = arith.constant 0 : i32
          %dma_wait3A_415 = arith.constant 0 : i32
          %dma_wait3A_416 = tpu.memref_slice %arg9[%dma_wait3A_413, %dma_wait3A_414, %dma_wait3A_415] : memref<5x80x64xf32, #tpu.memory_space<vmem>> -> memref<1x80x64xf32, #tpu.memory_space<vmem>>
          %dma_wait3A_417 = tpu.memref_squeeze %dma_wait3A_416 : memref<1x80x64xf32, #tpu.memory_space<vmem>> -> memref<80x64xf32, #tpu.memory_space<vmem>>
          %dma_wait3A_418 = arith.constant 0 : i32
          %dma_wait3A_419 = tpu.memref_slice %arg8[%sub3A_412, %dma_wait3A_418] : memref<250x80xi32, #tpu.memory_space<vmem>> -> memref<1x80xi32, #tpu.memory_space<vmem>>
          %dma_wait3A_420 = tpu.memref_squeeze %dma_wait3A_419 : memref<1x80xi32, #tpu.memory_space<vmem>> -> memref<80xi32, #tpu.memory_space<vmem>>
          %dma_wait3A_421 = arith.constant 0 : i32
          %dma_wait3A_422 = arith.constant 0 : i32
          %dma_wait3A_423 = tpu.memref_slice %arg11[%dma_wait3A_421, %dma_wait3A_422] : memref<10240x64xf32, #tpu.memory_space<vmem_shared>> -> memref<10240x64xf32, #tpu.memory_space<vmem_shared>>
          tpu.wait_indirect_dma semaphore(%arg22 : memref<!tpu.dma_semaphore, #tpu.memory_space<semaphore_mem>>) src(%dma_wait3A_417 : memref<80x64xf32, #tpu.memory_space<vmem>>) dst(%dma_wait3A_423 : memref<10240x64xf32, #tpu.memory_space<vmem_shared>>)
          %eq3A_424 = arith.constant 0 : i32
          %eq3A_425 = arith.cmpi eq, %arg0, %eq3A_424 : i32
          %convert_element_type3A_426 = arith.extui %eq3A_425 : i1 to i32
          %cond3A_427 = arith.constant 0 : i32
          %cond3A_428 = arith.cmpi ne, %convert_element_type3A_426, %cond3A_427 : i32
          scf.if %cond3A_428 {
            %sub3A_429 = arith.constant 5 : i32
            %sub3A_430 = arith.subi %add3A_239, %sub3A_429 : i32
            %dma_wait3A_431 = arith.constant 0 : i32
            %dma_wait3A_432 = tpu.memref_slice %arg8[%sub3A_430, %dma_wait3A_431] : memref<250x80xi32, #tpu.memory_space<vmem>> -> memref<1x80xi32, #tpu.memory_space<vmem>>
            %dma_wait3A_433 = tpu.memref_squeeze %dma_wait3A_432 : memref<1x80xi32, #tpu.memory_space<vmem>> -> memref<80xi32, #tpu.memory_space<vmem>>
            %dma_wait3A_434 = arith.constant 0 : i32
            %dma_wait3A_435 = arith.constant 0 : i32
            %dma_wait3A_436 = tpu.memref_slice %arg12[%dma_wait3A_434, %dma_wait3A_435] : memref<10240x16xf32, #tpu.memory_space<vmem_shared>> -> memref<10240x16xf32, #tpu.memory_space<vmem_shared>>
            tpu.wait_indirect_dma semaphore(%arg27 : memref<!tpu.dma_semaphore, #tpu.memory_space<semaphore_mem>>) src(%arg10 : memref<80x16xf32, #tpu.memory_space<vmem>>) dst(%dma_wait3A_436 : memref<10240x16xf32, #tpu.memory_space<vmem_shared>>)
          } else {
          }
        } else {
        }
        %dma_start3A_401 = arith.constant 4 : i32
        %dma_start3A_402 = arith.constant 0 : i32
        %dma_start3A_403 = arith.constant 0 : i32
        %dma_start3A_404 = tpu.memref_slice %arg9[%dma_start3A_401, %dma_start3A_402, %dma_start3A_403] : memref<5x80x64xf32, #tpu.memory_space<vmem>> -> memref<1x80x64xf32, #tpu.memory_space<vmem>>
        %dma_start3A_405 = tpu.memref_squeeze %dma_start3A_404 : memref<1x80x64xf32, #tpu.memory_space<vmem>> -> memref<80x64xf32, #tpu.memory_space<vmem>>
        %dma_start3A_406 = arith.constant 0 : i32
        %dma_start3A_407 = tpu.memref_slice %arg7[%add3A_239, %dma_start3A_406] : memref<250x80xi32, #tpu.memory_space<vmem>> -> memref<1x80xi32, #tpu.memory_space<vmem>>
        %dma_start3A_408 = tpu.memref_squeeze %dma_start3A_407 : memref<1x80xi32, #tpu.memory_space<vmem>> -> memref<80xi32, #tpu.memory_space<vmem>>
        %dma_start3A_409 = arith.constant 0 : i32
        %dma_start3A_410 = arith.constant 0 : i32
        %dma_start3A_411 = tpu.memref_slice %arg2[%dma_start3A_409, %dma_start3A_410] : memref<20480x64xf32, #tpu.memory_space<hbm>> -> memref<20480x64xf32, #tpu.memory_space<hbm>>
        tpu.enqueue_indirect_dma source(%dma_start3A_411 : memref<20480x64xf32, #tpu.memory_space<hbm>>) target(%dma_start3A_405 : memref<80x64xf32, #tpu.memory_space<vmem>>) offsets(%dma_start3A_408 : memref<80xi32, #tpu.memory_space<vmem>>) semaphore(%arg17 : memref<!tpu.dma_semaphore, #tpu.memory_space<semaphore_mem>>)
      } else {
      }
      %mul3A_244 = arith.constant 5 : i32
      %mul3A_245 = arith.muli %scan3A_205, %mul3A_244 : i32
      %add3A_246 = arith.constant 1 : i32
      %add3A_247 = arith.addi %mul3A_245, %add3A_246 : i32
      %dma_wait3A_248 = arith.constant 1 : i32
      %dma_wait3A_249 = arith.constant 0 : i32
      %dma_wait3A_250 = arith.constant 0 : i32
      %dma_wait3A_251 = tpu.memref_slice %arg9[%dma_wait3A_248, %dma_wait3A_249, %dma_wait3A_250] : memref<5x80x64xf32, #tpu.memory_space<vmem>> -> memref<1x80x64xf32, #tpu.memory_space<vmem>>
      %dma_wait3A_252 = tpu.memref_squeeze %dma_wait3A_251 : memref<1x80x64xf32, #tpu.memory_space<vmem>> -> memref<80x64xf32, #tpu.memory_space<vmem>>
      %dma_wait3A_253 = arith.constant 0 : i32
      %dma_wait3A_254 = tpu.memref_slice %arg7[%add3A_247, %dma_wait3A_253] : memref<250x80xi32, #tpu.memory_space<vmem>> -> memref<1x80xi32, #tpu.memory_space<vmem>>
      %dma_wait3A_255 = tpu.memref_squeeze %dma_wait3A_254 : memref<1x80xi32, #tpu.memory_space<vmem>> -> memref<80xi32, #tpu.memory_space<vmem>>
      %dma_wait3A_256 = arith.constant 0 : i32
      %dma_wait3A_257 = arith.constant 0 : i32
      %dma_wait3A_258 = tpu.memref_slice %arg2[%dma_wait3A_256, %dma_wait3A_257] : memref<20480x64xf32, #tpu.memory_space<hbm>> -> memref<20480x64xf32, #tpu.memory_space<hbm>>
      tpu.wait_indirect_dma semaphore(%arg14 : memref<!tpu.dma_semaphore, #tpu.memory_space<semaphore_mem>>) src(%dma_wait3A_258 : memref<20480x64xf32, #tpu.memory_space<hbm>>) dst(%dma_wait3A_252 : memref<80x64xf32, #tpu.memory_space<vmem>>)
      %dma_start3A_259 = arith.constant 1 : i32
      %dma_start3A_260 = arith.constant 0 : i32
      %dma_start3A_261 = arith.constant 0 : i32
      %dma_start3A_262 = tpu.memref_slice %arg9[%dma_start3A_259, %dma_start3A_260, %dma_start3A_261] : memref<5x80x64xf32, #tpu.memory_space<vmem>> -> memref<1x80x64xf32, #tpu.memory_space<vmem>>
      %dma_start3A_263 = tpu.memref_squeeze %dma_start3A_262 : memref<1x80x64xf32, #tpu.memory_space<vmem>> -> memref<80x64xf32, #tpu.memory_space<vmem>>
      %dma_start3A_264 = arith.constant 0 : i32
      %dma_start3A_265 = tpu.memref_slice %arg8[%add3A_247, %dma_start3A_264] : memref<250x80xi32, #tpu.memory_space<vmem>> -> memref<1x80xi32, #tpu.memory_space<vmem>>
      %dma_start3A_266 = tpu.memref_squeeze %dma_start3A_265 : memref<1x80xi32, #tpu.memory_space<vmem>> -> memref<80xi32, #tpu.memory_space<vmem>>
      %dma_start3A_267 = arith.constant 0 : i32
      %dma_start3A_268 = arith.constant 0 : i32
      %dma_start3A_269 = tpu.memref_slice %arg11[%dma_start3A_267, %dma_start3A_268] : memref<10240x64xf32, #tpu.memory_space<vmem_shared>> -> memref<10240x64xf32, #tpu.memory_space<vmem_shared>>
      tpu.enqueue_indirect_dma source(%dma_start3A_263 : memref<80x64xf32, #tpu.memory_space<vmem>>) target(%dma_start3A_269 : memref<10240x64xf32, #tpu.memory_space<vmem_shared>>) offsets(%dma_start3A_266 : memref<80xi32, #tpu.memory_space<vmem>>) semaphore(%arg19 : memref<!tpu.dma_semaphore, #tpu.memory_space<semaphore_mem>>) {add = true}
      %eq3A_270 = arith.constant 0 : i32
      %eq3A_271 = arith.cmpi eq, %arg0, %eq3A_270 : i32
      %convert_element_type3A_272 = arith.extui %eq3A_271 : i1 to i32
      %cond3A_273 = arith.constant 0 : i32
      %cond3A_274 = arith.cmpi ne, %convert_element_type3A_272, %cond3A_273 : i32
      scf.if %cond3A_274 {
        %dma_start3A_397 = arith.constant 0 : i32
        %dma_start3A_398 = tpu.memref_slice %arg8[%add3A_247, %dma_start3A_397] : memref<250x80xi32, #tpu.memory_space<vmem>> -> memref<1x80xi32, #tpu.memory_space<vmem>>
        %dma_start3A_399 = tpu.memref_squeeze %dma_start3A_398 : memref<1x80xi32, #tpu.memory_space<vmem>> -> memref<80xi32, #tpu.memory_space<vmem>>
        %dma_start3A_400 = arith.constant 0 : i32
        %dma_start3A_401 = arith.constant 0 : i32
        %dma_start3A_402 = tpu.memref_slice %arg12[%dma_start3A_400, %dma_start3A_401] : memref<10240x16xf32, #tpu.memory_space<vmem_shared>> -> memref<10240x16xf32, #tpu.memory_space<vmem_shared>>
        tpu.enqueue_indirect_dma source(%arg10 : memref<80x16xf32, #tpu.memory_space<vmem>>) target(%dma_start3A_402 : memref<10240x16xf32, #tpu.memory_space<vmem_shared>>) offsets(%dma_start3A_399 : memref<80xi32, #tpu.memory_space<vmem>>) semaphore(%arg24 : memref<!tpu.dma_semaphore, #tpu.memory_space<semaphore_mem>>) {add = true}
      } else {
      }
      %add3A_275 = arith.constant 4 : i32
      %add3A_276 = arith.addi %add3A_247, %add3A_275 : i32
      %lt3A_277 = arith.constant 250 : i32
      %lt3A_278 = arith.cmpi slt, %add3A_276, %lt3A_277 : i32
      %convert_element_type3A_279 = arith.extui %lt3A_278 : i1 to i32
      %cond3A_280 = arith.constant 0 : i32
      %cond3A_281 = arith.cmpi ne, %convert_element_type3A_279, %cond3A_280 : i32
      scf.if %cond3A_281 {
        %ge3A = arith.constant 5 : i32
        %ge3A_397 = arith.cmpi sge, %add3A_276, %ge3A : i32
        %convert_element_type3A_398 = arith.extui %ge3A_397 : i1 to i32
        %cond3A_399 = arith.constant 0 : i32
        %cond3A_400 = arith.cmpi ne, %convert_element_type3A_398, %cond3A_399 : i32
        scf.if %cond3A_400 {
          %sub3A = arith.constant 5 : i32
          %sub3A_412 = arith.subi %add3A_276, %sub3A : i32
          %dma_wait3A_413 = arith.constant 0 : i32
          %dma_wait3A_414 = arith.constant 0 : i32
          %dma_wait3A_415 = arith.constant 0 : i32
          %dma_wait3A_416 = tpu.memref_slice %arg9[%dma_wait3A_413, %dma_wait3A_414, %dma_wait3A_415] : memref<5x80x64xf32, #tpu.memory_space<vmem>> -> memref<1x80x64xf32, #tpu.memory_space<vmem>>
          %dma_wait3A_417 = tpu.memref_squeeze %dma_wait3A_416 : memref<1x80x64xf32, #tpu.memory_space<vmem>> -> memref<80x64xf32, #tpu.memory_space<vmem>>
          %dma_wait3A_418 = arith.constant 0 : i32
          %dma_wait3A_419 = tpu.memref_slice %arg8[%sub3A_412, %dma_wait3A_418] : memref<250x80xi32, #tpu.memory_space<vmem>> -> memref<1x80xi32, #tpu.memory_space<vmem>>
          %dma_wait3A_420 = tpu.memref_squeeze %dma_wait3A_419 : memref<1x80xi32, #tpu.memory_space<vmem>> -> memref<80xi32, #tpu.memory_space<vmem>>
          %dma_wait3A_421 = arith.constant 0 : i32
          %dma_wait3A_422 = arith.constant 0 : i32
          %dma_wait3A_423 = tpu.memref_slice %arg11[%dma_wait3A_421, %dma_wait3A_422] : memref<10240x64xf32, #tpu.memory_space<vmem_shared>> -> memref<10240x64xf32, #tpu.memory_space<vmem_shared>>
          tpu.wait_indirect_dma semaphore(%arg18 : memref<!tpu.dma_semaphore, #tpu.memory_space<semaphore_mem>>) src(%dma_wait3A_417 : memref<80x64xf32, #tpu.memory_space<vmem>>) dst(%dma_wait3A_423 : memref<10240x64xf32, #tpu.memory_space<vmem_shared>>)
          %eq3A_424 = arith.constant 0 : i32
          %eq3A_425 = arith.cmpi eq, %arg0, %eq3A_424 : i32
          %convert_element_type3A_426 = arith.extui %eq3A_425 : i1 to i32
          %cond3A_427 = arith.constant 0 : i32
          %cond3A_428 = arith.cmpi ne, %convert_element_type3A_426, %cond3A_427 : i32
          scf.if %cond3A_428 {
            %sub3A_429 = arith.constant 5 : i32
            %sub3A_430 = arith.subi %add3A_276, %sub3A_429 : i32
            %dma_wait3A_431 = arith.constant 0 : i32
            %dma_wait3A_432 = tpu.memref_slice %arg8[%sub3A_430, %dma_wait3A_431] : memref<250x80xi32, #tpu.memory_space<vmem>> -> memref<1x80xi32, #tpu.memory_space<vmem>>
            %dma_wait3A_433 = tpu.memref_squeeze %dma_wait3A_432 : memref<1x80xi32, #tpu.memory_space<vmem>> -> memref<80xi32, #tpu.memory_space<vmem>>
            %dma_wait3A_434 = arith.constant 0 : i32
            %dma_wait3A_435 = arith.constant 0 : i32
            %dma_wait3A_436 = tpu.memref_slice %arg12[%dma_wait3A_434, %dma_wait3A_435] : memref<10240x16xf32, #tpu.memory_space<vmem_shared>> -> memref<10240x16xf32, #tpu.memory_space<vmem_shared>>
            tpu.wait_indirect_dma semaphore(%arg23 : memref<!tpu.dma_semaphore, #tpu.memory_space<semaphore_mem>>) src(%arg10 : memref<80x16xf32, #tpu.memory_space<vmem>>) dst(%dma_wait3A_436 : memref<10240x16xf32, #tpu.memory_space<vmem_shared>>)
          } else {
          }
        } else {
        }
        %dma_start3A_401 = arith.constant 0 : i32
        %dma_start3A_402 = arith.constant 0 : i32
        %dma_start3A_403 = arith.constant 0 : i32
        %dma_start3A_404 = tpu.memref_slice %arg9[%dma_start3A_401, %dma_start3A_402, %dma_start3A_403] : memref<5x80x64xf32, #tpu.memory_space<vmem>> -> memref<1x80x64xf32, #tpu.memory_space<vmem>>
        %dma_start3A_405 = tpu.memref_squeeze %dma_start3A_404 : memref<1x80x64xf32, #tpu.memory_space<vmem>> -> memref<80x64xf32, #tpu.memory_space<vmem>>
        %dma_start3A_406 = arith.constant 0 : i32
        %dma_start3A_407 = tpu.memref_slice %arg7[%add3A_276, %dma_start3A_406] : memref<250x80xi32, #tpu.memory_space<vmem>> -> memref<1x80xi32, #tpu.memory_space<vmem>>
        %dma_start3A_408 = tpu.memref_squeeze %dma_start3A_407 : memref<1x80xi32, #tpu.memory_space<vmem>> -> memref<80xi32, #tpu.memory_space<vmem>>
        %dma_start3A_409 = arith.constant 0 : i32
        %dma_start3A_410 = arith.constant 0 : i32
        %dma_start3A_411 = tpu.memref_slice %arg2[%dma_start3A_409, %dma_start3A_410] : memref<20480x64xf32, #tpu.memory_space<hbm>> -> memref<20480x64xf32, #tpu.memory_space<hbm>>
        tpu.enqueue_indirect_dma source(%dma_start3A_411 : memref<20480x64xf32, #tpu.memory_space<hbm>>) target(%dma_start3A_405 : memref<80x64xf32, #tpu.memory_space<vmem>>) offsets(%dma_start3A_408 : memref<80xi32, #tpu.memory_space<vmem>>) semaphore(%arg13 : memref<!tpu.dma_semaphore, #tpu.memory_space<semaphore_mem>>)
      } else {
      }
      %mul3A_282 = arith.constant 5 : i32
      %mul3A_283 = arith.muli %scan3A_205, %mul3A_282 : i32
      %add3A_284 = arith.constant 2 : i32
      %add3A_285 = arith.addi %mul3A_283, %add3A_284 : i32
      %dma_wait3A_286 = arith.constant 2 : i32
      %dma_wait3A_287 = arith.constant 0 : i32
      %dma_wait3A_288 = arith.constant 0 : i32
      %dma_wait3A_289 = tpu.memref_slice %arg9[%dma_wait3A_286, %dma_wait3A_287, %dma_wait3A_288] : memref<5x80x64xf32, #tpu.memory_space<vmem>> -> memref<1x80x64xf32, #tpu.memory_space<vmem>>
      %dma_wait3A_290 = tpu.memref_squeeze %dma_wait3A_289 : memref<1x80x64xf32, #tpu.memory_space<vmem>> -> memref<80x64xf32, #tpu.memory_space<vmem>>
      %dma_wait3A_291 = arith.constant 0 : i32
      %dma_wait3A_292 = tpu.memref_slice %arg7[%add3A_285, %dma_wait3A_291] : memref<250x80xi32, #tpu.memory_space<vmem>> -> memref<1x80xi32, #tpu.memory_space<vmem>>
      %dma_wait3A_293 = tpu.memref_squeeze %dma_wait3A_292 : memref<1x80xi32, #tpu.memory_space<vmem>> -> memref<80xi32, #tpu.memory_space<vmem>>
      %dma_wait3A_294 = arith.constant 0 : i32
      %dma_wait3A_295 = arith.constant 0 : i32
      %dma_wait3A_296 = tpu.memref_slice %arg2[%dma_wait3A_294, %dma_wait3A_295] : memref<20480x64xf32, #tpu.memory_space<hbm>> -> memref<20480x64xf32, #tpu.memory_space<hbm>>
      tpu.wait_indirect_dma semaphore(%arg15 : memref<!tpu.dma_semaphore, #tpu.memory_space<semaphore_mem>>) src(%dma_wait3A_296 : memref<20480x64xf32, #tpu.memory_space<hbm>>) dst(%dma_wait3A_290 : memref<80x64xf32, #tpu.memory_space<vmem>>)
      %dma_start3A_297 = arith.constant 2 : i32
      %dma_start3A_298 = arith.constant 0 : i32
      %dma_start3A_299 = arith.constant 0 : i32
      %dma_start3A_300 = tpu.memref_slice %arg9[%dma_start3A_297, %dma_start3A_298, %dma_start3A_299] : memref<5x80x64xf32, #tpu.memory_space<vmem>> -> memref<1x80x64xf32, #tpu.memory_space<vmem>>
      %dma_start3A_301 = tpu.memref_squeeze %dma_start3A_300 : memref<1x80x64xf32, #tpu.memory_space<vmem>> -> memref<80x64xf32, #tpu.memory_space<vmem>>
      %dma_start3A_302 = arith.constant 0 : i32
      %dma_start3A_303 = tpu.memref_slice %arg8[%add3A_285, %dma_start3A_302] : memref<250x80xi32, #tpu.memory_space<vmem>> -> memref<1x80xi32, #tpu.memory_space<vmem>>
      %dma_start3A_304 = tpu.memref_squeeze %dma_start3A_303 : memref<1x80xi32, #tpu.memory_space<vmem>> -> memref<80xi32, #tpu.memory_space<vmem>>
      %dma_start3A_305 = arith.constant 0 : i32
      %dma_start3A_306 = arith.constant 0 : i32
      %dma_start3A_307 = tpu.memref_slice %arg11[%dma_start3A_305, %dma_start3A_306] : memref<10240x64xf32, #tpu.memory_space<vmem_shared>> -> memref<10240x64xf32, #tpu.memory_space<vmem_shared>>
      tpu.enqueue_indirect_dma source(%dma_start3A_301 : memref<80x64xf32, #tpu.memory_space<vmem>>) target(%dma_start3A_307 : memref<10240x64xf32, #tpu.memory_space<vmem_shared>>) offsets(%dma_start3A_304 : memref<80xi32, #tpu.memory_space<vmem>>) semaphore(%arg20 : memref<!tpu.dma_semaphore, #tpu.memory_space<semaphore_mem>>) {add = true}
      %eq3A_308 = arith.constant 0 : i32
      %eq3A_309 = arith.cmpi eq, %arg0, %eq3A_308 : i32
      %convert_element_type3A_310 = arith.extui %eq3A_309 : i1 to i32
      %cond3A_311 = arith.constant 0 : i32
      %cond3A_312 = arith.cmpi ne, %convert_element_type3A_310, %cond3A_311 : i32
      scf.if %cond3A_312 {
        %dma_start3A_397 = arith.constant 0 : i32
        %dma_start3A_398 = tpu.memref_slice %arg8[%add3A_285, %dma_start3A_397] : memref<250x80xi32, #tpu.memory_space<vmem>> -> memref<1x80xi32, #tpu.memory_space<vmem>>
        %dma_start3A_399 = tpu.memref_squeeze %dma_start3A_398 : memref<1x80xi32, #tpu.memory_space<vmem>> -> memref<80xi32, #tpu.memory_space<vmem>>
        %dma_start3A_400 = arith.constant 0 : i32
        %dma_start3A_401 = arith.constant 0 : i32
        %dma_start3A_402 = tpu.memref_slice %arg12[%dma_start3A_400, %dma_start3A_401] : memref<10240x16xf32, #tpu.memory_space<vmem_shared>> -> memref<10240x16xf32, #tpu.memory_space<vmem_shared>>
        tpu.enqueue_indirect_dma source(%arg10 : memref<80x16xf32, #tpu.memory_space<vmem>>) target(%dma_start3A_402 : memref<10240x16xf32, #tpu.memory_space<vmem_shared>>) offsets(%dma_start3A_399 : memref<80xi32, #tpu.memory_space<vmem>>) semaphore(%arg25 : memref<!tpu.dma_semaphore, #tpu.memory_space<semaphore_mem>>) {add = true}
      } else {
      }
      %add3A_313 = arith.constant 4 : i32
      %add3A_314 = arith.addi %add3A_285, %add3A_313 : i32
      %lt3A_315 = arith.constant 250 : i32
      %lt3A_316 = arith.cmpi slt, %add3A_314, %lt3A_315 : i32
      %convert_element_type3A_317 = arith.extui %lt3A_316 : i1 to i32
      %cond3A_318 = arith.constant 0 : i32
      %cond3A_319 = arith.cmpi ne, %convert_element_type3A_317, %cond3A_318 : i32
      scf.if %cond3A_319 {
        %ge3A = arith.constant 5 : i32
        %ge3A_397 = arith.cmpi sge, %add3A_314, %ge3A : i32
        %convert_element_type3A_398 = arith.extui %ge3A_397 : i1 to i32
        %cond3A_399 = arith.constant 0 : i32
        %cond3A_400 = arith.cmpi ne, %convert_element_type3A_398, %cond3A_399 : i32
        scf.if %cond3A_400 {
          %sub3A = arith.constant 5 : i32
          %sub3A_412 = arith.subi %add3A_314, %sub3A : i32
          %dma_wait3A_413 = arith.constant 1 : i32
          %dma_wait3A_414 = arith.constant 0 : i32
          %dma_wait3A_415 = arith.constant 0 : i32
          %dma_wait3A_416 = tpu.memref_slice %arg9[%dma_wait3A_413, %dma_wait3A_414, %dma_wait3A_415] : memref<5x80x64xf32, #tpu.memory_space<vmem>> -> memref<1x80x64xf32, #tpu.memory_space<vmem>>
          %dma_wait3A_417 = tpu.memref_squeeze %dma_wait3A_416 : memref<1x80x64xf32, #tpu.memory_space<vmem>> -> memref<80x64xf32, #tpu.memory_space<vmem>>
          %dma_wait3A_418 = arith.constant 0 : i32
          %dma_wait3A_419 = tpu.memref_slice %arg8[%sub3A_412, %dma_wait3A_418] : memref<250x80xi32, #tpu.memory_space<vmem>> -> memref<1x80xi32, #tpu.memory_space<vmem>>
          %dma_wait3A_420 = tpu.memref_squeeze %dma_wait3A_419 : memref<1x80xi32, #tpu.memory_space<vmem>> -> memref<80xi32, #tpu.memory_space<vmem>>
          %dma_wait3A_421 = arith.constant 0 : i32
          %dma_wait3A_422 = arith.constant 0 : i32
          %dma_wait3A_423 = tpu.memref_slice %arg11[%dma_wait3A_421, %dma_wait3A_422] : memref<10240x64xf32, #tpu.memory_space<vmem_shared>> -> memref<10240x64xf32, #tpu.memory_space<vmem_shared>>
          tpu.wait_indirect_dma semaphore(%arg19 : memref<!tpu.dma_semaphore, #tpu.memory_space<semaphore_mem>>) src(%dma_wait3A_417 : memref<80x64xf32, #tpu.memory_space<vmem>>) dst(%dma_wait3A_423 : memref<10240x64xf32, #tpu.memory_space<vmem_shared>>)
          %eq3A_424 = arith.constant 0 : i32
          %eq3A_425 = arith.cmpi eq, %arg0, %eq3A_424 : i32
          %convert_element_type3A_426 = arith.extui %eq3A_425 : i1 to i32
          %cond3A_427 = arith.constant 0 : i32
          %cond3A_428 = arith.cmpi ne, %convert_element_type3A_426, %cond3A_427 : i32
          scf.if %cond3A_428 {
            %sub3A_429 = arith.constant 5 : i32
            %sub3A_430 = arith.subi %add3A_314, %sub3A_429 : i32
            %dma_wait3A_431 = arith.constant 0 : i32
            %dma_wait3A_432 = tpu.memref_slice %arg8[%sub3A_430, %dma_wait3A_431] : memref<250x80xi32, #tpu.memory_space<vmem>> -> memref<1x80xi32, #tpu.memory_space<vmem>>
            %dma_wait3A_433 = tpu.memref_squeeze %dma_wait3A_432 : memref<1x80xi32, #tpu.memory_space<vmem>> -> memref<80xi32, #tpu.memory_space<vmem>>
            %dma_wait3A_434 = arith.constant 0 : i32
            %dma_wait3A_435 = arith.constant 0 : i32
            %dma_wait3A_436 = tpu.memref_slice %arg12[%dma_wait3A_434, %dma_wait3A_435] : memref<10240x16xf32, #tpu.memory_space<vmem_shared>> -> memref<10240x16xf32, #tpu.memory_space<vmem_shared>>
            tpu.wait_indirect_dma semaphore(%arg24 : memref<!tpu.dma_semaphore, #tpu.memory_space<semaphore_mem>>) src(%arg10 : memref<80x16xf32, #tpu.memory_space<vmem>>) dst(%dma_wait3A_436 : memref<10240x16xf32, #tpu.memory_space<vmem_shared>>)
          } else {
          }
        } else {
        }
        %dma_start3A_401 = arith.constant 1 : i32
        %dma_start3A_402 = arith.constant 0 : i32
        %dma_start3A_403 = arith.constant 0 : i32
        %dma_start3A_404 = tpu.memref_slice %arg9[%dma_start3A_401, %dma_start3A_402, %dma_start3A_403] : memref<5x80x64xf32, #tpu.memory_space<vmem>> -> memref<1x80x64xf32, #tpu.memory_space<vmem>>
        %dma_start3A_405 = tpu.memref_squeeze %dma_start3A_404 : memref<1x80x64xf32, #tpu.memory_space<vmem>> -> memref<80x64xf32, #tpu.memory_space<vmem>>
        %dma_start3A_406 = arith.constant 0 : i32
        %dma_start3A_407 = tpu.memref_slice %arg7[%add3A_314, %dma_start3A_406] : memref<250x80xi32, #tpu.memory_space<vmem>> -> memref<1x80xi32, #tpu.memory_space<vmem>>
        %dma_start3A_408 = tpu.memref_squeeze %dma_start3A_407 : memref<1x80xi32, #tpu.memory_space<vmem>> -> memref<80xi32, #tpu.memory_space<vmem>>
        %dma_start3A_409 = arith.constant 0 : i32
        %dma_start3A_410 = arith.constant 0 : i32
        %dma_start3A_411 = tpu.memref_slice %arg2[%dma_start3A_409, %dma_start3A_410] : memref<20480x64xf32, #tpu.memory_space<hbm>> -> memref<20480x64xf32, #tpu.memory_space<hbm>>
        tpu.enqueue_indirect_dma source(%dma_start3A_411 : memref<20480x64xf32, #tpu.memory_space<hbm>>) target(%dma_start3A_405 : memref<80x64xf32, #tpu.memory_space<vmem>>) offsets(%dma_start3A_408 : memref<80xi32, #tpu.memory_space<vmem>>) semaphore(%arg14 : memref<!tpu.dma_semaphore, #tpu.memory_space<semaphore_mem>>)
      } else {
      }
      %mul3A_320 = arith.constant 5 : i32
      %mul3A_321 = arith.muli %scan3A_205, %mul3A_320 : i32
      %add3A_322 = arith.constant 3 : i32
      %add3A_323 = arith.addi %mul3A_321, %add3A_322 : i32
      %dma_wait3A_324 = arith.constant 3 : i32
      %dma_wait3A_325 = arith.constant 0 : i32
      %dma_wait3A_326 = arith.constant 0 : i32
      %dma_wait3A_327 = tpu.memref_slice %arg9[%dma_wait3A_324, %dma_wait3A_325, %dma_wait3A_326] : memref<5x80x64xf32, #tpu.memory_space<vmem>> -> memref<1x80x64xf32, #tpu.memory_space<vmem>>
      %dma_wait3A_328 = tpu.memref_squeeze %dma_wait3A_327 : memref<1x80x64xf32, #tpu.memory_space<vmem>> -> memref<80x64xf32, #tpu.memory_space<vmem>>
      %dma_wait3A_329 = arith.constant 0 : i32
      %dma_wait3A_330 = tpu.memref_slice %arg7[%add3A_323, %dma_wait3A_329] : memref<250x80xi32, #tpu.memory_space<vmem>> -> memref<1x80xi32, #tpu.memory_space<vmem>>
      %dma_wait3A_331 = tpu.memref_squeeze %dma_wait3A_330 : memref<1x80xi32, #tpu.memory_space<vmem>> -> memref<80xi32, #tpu.memory_space<vmem>>
      %dma_wait3A_332 = arith.constant 0 : i32
      %dma_wait3A_333 = arith.constant 0 : i32
      %dma_wait3A_334 = tpu.memref_slice %arg2[%dma_wait3A_332, %dma_wait3A_333] : memref<20480x64xf32, #tpu.memory_space<hbm>> -> memref<20480x64xf32, #tpu.memory_space<hbm>>
      tpu.wait_indirect_dma semaphore(%arg16 : memref<!tpu.dma_semaphore, #tpu.memory_space<semaphore_mem>>) src(%dma_wait3A_334 : memref<20480x64xf32, #tpu.memory_space<hbm>>) dst(%dma_wait3A_328 : memref<80x64xf32, #tpu.memory_space<vmem>>)
      %dma_start3A_335 = arith.constant 3 : i32
      %dma_start3A_336 = arith.constant 0 : i32
      %dma_start3A_337 = arith.constant 0 : i32
      %dma_start3A_338 = tpu.memref_slice %arg9[%dma_start3A_335, %dma_start3A_336, %dma_start3A_337] : memref<5x80x64xf32, #tpu.memory_space<vmem>> -> memref<1x80x64xf32, #tpu.memory_space<vmem>>
      %dma_start3A_339 = tpu.memref_squeeze %dma_start3A_338 : memref<1x80x64xf32, #tpu.memory_space<vmem>> -> memref<80x64xf32, #tpu.memory_space<vmem>>
      %dma_start3A_340 = arith.constant 0 : i32
      %dma_start3A_341 = tpu.memref_slice %arg8[%add3A_323, %dma_start3A_340] : memref<250x80xi32, #tpu.memory_space<vmem>> -> memref<1x80xi32, #tpu.memory_space<vmem>>
      %dma_start3A_342 = tpu.memref_squeeze %dma_start3A_341 : memref<1x80xi32, #tpu.memory_space<vmem>> -> memref<80xi32, #tpu.memory_space<vmem>>
      %dma_start3A_343 = arith.constant 0 : i32
      %dma_start3A_344 = arith.constant 0 : i32
      %dma_start3A_345 = tpu.memref_slice %arg11[%dma_start3A_343, %dma_start3A_344] : memref<10240x64xf32, #tpu.memory_space<vmem_shared>> -> memref<10240x64xf32, #tpu.memory_space<vmem_shared>>
      tpu.enqueue_indirect_dma source(%dma_start3A_339 : memref<80x64xf32, #tpu.memory_space<vmem>>) target(%dma_start3A_345 : memref<10240x64xf32, #tpu.memory_space<vmem_shared>>) offsets(%dma_start3A_342 : memref<80xi32, #tpu.memory_space<vmem>>) semaphore(%arg21 : memref<!tpu.dma_semaphore, #tpu.memory_space<semaphore_mem>>) {add = true}
      %eq3A_346 = arith.constant 0 : i32
      %eq3A_347 = arith.cmpi eq, %arg0, %eq3A_346 : i32
      %convert_element_type3A_348 = arith.extui %eq3A_347 : i1 to i32
      %cond3A_349 = arith.constant 0 : i32
      %cond3A_350 = arith.cmpi ne, %convert_element_type3A_348, %cond3A_349 : i32
      scf.if %cond3A_350 {
        %dma_start3A_397 = arith.constant 0 : i32
        %dma_start3A_398 = tpu.memref_slice %arg8[%add3A_323, %dma_start3A_397] : memref<250x80xi32, #tpu.memory_space<vmem>> -> memref<1x80xi32, #tpu.memory_space<vmem>>
        %dma_start3A_399 = tpu.memref_squeeze %dma_start3A_398 : memref<1x80xi32, #tpu.memory_space<vmem>> -> memref<80xi32, #tpu.memory_space<vmem>>
        %dma_start3A_400 = arith.constant 0 : i32
        %dma_start3A_401 = arith.constant 0 : i32
        %dma_start3A_402 = tpu.memref_slice %arg12[%dma_start3A_400, %dma_start3A_401] : memref<10240x16xf32, #tpu.memory_space<vmem_shared>> -> memref<10240x16xf32, #tpu.memory_space<vmem_shared>>
        tpu.enqueue_indirect_dma source(%arg10 : memref<80x16xf32, #tpu.memory_space<vmem>>) target(%dma_start3A_402 : memref<10240x16xf32, #tpu.memory_space<vmem_shared>>) offsets(%dma_start3A_399 : memref<80xi32, #tpu.memory_space<vmem>>) semaphore(%arg26 : memref<!tpu.dma_semaphore, #tpu.memory_space<semaphore_mem>>) {add = true}
      } else {
      }
      %add3A_351 = arith.constant 4 : i32
      %add3A_352 = arith.addi %add3A_323, %add3A_351 : i32
      %lt3A_353 = arith.constant 250 : i32
      %lt3A_354 = arith.cmpi slt, %add3A_352, %lt3A_353 : i32
      %convert_element_type3A_355 = arith.extui %lt3A_354 : i1 to i32
      %cond3A_356 = arith.constant 0 : i32
      %cond3A_357 = arith.cmpi ne, %convert_element_type3A_355, %cond3A_356 : i32
      scf.if %cond3A_357 {
        %ge3A = arith.constant 5 : i32
        %ge3A_397 = arith.cmpi sge, %add3A_352, %ge3A : i32
        %convert_element_type3A_398 = arith.extui %ge3A_397 : i1 to i32
        %cond3A_399 = arith.constant 0 : i32
        %cond3A_400 = arith.cmpi ne, %convert_element_type3A_398, %cond3A_399 : i32
        scf.if %cond3A_400 {
          %sub3A = arith.constant 5 : i32
          %sub3A_412 = arith.subi %add3A_352, %sub3A : i32
          %dma_wait3A_413 = arith.constant 2 : i32
          %dma_wait3A_414 = arith.constant 0 : i32
          %dma_wait3A_415 = arith.constant 0 : i32
          %dma_wait3A_416 = tpu.memref_slice %arg9[%dma_wait3A_413, %dma_wait3A_414, %dma_wait3A_415] : memref<5x80x64xf32, #tpu.memory_space<vmem>> -> memref<1x80x64xf32, #tpu.memory_space<vmem>>
          %dma_wait3A_417 = tpu.memref_squeeze %dma_wait3A_416 : memref<1x80x64xf32, #tpu.memory_space<vmem>> -> memref<80x64xf32, #tpu.memory_space<vmem>>
          %dma_wait3A_418 = arith.constant 0 : i32
          %dma_wait3A_419 = tpu.memref_slice %arg8[%sub3A_412, %dma_wait3A_418] : memref<250x80xi32, #tpu.memory_space<vmem>> -> memref<1x80xi32, #tpu.memory_space<vmem>>
          %dma_wait3A_420 = tpu.memref_squeeze %dma_wait3A_419 : memref<1x80xi32, #tpu.memory_space<vmem>> -> memref<80xi32, #tpu.memory_space<vmem>>
          %dma_wait3A_421 = arith.constant 0 : i32
          %dma_wait3A_422 = arith.constant 0 : i32
          %dma_wait3A_423 = tpu.memref_slice %arg11[%dma_wait3A_421, %dma_wait3A_422] : memref<10240x64xf32, #tpu.memory_space<vmem_shared>> -> memref<10240x64xf32, #tpu.memory_space<vmem_shared>>
          tpu.wait_indirect_dma semaphore(%arg20 : memref<!tpu.dma_semaphore, #tpu.memory_space<semaphore_mem>>) src(%dma_wait3A_417 : memref<80x64xf32, #tpu.memory_space<vmem>>) dst(%dma_wait3A_423 : memref<10240x64xf32, #tpu.memory_space<vmem_shared>>)
          %eq3A_424 = arith.constant 0 : i32
          %eq3A_425 = arith.cmpi eq, %arg0, %eq3A_424 : i32
          %convert_element_type3A_426 = arith.extui %eq3A_425 : i1 to i32
          %cond3A_427 = arith.constant 0 : i32
          %cond3A_428 = arith.cmpi ne, %convert_element_type3A_426, %cond3A_427 : i32
          scf.if %cond3A_428 {
            %sub3A_429 = arith.constant 5 : i32
            %sub3A_430 = arith.subi %add3A_352, %sub3A_429 : i32
            %dma_wait3A_431 = arith.constant 0 : i32
            %dma_wait3A_432 = tpu.memref_slice %arg8[%sub3A_430, %dma_wait3A_431] : memref<250x80xi32, #tpu.memory_space<vmem>> -> memref<1x80xi32, #tpu.memory_space<vmem>>
            %dma_wait3A_433 = tpu.memref_squeeze %dma_wait3A_432 : memref<1x80xi32, #tpu.memory_space<vmem>> -> memref<80xi32, #tpu.memory_space<vmem>>
            %dma_wait3A_434 = arith.constant 0 : i32
            %dma_wait3A_435 = arith.constant 0 : i32
            %dma_wait3A_436 = tpu.memref_slice %arg12[%dma_wait3A_434, %dma_wait3A_435] : memref<10240x16xf32, #tpu.memory_space<vmem_shared>> -> memref<10240x16xf32, #tpu.memory_space<vmem_shared>>
            tpu.wait_indirect_dma semaphore(%arg25 : memref<!tpu.dma_semaphore, #tpu.memory_space<semaphore_mem>>) src(%arg10 : memref<80x16xf32, #tpu.memory_space<vmem>>) dst(%dma_wait3A_436 : memref<10240x16xf32, #tpu.memory_space<vmem_shared>>)
          } else {
          }
        } else {
        }
        %dma_start3A_401 = arith.constant 2 : i32
        %dma_start3A_402 = arith.constant 0 : i32
        %dma_start3A_403 = arith.constant 0 : i32
        %dma_start3A_404 = tpu.memref_slice %arg9[%dma_start3A_401, %dma_start3A_402, %dma_start3A_403] : memref<5x80x64xf32, #tpu.memory_space<vmem>> -> memref<1x80x64xf32, #tpu.memory_space<vmem>>
        %dma_start3A_405 = tpu.memref_squeeze %dma_start3A_404 : memref<1x80x64xf32, #tpu.memory_space<vmem>> -> memref<80x64xf32, #tpu.memory_space<vmem>>
        %dma_start3A_406 = arith.constant 0 : i32
        %dma_start3A_407 = tpu.memref_slice %arg7[%add3A_352, %dma_start3A_406] : memref<250x80xi32, #tpu.memory_space<vmem>> -> memref<1x80xi32, #tpu.memory_space<vmem>>
        %dma_start3A_408 = tpu.memref_squeeze %dma_start3A_407 : memref<1x80xi32, #tpu.memory_space<vmem>> -> memref<80xi32, #tpu.memory_space<vmem>>
        %dma_start3A_409 = arith.constant 0 : i32
        %dma_start3A_410 = arith.constant 0 : i32
        %dma_start3A_411 = tpu.memref_slice %arg2[%dma_start3A_409, %dma_start3A_410] : memref<20480x64xf32, #tpu.memory_space<hbm>> -> memref<20480x64xf32, #tpu.memory_space<hbm>>
        tpu.enqueue_indirect_dma source(%dma_start3A_411 : memref<20480x64xf32, #tpu.memory_space<hbm>>) target(%dma_start3A_405 : memref<80x64xf32, #tpu.memory_space<vmem>>) offsets(%dma_start3A_408 : memref<80xi32, #tpu.memory_space<vmem>>) semaphore(%arg15 : memref<!tpu.dma_semaphore, #tpu.memory_space<semaphore_mem>>)
      } else {
      }
      %mul3A_358 = arith.constant 5 : i32
      %mul3A_359 = arith.muli %scan3A_205, %mul3A_358 : i32
      %add3A_360 = arith.constant 4 : i32
      %add3A_361 = arith.addi %mul3A_359, %add3A_360 : i32
      %dma_wait3A_362 = arith.constant 4 : i32
      %dma_wait3A_363 = arith.constant 0 : i32
      %dma_wait3A_364 = arith.constant 0 : i32
      %dma_wait3A_365 = tpu.memref_slice %arg9[%dma_wait3A_362, %dma_wait3A_363, %dma_wait3A_364] : memref<5x80x64xf32, #tpu.memory_space<vmem>> -> memref<1x80x64xf32, #tpu.memory_space<vmem>>
      %dma_wait3A_366 = tpu.memref_squeeze %dma_wait3A_365 : memref<1x80x64xf32, #tpu.memory_space<vmem>> -> memref<80x64xf32, #tpu.memory_space<vmem>>
      %dma_wait3A_367 = arith.constant 0 : i32
      %dma_wait3A_368 = tpu.memref_slice %arg7[%add3A_361, %dma_wait3A_367] : memref<250x80xi32, #tpu.memory_space<vmem>> -> memref<1x80xi32, #tpu.memory_space<vmem>>
      %dma_wait3A_369 = tpu.memref_squeeze %dma_wait3A_368 : memref<1x80xi32, #tpu.memory_space<vmem>> -> memref<80xi32, #tpu.memory_space<vmem>>
      %dma_wait3A_370 = arith.constant 0 : i32
      %dma_wait3A_371 = arith.constant 0 : i32
      %dma_wait3A_372 = tpu.memref_slice %arg2[%dma_wait3A_370, %dma_wait3A_371] : memref<20480x64xf32, #tpu.memory_space<hbm>> -> memref<20480x64xf32, #tpu.memory_space<hbm>>
      tpu.wait_indirect_dma semaphore(%arg17 : memref<!tpu.dma_semaphore, #tpu.memory_space<semaphore_mem>>) src(%dma_wait3A_372 : memref<20480x64xf32, #tpu.memory_space<hbm>>) dst(%dma_wait3A_366 : memref<80x64xf32, #tpu.memory_space<vmem>>)
      %dma_start3A_373 = arith.constant 4 : i32
      %dma_start3A_374 = arith.constant 0 : i32
      %dma_start3A_375 = arith.constant 0 : i32
      %dma_start3A_376 = tpu.memref_slice %arg9[%dma_start3A_373, %dma_start3A_374, %dma_start3A_375] : memref<5x80x64xf32, #tpu.memory_space<vmem>> -> memref<1x80x64xf32, #tpu.memory_space<vmem>>
      %dma_start3A_377 = tpu.memref_squeeze %dma_start3A_376 : memref<1x80x64xf32, #tpu.memory_space<vmem>> -> memref<80x64xf32, #tpu.memory_space<vmem>>
      %dma_start3A_378 = arith.constant 0 : i32
      %dma_start3A_379 = tpu.memref_slice %arg8[%add3A_361, %dma_start3A_378] : memref<250x80xi32, #tpu.memory_space<vmem>> -> memref<1x80xi32, #tpu.memory_space<vmem>>
      %dma_start3A_380 = tpu.memref_squeeze %dma_start3A_379 : memref<1x80xi32, #tpu.memory_space<vmem>> -> memref<80xi32, #tpu.memory_space<vmem>>
      %dma_start3A_381 = arith.constant 0 : i32
      %dma_start3A_382 = arith.constant 0 : i32
      %dma_start3A_383 = tpu.memref_slice %arg11[%dma_start3A_381, %dma_start3A_382] : memref<10240x64xf32, #tpu.memory_space<vmem_shared>> -> memref<10240x64xf32, #tpu.memory_space<vmem_shared>>
      tpu.enqueue_indirect_dma source(%dma_start3A_377 : memref<80x64xf32, #tpu.memory_space<vmem>>) target(%dma_start3A_383 : memref<10240x64xf32, #tpu.memory_space<vmem_shared>>) offsets(%dma_start3A_380 : memref<80xi32, #tpu.memory_space<vmem>>) semaphore(%arg22 : memref<!tpu.dma_semaphore, #tpu.memory_space<semaphore_mem>>) {add = true}
      %eq3A_384 = arith.constant 0 : i32
      %eq3A_385 = arith.cmpi eq, %arg0, %eq3A_384 : i32
      %convert_element_type3A_386 = arith.extui %eq3A_385 : i1 to i32
      %cond3A_387 = arith.constant 0 : i32
      %cond3A_388 = arith.cmpi ne, %convert_element_type3A_386, %cond3A_387 : i32
      scf.if %cond3A_388 {
        %dma_start3A_397 = arith.constant 0 : i32
        %dma_start3A_398 = tpu.memref_slice %arg8[%add3A_361, %dma_start3A_397] : memref<250x80xi32, #tpu.memory_space<vmem>> -> memref<1x80xi32, #tpu.memory_space<vmem>>
        %dma_start3A_399 = tpu.memref_squeeze %dma_start3A_398 : memref<1x80xi32, #tpu.memory_space<vmem>> -> memref<80xi32, #tpu.memory_space<vmem>>
        %dma_start3A_400 = arith.constant 0 : i32
        %dma_start3A_401 = arith.constant 0 : i32
        %dma_start3A_402 = tpu.memref_slice %arg12[%dma_start3A_400, %dma_start3A_401] : memref<10240x16xf32, #tpu.memory_space<vmem_shared>> -> memref<10240x16xf32, #tpu.memory_space<vmem_shared>>
        tpu.enqueue_indirect_dma source(%arg10 : memref<80x16xf32, #tpu.memory_space<vmem>>) target(%dma_start3A_402 : memref<10240x16xf32, #tpu.memory_space<vmem_shared>>) offsets(%dma_start3A_399 : memref<80xi32, #tpu.memory_space<vmem>>) semaphore(%arg27 : memref<!tpu.dma_semaphore, #tpu.memory_space<semaphore_mem>>) {add = true}
      } else {
      }
      %add3A_389 = arith.constant 4 : i32
      %add3A_390 = arith.addi %add3A_361, %add3A_389 : i32
      %lt3A_391 = arith.constant 250 : i32
      %lt3A_392 = arith.cmpi slt, %add3A_390, %lt3A_391 : i32
      %convert_element_type3A_393 = arith.extui %lt3A_392 : i1 to i32
      %cond3A_394 = arith.constant 0 : i32
      %cond3A_395 = arith.cmpi ne, %convert_element_type3A_393, %cond3A_394 : i32
      scf.if %cond3A_395 {
        %ge3A = arith.constant 5 : i32
        %ge3A_397 = arith.cmpi sge, %add3A_390, %ge3A : i32
        %convert_element_type3A_398 = arith.extui %ge3A_397 : i1 to i32
        %cond3A_399 = arith.constant 0 : i32
        %cond3A_400 = arith.cmpi ne, %convert_element_type3A_398, %cond3A_399 : i32
        scf.if %cond3A_400 {
          %sub3A = arith.constant 5 : i32
          %sub3A_412 = arith.subi %add3A_390, %sub3A : i32
          %dma_wait3A_413 = arith.constant 3 : i32
          %dma_wait3A_414 = arith.constant 0 : i32
          %dma_wait3A_415 = arith.constant 0 : i32
          %dma_wait3A_416 = tpu.memref_slice %arg9[%dma_wait3A_413, %dma_wait3A_414, %dma_wait3A_415] : memref<5x80x64xf32, #tpu.memory_space<vmem>> -> memref<1x80x64xf32, #tpu.memory_space<vmem>>
          %dma_wait3A_417 = tpu.memref_squeeze %dma_wait3A_416 : memref<1x80x64xf32, #tpu.memory_space<vmem>> -> memref<80x64xf32, #tpu.memory_space<vmem>>
          %dma_wait3A_418 = arith.constant 0 : i32
          %dma_wait3A_419 = tpu.memref_slice %arg8[%sub3A_412, %dma_wait3A_418] : memref<250x80xi32, #tpu.memory_space<vmem>> -> memref<1x80xi32, #tpu.memory_space<vmem>>
          %dma_wait3A_420 = tpu.memref_squeeze %dma_wait3A_419 : memref<1x80xi32, #tpu.memory_space<vmem>> -> memref<80xi32, #tpu.memory_space<vmem>>
          %dma_wait3A_421 = arith.constant 0 : i32
          %dma_wait3A_422 = arith.constant 0 : i32
          %dma_wait3A_423 = tpu.memref_slice %arg11[%dma_wait3A_421, %dma_wait3A_422] : memref<10240x64xf32, #tpu.memory_space<vmem_shared>> -> memref<10240x64xf32, #tpu.memory_space<vmem_shared>>
          tpu.wait_indirect_dma semaphore(%arg21 : memref<!tpu.dma_semaphore, #tpu.memory_space<semaphore_mem>>) src(%dma_wait3A_417 : memref<80x64xf32, #tpu.memory_space<vmem>>) dst(%dma_wait3A_423 : memref<10240x64xf32, #tpu.memory_space<vmem_shared>>)
          %eq3A_424 = arith.constant 0 : i32
          %eq3A_425 = arith.cmpi eq, %arg0, %eq3A_424 : i32
          %convert_element_type3A_426 = arith.extui %eq3A_425 : i1 to i32
          %cond3A_427 = arith.constant 0 : i32
          %cond3A_428 = arith.cmpi ne, %convert_element_type3A_426, %cond3A_427 : i32
          scf.if %cond3A_428 {
            %sub3A_429 = arith.constant 5 : i32
            %sub3A_430 = arith.subi %add3A_390, %sub3A_429 : i32
            %dma_wait3A_431 = arith.constant 0 : i32
            %dma_wait3A_432 = tpu.memref_slice %arg8[%sub3A_430, %dma_wait3A_431] : memref<250x80xi32, #tpu.memory_space<vmem>> -> memref<1x80xi32, #tpu.memory_space<vmem>>
            %dma_wait3A_433 = tpu.memref_squeeze %dma_wait3A_432 : memref<1x80xi32, #tpu.memory_space<vmem>> -> memref<80xi32, #tpu.memory_space<vmem>>
            %dma_wait3A_434 = arith.constant 0 : i32
            %dma_wait3A_435 = arith.constant 0 : i32
            %dma_wait3A_436 = tpu.memref_slice %arg12[%dma_wait3A_434, %dma_wait3A_435] : memref<10240x16xf32, #tpu.memory_space<vmem_shared>> -> memref<10240x16xf32, #tpu.memory_space<vmem_shared>>
            tpu.wait_indirect_dma semaphore(%arg26 : memref<!tpu.dma_semaphore, #tpu.memory_space<semaphore_mem>>) src(%arg10 : memref<80x16xf32, #tpu.memory_space<vmem>>) dst(%dma_wait3A_436 : memref<10240x16xf32, #tpu.memory_space<vmem_shared>>)
          } else {
          }
        } else {
        }
        %dma_start3A_401 = arith.constant 3 : i32
        %dma_start3A_402 = arith.constant 0 : i32
        %dma_start3A_403 = arith.constant 0 : i32
        %dma_start3A_404 = tpu.memref_slice %arg9[%dma_start3A_401, %dma_start3A_402, %dma_start3A_403] : memref<5x80x64xf32, #tpu.memory_space<vmem>> -> memref<1x80x64xf32, #tpu.memory_space<vmem>>
        %dma_start3A_405 = tpu.memref_squeeze %dma_start3A_404 : memref<1x80x64xf32, #tpu.memory_space<vmem>> -> memref<80x64xf32, #tpu.memory_space<vmem>>
        %dma_start3A_406 = arith.constant 0 : i32
        %dma_start3A_407 = tpu.memref_slice %arg7[%add3A_390, %dma_start3A_406] : memref<250x80xi32, #tpu.memory_space<vmem>> -> memref<1x80xi32, #tpu.memory_space<vmem>>
        %dma_start3A_408 = tpu.memref_squeeze %dma_start3A_407 : memref<1x80xi32, #tpu.memory_space<vmem>> -> memref<80xi32, #tpu.memory_space<vmem>>
        %dma_start3A_409 = arith.constant 0 : i32
        %dma_start3A_410 = arith.constant 0 : i32
        %dma_start3A_411 = tpu.memref_slice %arg2[%dma_start3A_409, %dma_start3A_410] : memref<20480x64xf32, #tpu.memory_space<hbm>> -> memref<20480x64xf32, #tpu.memory_space<hbm>>
        tpu.enqueue_indirect_dma source(%dma_start3A_411 : memref<20480x64xf32, #tpu.memory_space<hbm>>) target(%dma_start3A_405 : memref<80x64xf32, #tpu.memory_space<vmem>>) offsets(%dma_start3A_408 : memref<80xi32, #tpu.memory_space<vmem>>) semaphore(%arg16 : memref<!tpu.dma_semaphore, #tpu.memory_space<semaphore_mem>>)
      } else {
      }
      %scan3A_396 = arith.constant 0 : i32
      scf.yield %scan3A_396 : i32
    }
    %scan3A_113 = arith.constant 50 : i32
    %dma_wait3A = arith.constant 0 : i32
    %dma_wait3A_114 = arith.constant 245 : i32
    %dma_wait3A_115 = arith.constant 0 : i32
    %dma_wait3A_116 = arith.constant 0 : i32
    %dma_wait3A_117 = tpu.memref_slice %arg9[%dma_wait3A, %dma_wait3A_115, %dma_wait3A_116] : memref<5x80x64xf32, #tpu.memory_space<vmem>> -> memref<1x80x64xf32, #tpu.memory_space<vmem>>
    %dma_wait3A_118 = tpu.memref_squeeze %dma_wait3A_117 : memref<1x80x64xf32, #tpu.memory_space<vmem>> -> memref<80x64xf32, #tpu.memory_space<vmem>>
    %dma_wait3A_119 = arith.constant 0 : i32
    %dma_wait3A_120 = tpu.memref_slice %arg8[%dma_wait3A_114, %dma_wait3A_119] : memref<250x80xi32, #tpu.memory_space<vmem>> -> memref<1x80xi32, #tpu.memory_space<vmem>>
    %dma_wait3A_121 = tpu.memref_squeeze %dma_wait3A_120 : memref<1x80xi32, #tpu.memory_space<vmem>> -> memref<80xi32, #tpu.memory_space<vmem>>
    %dma_wait3A_122 = arith.constant 0 : i32
    %dma_wait3A_123 = arith.constant 0 : i32
    %dma_wait3A_124 = tpu.memref_slice %arg11[%dma_wait3A_122, %dma_wait3A_123] : memref<10240x64xf32, #tpu.memory_space<vmem_shared>> -> memref<10240x64xf32, #tpu.memory_space<vmem_shared>>
    tpu.wait_indirect_dma semaphore(%arg18 : memref<!tpu.dma_semaphore, #tpu.memory_space<semaphore_mem>>) src(%dma_wait3A_118 : memref<80x64xf32, #tpu.memory_space<vmem>>) dst(%dma_wait3A_124 : memref<10240x64xf32, #tpu.memory_space<vmem_shared>>)
    %eq3A_125 = arith.constant 0 : i32
    %eq3A_126 = arith.cmpi eq, %arg0, %eq3A_125 : i32
    %convert_element_type3A_127 = arith.extui %eq3A_126 : i1 to i32
    %cond3A_128 = arith.constant 0 : i32
    %cond3A_129 = arith.cmpi ne, %convert_element_type3A_127, %cond3A_128 : i32
    scf.if %cond3A_129 {
      %dma_wait3A_205 = arith.constant 245 : i32
      %dma_wait3A_206 = arith.constant 0 : i32
      %dma_wait3A_207 = tpu.memref_slice %arg8[%dma_wait3A_205, %dma_wait3A_206] : memref<250x80xi32, #tpu.memory_space<vmem>> -> memref<1x80xi32, #tpu.memory_space<vmem>>
      %dma_wait3A_208 = tpu.memref_squeeze %dma_wait3A_207 : memref<1x80xi32, #tpu.memory_space<vmem>> -> memref<80xi32, #tpu.memory_space<vmem>>
      %dma_wait3A_209 = arith.constant 0 : i32
      %dma_wait3A_210 = arith.constant 0 : i32
      %dma_wait3A_211 = tpu.memref_slice %arg12[%dma_wait3A_209, %dma_wait3A_210] : memref<10240x16xf32, #tpu.memory_space<vmem_shared>> -> memref<10240x16xf32, #tpu.memory_space<vmem_shared>>
      tpu.wait_indirect_dma semaphore(%arg23 : memref<!tpu.dma_semaphore, #tpu.memory_space<semaphore_mem>>) src(%arg10 : memref<80x16xf32, #tpu.memory_space<vmem>>) dst(%dma_wait3A_211 : memref<10240x16xf32, #tpu.memory_space<vmem_shared>>)
    } else {
    }
    %dma_wait3A_130 = arith.constant 1 : i32
    %dma_wait3A_131 = arith.constant 246 : i32
    %dma_wait3A_132 = arith.constant 0 : i32
    %dma_wait3A_133 = arith.constant 0 : i32
    %dma_wait3A_134 = tpu.memref_slice %arg9[%dma_wait3A_130, %dma_wait3A_132, %dma_wait3A_133] : memref<5x80x64xf32, #tpu.memory_space<vmem>> -> memref<1x80x64xf32, #tpu.memory_space<vmem>>
    %dma_wait3A_135 = tpu.memref_squeeze %dma_wait3A_134 : memref<1x80x64xf32, #tpu.memory_space<vmem>> -> memref<80x64xf32, #tpu.memory_space<vmem>>
    %dma_wait3A_136 = arith.constant 0 : i32
    %dma_wait3A_137 = tpu.memref_slice %arg8[%dma_wait3A_131, %dma_wait3A_136] : memref<250x80xi32, #tpu.memory_space<vmem>> -> memref<1x80xi32, #tpu.memory_space<vmem>>
    %dma_wait3A_138 = tpu.memref_squeeze %dma_wait3A_137 : memref<1x80xi32, #tpu.memory_space<vmem>> -> memref<80xi32, #tpu.memory_space<vmem>>
    %dma_wait3A_139 = arith.constant 0 : i32
    %dma_wait3A_140 = arith.constant 0 : i32
    %dma_wait3A_141 = tpu.memref_slice %arg11[%dma_wait3A_139, %dma_wait3A_140] : memref<10240x64xf32, #tpu.memory_space<vmem_shared>> -> memref<10240x64xf32, #tpu.memory_space<vmem_shared>>
    tpu.wait_indirect_dma semaphore(%arg19 : memref<!tpu.dma_semaphore, #tpu.memory_space<semaphore_mem>>) src(%dma_wait3A_135 : memref<80x64xf32, #tpu.memory_space<vmem>>) dst(%dma_wait3A_141 : memref<10240x64xf32, #tpu.memory_space<vmem_shared>>)
    %eq3A_142 = arith.constant 0 : i32
    %eq3A_143 = arith.cmpi eq, %arg0, %eq3A_142 : i32
    %convert_element_type3A_144 = arith.extui %eq3A_143 : i1 to i32
    %cond3A_145 = arith.constant 0 : i32
    %cond3A_146 = arith.cmpi ne, %convert_element_type3A_144, %cond3A_145 : i32
    scf.if %cond3A_146 {
      %dma_wait3A_205 = arith.constant 246 : i32
      %dma_wait3A_206 = arith.constant 0 : i32
      %dma_wait3A_207 = tpu.memref_slice %arg8[%dma_wait3A_205, %dma_wait3A_206] : memref<250x80xi32, #tpu.memory_space<vmem>> -> memref<1x80xi32, #tpu.memory_space<vmem>>
      %dma_wait3A_208 = tpu.memref_squeeze %dma_wait3A_207 : memref<1x80xi32, #tpu.memory_space<vmem>> -> memref<80xi32, #tpu.memory_space<vmem>>
      %dma_wait3A_209 = arith.constant 0 : i32
      %dma_wait3A_210 = arith.constant 0 : i32
      %dma_wait3A_211 = tpu.memref_slice %arg12[%dma_wait3A_209, %dma_wait3A_210] : memref<10240x16xf32, #tpu.memory_space<vmem_shared>> -> memref<10240x16xf32, #tpu.memory_space<vmem_shared>>
      tpu.wait_indirect_dma semaphore(%arg24 : memref<!tpu.dma_semaphore, #tpu.memory_space<semaphore_mem>>) src(%arg10 : memref<80x16xf32, #tpu.memory_space<vmem>>) dst(%dma_wait3A_211 : memref<10240x16xf32, #tpu.memory_space<vmem_shared>>)
    } else {
    }
    %dma_wait3A_147 = arith.constant 2 : i32
    %dma_wait3A_148 = arith.constant 247 : i32
    %dma_wait3A_149 = arith.constant 0 : i32
    %dma_wait3A_150 = arith.constant 0 : i32
    %dma_wait3A_151 = tpu.memref_slice %arg9[%dma_wait3A_147, %dma_wait3A_149, %dma_wait3A_150] : memref<5x80x64xf32, #tpu.memory_space<vmem>> -> memref<1x80x64xf32, #tpu.memory_space<vmem>>
    %dma_wait3A_152 = tpu.memref_squeeze %dma_wait3A_151 : memref<1x80x64xf32, #tpu.memory_space<vmem>> -> memref<80x64xf32, #tpu.memory_space<vmem>>
    %dma_wait3A_153 = arith.constant 0 : i32
    %dma_wait3A_154 = tpu.memref_slice %arg8[%dma_wait3A_148, %dma_wait3A_153] : memref<250x80xi32, #tpu.memory_space<vmem>> -> memref<1x80xi32, #tpu.memory_space<vmem>>
    %dma_wait3A_155 = tpu.memref_squeeze %dma_wait3A_154 : memref<1x80xi32, #tpu.memory_space<vmem>> -> memref<80xi32, #tpu.memory_space<vmem>>
    %dma_wait3A_156 = arith.constant 0 : i32
    %dma_wait3A_157 = arith.constant 0 : i32
    %dma_wait3A_158 = tpu.memref_slice %arg11[%dma_wait3A_156, %dma_wait3A_157] : memref<10240x64xf32, #tpu.memory_space<vmem_shared>> -> memref<10240x64xf32, #tpu.memory_space<vmem_shared>>
    tpu.wait_indirect_dma semaphore(%arg20 : memref<!tpu.dma_semaphore, #tpu.memory_space<semaphore_mem>>) src(%dma_wait3A_152 : memref<80x64xf32, #tpu.memory_space<vmem>>) dst(%dma_wait3A_158 : memref<10240x64xf32, #tpu.memory_space<vmem_shared>>)
    %eq3A_159 = arith.constant 0 : i32
    %eq3A_160 = arith.cmpi eq, %arg0, %eq3A_159 : i32
    %convert_element_type3A_161 = arith.extui %eq3A_160 : i1 to i32
    %cond3A_162 = arith.constant 0 : i32
    %cond3A_163 = arith.cmpi ne, %convert_element_type3A_161, %cond3A_162 : i32
    scf.if %cond3A_163 {
      %dma_wait3A_205 = arith.constant 247 : i32
      %dma_wait3A_206 = arith.constant 0 : i32
      %dma_wait3A_207 = tpu.memref_slice %arg8[%dma_wait3A_205, %dma_wait3A_206] : memref<250x80xi32, #tpu.memory_space<vmem>> -> memref<1x80xi32, #tpu.memory_space<vmem>>
      %dma_wait3A_208 = tpu.memref_squeeze %dma_wait3A_207 : memref<1x80xi32, #tpu.memory_space<vmem>> -> memref<80xi32, #tpu.memory_space<vmem>>
      %dma_wait3A_209 = arith.constant 0 : i32
      %dma_wait3A_210 = arith.constant 0 : i32
      %dma_wait3A_211 = tpu.memref_slice %arg12[%dma_wait3A_209, %dma_wait3A_210] : memref<10240x16xf32, #tpu.memory_space<vmem_shared>> -> memref<10240x16xf32, #tpu.memory_space<vmem_shared>>
      tpu.wait_indirect_dma semaphore(%arg25 : memref<!tpu.dma_semaphore, #tpu.memory_space<semaphore_mem>>) src(%arg10 : memref<80x16xf32, #tpu.memory_space<vmem>>) dst(%dma_wait3A_211 : memref<10240x16xf32, #tpu.memory_space<vmem_shared>>)
    } else {
    }
    %dma_wait3A_164 = arith.constant 3 : i32
    %dma_wait3A_165 = arith.constant 248 : i32
    %dma_wait3A_166 = arith.constant 0 : i32
    %dma_wait3A_167 = arith.constant 0 : i32
    %dma_wait3A_168 = tpu.memref_slice %arg9[%dma_wait3A_164, %dma_wait3A_166, %dma_wait3A_167] : memref<5x80x64xf32, #tpu.memory_space<vmem>> -> memref<1x80x64xf32, #tpu.memory_space<vmem>>
    %dma_wait3A_169 = tpu.memref_squeeze %dma_wait3A_168 : memref<1x80x64xf32, #tpu.memory_space<vmem>> -> memref<80x64xf32, #tpu.memory_space<vmem>>
    %dma_wait3A_170 = arith.constant 0 : i32
    %dma_wait3A_171 = tpu.memref_slice %arg8[%dma_wait3A_165, %dma_wait3A_170] : memref<250x80xi32, #tpu.memory_space<vmem>> -> memref<1x80xi32, #tpu.memory_space<vmem>>
    %dma_wait3A_172 = tpu.memref_squeeze %dma_wait3A_171 : memref<1x80xi32, #tpu.memory_space<vmem>> -> memref<80xi32, #tpu.memory_space<vmem>>
    %dma_wait3A_173 = arith.constant 0 : i32
    %dma_wait3A_174 = arith.constant 0 : i32
    %dma_wait3A_175 = tpu.memref_slice %arg11[%dma_wait3A_173, %dma_wait3A_174] : memref<10240x64xf32, #tpu.memory_space<vmem_shared>> -> memref<10240x64xf32, #tpu.memory_space<vmem_shared>>
    tpu.wait_indirect_dma semaphore(%arg21 : memref<!tpu.dma_semaphore, #tpu.memory_space<semaphore_mem>>) src(%dma_wait3A_169 : memref<80x64xf32, #tpu.memory_space<vmem>>) dst(%dma_wait3A_175 : memref<10240x64xf32, #tpu.memory_space<vmem_shared>>)
    %eq3A_176 = arith.constant 0 : i32
    %eq3A_177 = arith.cmpi eq, %arg0, %eq3A_176 : i32
    %convert_element_type3A_178 = arith.extui %eq3A_177 : i1 to i32
    %cond3A_179 = arith.constant 0 : i32
    %cond3A_180 = arith.cmpi ne, %convert_element_type3A_178, %cond3A_179 : i32
    scf.if %cond3A_180 {
      %dma_wait3A_205 = arith.constant 248 : i32
      %dma_wait3A_206 = arith.constant 0 : i32
      %dma_wait3A_207 = tpu.memref_slice %arg8[%dma_wait3A_205, %dma_wait3A_206] : memref<250x80xi32, #tpu.memory_space<vmem>> -> memref<1x80xi32, #tpu.memory_space<vmem>>
      %dma_wait3A_208 = tpu.memref_squeeze %dma_wait3A_207 : memref<1x80xi32, #tpu.memory_space<vmem>> -> memref<80xi32, #tpu.memory_space<vmem>>
      %dma_wait3A_209 = arith.constant 0 : i32
      %dma_wait3A_210 = arith.constant 0 : i32
      %dma_wait3A_211 = tpu.memref_slice %arg12[%dma_wait3A_209, %dma_wait3A_210] : memref<10240x16xf32, #tpu.memory_space<vmem_shared>> -> memref<10240x16xf32, #tpu.memory_space<vmem_shared>>
      tpu.wait_indirect_dma semaphore(%arg26 : memref<!tpu.dma_semaphore, #tpu.memory_space<semaphore_mem>>) src(%arg10 : memref<80x16xf32, #tpu.memory_space<vmem>>) dst(%dma_wait3A_211 : memref<10240x16xf32, #tpu.memory_space<vmem_shared>>)
    } else {
    }
    %dma_wait3A_181 = arith.constant 4 : i32
    %dma_wait3A_182 = arith.constant 249 : i32
    %dma_wait3A_183 = arith.constant 0 : i32
    %dma_wait3A_184 = arith.constant 0 : i32
    %dma_wait3A_185 = tpu.memref_slice %arg9[%dma_wait3A_181, %dma_wait3A_183, %dma_wait3A_184] : memref<5x80x64xf32, #tpu.memory_space<vmem>> -> memref<1x80x64xf32, #tpu.memory_space<vmem>>
    %dma_wait3A_186 = tpu.memref_squeeze %dma_wait3A_185 : memref<1x80x64xf32, #tpu.memory_space<vmem>> -> memref<80x64xf32, #tpu.memory_space<vmem>>
    %dma_wait3A_187 = arith.constant 0 : i32
    %dma_wait3A_188 = tpu.memref_slice %arg8[%dma_wait3A_182, %dma_wait3A_187] : memref<250x80xi32, #tpu.memory_space<vmem>> -> memref<1x80xi32, #tpu.memory_space<vmem>>
    %dma_wait3A_189 = tpu.memref_squeeze %dma_wait3A_188 : memref<1x80xi32, #tpu.memory_space<vmem>> -> memref<80xi32, #tpu.memory_space<vmem>>
    %dma_wait3A_190 = arith.constant 0 : i32
    %dma_wait3A_191 = arith.constant 0 : i32
    %dma_wait3A_192 = tpu.memref_slice %arg11[%dma_wait3A_190, %dma_wait3A_191] : memref<10240x64xf32, #tpu.memory_space<vmem_shared>> -> memref<10240x64xf32, #tpu.memory_space<vmem_shared>>
    tpu.wait_indirect_dma semaphore(%arg22 : memref<!tpu.dma_semaphore, #tpu.memory_space<semaphore_mem>>) src(%dma_wait3A_186 : memref<80x64xf32, #tpu.memory_space<vmem>>) dst(%dma_wait3A_192 : memref<10240x64xf32, #tpu.memory_space<vmem_shared>>)
    %eq3A_193 = arith.constant 0 : i32
    %eq3A_194 = arith.cmpi eq, %arg0, %eq3A_193 : i32
    %convert_element_type3A_195 = arith.extui %eq3A_194 : i1 to i32
    %cond3A_196 = arith.constant 0 : i32
    %cond3A_197 = arith.cmpi ne, %convert_element_type3A_195, %cond3A_196 : i32
    scf.if %cond3A_197 {
      %dma_wait3A_205 = arith.constant 249 : i32
      %dma_wait3A_206 = arith.constant 0 : i32
      %dma_wait3A_207 = tpu.memref_slice %arg8[%dma_wait3A_205, %dma_wait3A_206] : memref<250x80xi32, #tpu.memory_space<vmem>> -> memref<1x80xi32, #tpu.memory_space<vmem>>
      %dma_wait3A_208 = tpu.memref_squeeze %dma_wait3A_207 : memref<1x80xi32, #tpu.memory_space<vmem>> -> memref<80xi32, #tpu.memory_space<vmem>>
      %dma_wait3A_209 = arith.constant 0 : i32
      %dma_wait3A_210 = arith.constant 0 : i32
      %dma_wait3A_211 = tpu.memref_slice %arg12[%dma_wait3A_209, %dma_wait3A_210] : memref<10240x16xf32, #tpu.memory_space<vmem_shared>> -> memref<10240x16xf32, #tpu.memory_space<vmem_shared>>
      tpu.wait_indirect_dma semaphore(%arg27 : memref<!tpu.dma_semaphore, #tpu.memory_space<semaphore_mem>>) src(%arg10 : memref<80x16xf32, #tpu.memory_space<vmem>>) dst(%dma_wait3A_211 : memref<10240x16xf32, #tpu.memory_space<vmem_shared>>)
    } else {
    }
    %barrier3A_198 = arith.constant 0 : index
    tpu.barrier barrier_id(%barrier3A_198)
    %add3A_199 = arith.addi %mul3A_2, %mul3A_0 : i32
    "tpu.region"() ({
      %run_scoped3A_205 = tpu.sem_alloc : memref<!tpu.dma_semaphore, #tpu.memory_space<semaphore_mem>>
      %dma_start3A_206 = arith.constant 0 : i32
      %dma_start3A_207 = tpu.memref_slice %arg5[%add3A_199, %dma_start3A_206] : memref<20480x64xf32, #tpu.memory_space<hbm>> -> memref<640x64xf32, #tpu.memory_space<hbm>>
      %dma_start3A_208 = arith.constant 0 : i32
      %dma_start3A_209 = tpu.memref_slice %arg11[%mul3A_0, %dma_start3A_208] : memref<10240x64xf32, #tpu.memory_space<vmem_shared>> -> memref<640x64xf32, #tpu.memory_space<vmem_shared>>
      tpu.enqueue_dma source(%dma_start3A_209 : memref<640x64xf32, #tpu.memory_space<vmem_shared>>) target(%dma_start3A_207 : memref<640x64xf32, #tpu.memory_space<hbm>>) target_semaphore(%run_scoped3A_205 : memref<!tpu.dma_semaphore, #tpu.memory_space<semaphore_mem>>)
      %dma_wait3A_210 = arith.constant 0 : i32
      %dma_wait3A_211 = tpu.memref_slice %arg5[%add3A_199, %dma_wait3A_210] : memref<20480x64xf32, #tpu.memory_space<hbm>> -> memref<640x64xf32, #tpu.memory_space<hbm>>
      %dma_wait3A_212 = arith.constant 0 : i32
      %dma_wait3A_213 = tpu.memref_slice %arg11[%mul3A_0, %dma_wait3A_212] : memref<10240x64xf32, #tpu.memory_space<vmem_shared>> -> memref<640x64xf32, #tpu.memory_space<vmem_shared>>
      tpu.wait_dma2 semaphore(%run_scoped3A_205 : memref<!tpu.dma_semaphore, #tpu.memory_space<semaphore_mem>>) src(%dma_wait3A_213 : memref<640x64xf32, #tpu.memory_space<vmem_shared>>) dst(%dma_wait3A_211 : memref<640x64xf32, #tpu.memory_space<hbm>>)
      tpu.yield
    }) : () -> ()
    %eq3A_200 = arith.constant 0 : i32
    %eq3A_201 = arith.cmpi eq, %arg0, %eq3A_200 : i32
    %convert_element_type3A_202 = arith.extui %eq3A_201 : i1 to i32
    %cond3A_203 = arith.constant 0 : i32
    %cond3A_204 = arith.cmpi ne, %convert_element_type3A_202, %cond3A_203 : i32
    scf.if %cond3A_204 {
      "tpu.region"() ({
        %run_scoped3A_205 = tpu.sem_alloc : memref<!tpu.dma_semaphore, #tpu.memory_space<semaphore_mem>>
        %dma_start3A_206 = arith.constant 0 : i32
        %dma_start3A_207 = tpu.memref_slice %arg6[%mul3A_0, %dma_start3A_206] : memref<10240x16xf32, #tpu.memory_space<hbm>> -> memref<640x16xf32, #tpu.memory_space<hbm>>
        %dma_start3A_208 = arith.constant 0 : i32
        %dma_start3A_209 = tpu.memref_slice %arg12[%mul3A_0, %dma_start3A_208] : memref<10240x16xf32, #tpu.memory_space<vmem_shared>> -> memref<640x16xf32, #tpu.memory_space<vmem_shared>>
        tpu.enqueue_dma source(%dma_start3A_209 : memref<640x16xf32, #tpu.memory_space<vmem_shared>>) target(%dma_start3A_207 : memref<640x16xf32, #tpu.memory_space<hbm>>) target_semaphore(%run_scoped3A_205 : memref<!tpu.dma_semaphore, #tpu.memory_space<semaphore_mem>>)
        %dma_wait3A_210 = arith.constant 0 : i32
        %dma_wait3A_211 = tpu.memref_slice %arg6[%mul3A_0, %dma_wait3A_210] : memref<10240x16xf32, #tpu.memory_space<hbm>> -> memref<640x16xf32, #tpu.memory_space<hbm>>
        %dma_wait3A_212 = arith.constant 0 : i32
        %dma_wait3A_213 = tpu.memref_slice %arg12[%mul3A_0, %dma_wait3A_212] : memref<10240x16xf32, #tpu.memory_space<vmem_shared>> -> memref<640x16xf32, #tpu.memory_space<vmem_shared>>
        tpu.wait_dma2 semaphore(%run_scoped3A_205 : memref<!tpu.dma_semaphore, #tpu.memory_space<semaphore_mem>>) src(%dma_wait3A_213 : memref<640x16xf32, #tpu.memory_space<vmem_shared>>) dst(%dma_wait3A_211 : memref<640x16xf32, #tpu.memory_space<hbm>>)
        tpu.yield
      }) : () -> ()
    } else {
    }
    return
  }
}

module attributes {stable_mosaic.version = 14 : i64} {
  func.func @body(%arg0: memref<4000x128xf32, #tpu.memory_space<vmem>>, %arg1: memref<128x128xf32, #tpu.memory_space<vmem>>, %arg2: memref<1x128xf32, #tpu.memory_space<vmem>>, %arg3: memref<3000x128xf32, #tpu.memory_space<vmem>>, %arg4: memref<1x128xf32, #tpu.memory_space<vmem>>, %arg5: memref<3000x128xf32, #tpu.memory_space<vmem>>, %arg6: memref<1x128xf32, #tpu.memory_space<vmem>>, %arg7: memref<20480x64xf32, #tpu.memory_space<vmem>>, %arg8: memref<10240x128xf32, #tpu.memory_space<vmem>>) attributes {dimension_semantics = [], scalar_prefetch = 0 : i64, scratch_operands = 0 : i64, tpu.core_type = #tpu.core_type<tc>} {
    %get3A = arith.constant 0 : index
    %get3A_0 = arith.constant 0 : index
    %get3A_1 = vector.load %arg0[%get3A, %get3A_0] : memref<4000x128xf32, #tpu.memory_space<vmem>>, vector<4000x128xf32>
    %get3A_2 = arith.constant 0 : index
    %get3A_3 = arith.constant 0 : index
    %get3A_4 = vector.load %arg1[%get3A_2, %get3A_3] : memref<128x128xf32, #tpu.memory_space<vmem>>, vector<128x128xf32>
    %dot_general3A = arith.constant dense<0.000000e+00> : vector<4000x128xf32>
    %dot_general3A_5 = tpu.matmul %get3A_1, %get3A_4, %dot_general3A {dimension_numbers = #tpu.dot_dimension_numbers<[1], [0], [0], [1], [0, 0, 1, 1], [], []>, transpose_lhs_hint = false} : vector<4000x128xf32>, vector<128x128xf32>, vector<4000x128xf32> -> vector<4000x128xf32>
    %get3A_6 = arith.constant 0 : index
    %get3A_7 = arith.constant 0 : index
    %get3A_8 = vector.load %arg2[%get3A_6, %get3A_7] : memref<1x128xf32, #tpu.memory_space<vmem>>, vector<1x128xf32>
    %add3A = vector.broadcast %get3A_8 : vector<1x128xf32> to vector<4000x128xf32>
    %add3A_9 = arith.addf %dot_general3A_5, %add3A : vector<4000x128xf32>
    %broadcast_in_dim3A = arith.constant 0.000000e+00 : f32
    %broadcast_in_dim3A_10 = vector.broadcast %broadcast_in_dim3A : f32 to vector<6240x128xf32>
    %concatenate3A = tpu.concatenate %add3A_9, %broadcast_in_dim3A_10 in 0 : vector<4000x128xf32>, vector<6240x128xf32> -> vector<10240x128xf32>
    %slice3A = vector.extract_strided_slice %concatenate3A {offsets = [0, 0], sizes = [10240, 64], strides = [1, 1]} : vector<10240x128xf32> to vector<10240x64xf32>
    %slice3A_11 = vector.extract_strided_slice %concatenate3A {offsets = [0, 64], sizes = [10240, 64], strides = [1, 1]} : vector<10240x128xf32> to vector<10240x64xf32>
    %concatenate3A_12 = tpu.concatenate %slice3A, %slice3A_11 in 0 : vector<10240x64xf32>, vector<10240x64xf32> -> vector<20480x64xf32>
    %swap3A = arith.constant 0 : index
    %swap3A_13 = arith.constant 0 : index
    %swap3A_14 = vector.load %arg7[%swap3A, %swap3A_13] : memref<20480x64xf32, #tpu.memory_space<vmem>>, vector<20480x64xf32>
    tpu.vector_store %arg7[%swap3A, %swap3A_13], %concatenate3A_12 {strides = array<i32>} : memref<20480x64xf32, #tpu.memory_space<vmem>>, vector<20480x64xf32>,
    %get3A_15 = arith.constant 0 : index
    %get3A_16 = arith.constant 0 : index
    %get3A_17 = vector.load %arg3[%get3A_15, %get3A_16] : memref<3000x128xf32, #tpu.memory_space<vmem>>, vector<3000x128xf32>
    %get3A_18 = arith.constant 0 : index
    %get3A_19 = arith.constant 0 : index
    %get3A_20 = vector.load %arg4[%get3A_18, %get3A_19] : memref<1x128xf32, #tpu.memory_space<vmem>>, vector<1x128xf32>
    %add3A_21 = vector.broadcast %get3A_20 : vector<1x128xf32> to vector<3000x128xf32>
    %add3A_22 = arith.addf %get3A_17, %add3A_21 : vector<3000x128xf32>
    %get3A_23 = arith.constant 0 : index
    %get3A_24 = arith.constant 0 : index
    %get3A_25 = vector.load %arg5[%get3A_23, %get3A_24] : memref<3000x128xf32, #tpu.memory_space<vmem>>, vector<3000x128xf32>
    %get3A_26 = arith.constant 0 : index
    %get3A_27 = arith.constant 0 : index
    %get3A_28 = vector.load %arg6[%get3A_26, %get3A_27] : memref<1x128xf32, #tpu.memory_space<vmem>>, vector<1x128xf32>
    %add3A_29 = vector.broadcast %get3A_28 : vector<1x128xf32> to vector<3000x128xf32>
    %add3A_30 = arith.addf %get3A_25, %add3A_29 : vector<3000x128xf32>
    %broadcast_in_dim3A_31 = arith.constant 0.000000e+00 : f32
    %broadcast_in_dim3A_32 = vector.broadcast %broadcast_in_dim3A_31 : f32 to vector<240x128xf32>
    %concatenate3A_33 = tpu.concatenate %add3A_9, %add3A_22, %add3A_30, %broadcast_in_dim3A_32 in 0 : vector<4000x128xf32>, vector<3000x128xf32>, vector<3000x128xf32>, vector<240x128xf32> -> vector<10240x128xf32>
    %swap3A_34 = arith.constant 0 : index
    %swap3A_35 = arith.constant 0 : index
    %swap3A_36 = vector.load %arg8[%swap3A_34, %swap3A_35] : memref<10240x128xf32, #tpu.memory_space<vmem>>, vector<10240x128xf32>
    tpu.vector_store %arg8[%swap3A_34, %swap3A_35], %concatenate3A_33 {strides = array<i32>} : memref<10240x128xf32, #tpu.memory_space<vmem>>, vector<10240x128xf32>,
    return
  }
}

module attributes {stable_mosaic.version = 14 : i64} {
  func.func @body(%arg0: memref<20480x64xf32, #tpu.memory_space<vmem>>, %arg1: memref<10240x16xf32, #tpu.memory_space<vmem>>, %arg2: memref<10240x128xf32, #tpu.memory_space<vmem>>, %arg3: memref<10240x1xi32, #tpu.memory_space<vmem>>, %arg4: memref<4x128x128xf32, #tpu.memory_space<vmem>>, %arg5: memref<128x16xf32, #tpu.memory_space<vmem>>, %arg6: memref<10240x128xf32, #tpu.memory_space<vmem>>, %arg7: memref<10240x16xf32, #tpu.memory_space<vmem>>) attributes {dimension_semantics = [], scalar_prefetch = 0 : i64, scratch_operands = 0 : i64, tpu.core_type = #tpu.core_type<tc>} {
    %get3A = arith.constant 0 : index
    %get3A_0 = arith.constant 0 : index
    %get3A_1 = vector.load %arg0[%get3A, %get3A_0] : memref<20480x64xf32, #tpu.memory_space<vmem>>, vector<20480x64xf32>
    %slice3A = vector.extract_strided_slice %get3A_1 {offsets = [0, 0], sizes = [10240, 64], strides = [1, 1]} : vector<20480x64xf32> to vector<10240x64xf32>
    %slice3A_2 = vector.extract_strided_slice %get3A_1 {offsets = [10240, 0], sizes = [10240, 64], strides = [1, 1]} : vector<20480x64xf32> to vector<10240x64xf32>
    %concatenate3A = tpu.concatenate %slice3A, %slice3A_2 in 1 : vector<10240x64xf32>, vector<10240x64xf32> -> vector<10240x128xf32>
    %get3A_3 = arith.constant 0 : index
    %get3A_4 = arith.constant 0 : index
    %get3A_5 = vector.load %arg1[%get3A_3, %get3A_4] : memref<10240x16xf32, #tpu.memory_space<vmem>>, vector<10240x16xf32>
    %slice3A_6 = vector.extract_strided_slice %get3A_5 {offsets = [0, 0], sizes = [10240, 1], strides = [1, 1]} : vector<10240x16xf32> to vector<10240x1xf32>
    %max3A = arith.constant 1.000000e+00 : f32
    %max3A_7 = vector.broadcast %max3A : f32 to vector<10240x1xf32>
    %max3A_8 = arith.maximumf %slice3A_6, %max3A_7 : vector<10240x1xf32>
    %div3A = vector.broadcast %max3A_8 : vector<10240x1xf32> to vector<10240x128xf32>
    %div3A_9 = arith.divf %concatenate3A, %div3A : vector<10240x128xf32>
    %get3A_10 = arith.constant 0 : index
    %get3A_11 = arith.constant 0 : index
    %get3A_12 = vector.load %arg3[%get3A_10, %get3A_11] : memref<10240x1xi32, #tpu.memory_space<vmem>>, vector<10240x1xi32>
    %get3A_13 = arith.constant 0 : index
    %get3A_14 = arith.constant 0 : index
    %get3A_15 = arith.constant 0 : index
    %get3A_16 = vector.load %arg4[%get3A_13, %get3A_14, %get3A_15] : memref<4x128x128xf32, #tpu.memory_space<vmem>>, vector<4x128x128xf32>
    %broadcast_in_dim3A = arith.constant 0.000000e+00 : f32
    %broadcast_in_dim3A_17 = vector.broadcast %broadcast_in_dim3A : f32 to vector<10240x128xf32>
    %eq3A = arith.constant 0 : i32
    %eq3A_18 = vector.broadcast %eq3A : i32 to vector<10240x1xi32>
    %eq3A_19 = arith.cmpi eq, %get3A_12, %eq3A_18 : vector<10240x1xi32>
    %convert_element_type3A = arith.extui %eq3A_19 : vector<10240x1xi1> to vector<10240x1xi32>
    %convert_element_type3A_20 = arith.sitofp %convert_element_type3A : vector<10240x1xi32> to vector<10240x1xf32>
    %slice3A_21 = vector.extract_strided_slice %get3A_16 {offsets = [0, 0, 0], sizes = [1, 128, 128], strides = [1, 1, 1]} : vector<4x128x128xf32> to vector<1x128x128xf32>
    %squeeze3A = vector.shape_cast %slice3A_21 : vector<1x128x128xf32> to vector<128x128xf32>
    %dot_general3A = arith.constant dense<0.000000e+00> : vector<10240x128xf32>
    %dot_general3A_22 = tpu.matmul %div3A_9, %squeeze3A, %dot_general3A {dimension_numbers = #tpu.dot_dimension_numbers<[1], [0], [0], [1], [0, 0, 1, 1], [], []>, transpose_lhs_hint = false} : vector<10240x128xf32>, vector<128x128xf32>, vector<10240x128xf32> -> vector<10240x128xf32>
    %mul3A = vector.broadcast %convert_element_type3A_20 : vector<10240x1xf32> to vector<10240x128xf32>
    %mul3A_23 = arith.mulf %mul3A, %dot_general3A_22 : vector<10240x128xf32>
    %add3A = arith.addf %broadcast_in_dim3A_17, %mul3A_23 : vector<10240x128xf32>
    %eq3A_24 = arith.constant 1 : i32
    %eq3A_25 = vector.broadcast %eq3A_24 : i32 to vector<10240x1xi32>
    %eq3A_26 = arith.cmpi eq, %get3A_12, %eq3A_25 : vector<10240x1xi32>
    %convert_element_type3A_27 = arith.extui %eq3A_26 : vector<10240x1xi1> to vector<10240x1xi32>
    %convert_element_type3A_28 = arith.sitofp %convert_element_type3A_27 : vector<10240x1xi32> to vector<10240x1xf32>
    %slice3A_29 = vector.extract_strided_slice %get3A_16 {offsets = [1, 0, 0], sizes = [1, 128, 128], strides = [1, 1, 1]} : vector<4x128x128xf32> to vector<1x128x128xf32>
    %squeeze3A_30 = vector.shape_cast %slice3A_29 : vector<1x128x128xf32> to vector<128x128xf32>
    %dot_general3A_31 = arith.constant dense<0.000000e+00> : vector<10240x128xf32>
    %dot_general3A_32 = tpu.matmul %div3A_9, %squeeze3A_30, %dot_general3A_31 {dimension_numbers = #tpu.dot_dimension_numbers<[1], [0], [0], [1], [0, 0, 1, 1], [], []>, transpose_lhs_hint = false} : vector<10240x128xf32>, vector<128x128xf32>, vector<10240x128xf32> -> vector<10240x128xf32>
    %mul3A_33 = vector.broadcast %convert_element_type3A_28 : vector<10240x1xf32> to vector<10240x128xf32>
    %mul3A_34 = arith.mulf %mul3A_33, %dot_general3A_32 : vector<10240x128xf32>
    %add3A_35 = arith.addf %add3A, %mul3A_34 : vector<10240x128xf32>
    %eq3A_36 = arith.constant 2 : i32
    %eq3A_37 = vector.broadcast %eq3A_36 : i32 to vector<10240x1xi32>
    %eq3A_38 = arith.cmpi eq, %get3A_12, %eq3A_37 : vector<10240x1xi32>
    %convert_element_type3A_39 = arith.extui %eq3A_38 : vector<10240x1xi1> to vector<10240x1xi32>
    %convert_element_type3A_40 = arith.sitofp %convert_element_type3A_39 : vector<10240x1xi32> to vector<10240x1xf32>
    %slice3A_41 = vector.extract_strided_slice %get3A_16 {offsets = [2, 0, 0], sizes = [1, 128, 128], strides = [1, 1, 1]} : vector<4x128x128xf32> to vector<1x128x128xf32>
    %squeeze3A_42 = vector.shape_cast %slice3A_41 : vector<1x128x128xf32> to vector<128x128xf32>
    %dot_general3A_43 = arith.constant dense<0.000000e+00> : vector<10240x128xf32>
    %dot_general3A_44 = tpu.matmul %div3A_9, %squeeze3A_42, %dot_general3A_43 {dimension_numbers = #tpu.dot_dimension_numbers<[1], [0], [0], [1], [0, 0, 1, 1], [], []>, transpose_lhs_hint = false} : vector<10240x128xf32>, vector<128x128xf32>, vector<10240x128xf32> -> vector<10240x128xf32>
    %mul3A_45 = vector.broadcast %convert_element_type3A_40 : vector<10240x1xf32> to vector<10240x128xf32>
    %mul3A_46 = arith.mulf %mul3A_45, %dot_general3A_44 : vector<10240x128xf32>
    %add3A_47 = arith.addf %add3A_35, %mul3A_46 : vector<10240x128xf32>
    %eq3A_48 = arith.constant 3 : i32
    %eq3A_49 = vector.broadcast %eq3A_48 : i32 to vector<10240x1xi32>
    %eq3A_50 = arith.cmpi eq, %get3A_12, %eq3A_49 : vector<10240x1xi32>
    %convert_element_type3A_51 = arith.extui %eq3A_50 : vector<10240x1xi1> to vector<10240x1xi32>
    %convert_element_type3A_52 = arith.sitofp %convert_element_type3A_51 : vector<10240x1xi32> to vector<10240x1xf32>
    %slice3A_53 = vector.extract_strided_slice %get3A_16 {offsets = [3, 0, 0], sizes = [1, 128, 128], strides = [1, 1, 1]} : vector<4x128x128xf32> to vector<1x128x128xf32>
    %squeeze3A_54 = vector.shape_cast %slice3A_53 : vector<1x128x128xf32> to vector<128x128xf32>
    %dot_general3A_55 = arith.constant dense<0.000000e+00> : vector<10240x128xf32>
    %dot_general3A_56 = tpu.matmul %div3A_9, %squeeze3A_54, %dot_general3A_55 {dimension_numbers = #tpu.dot_dimension_numbers<[1], [0], [0], [1], [0, 0, 1, 1], [], []>, transpose_lhs_hint = false} : vector<10240x128xf32>, vector<128x128xf32>, vector<10240x128xf32> -> vector<10240x128xf32>
    %mul3A_57 = vector.broadcast %convert_element_type3A_52 : vector<10240x1xf32> to vector<10240x128xf32>
    %mul3A_58 = arith.mulf %mul3A_57, %dot_general3A_56 : vector<10240x128xf32>
    %add3A_59 = arith.addf %add3A_47, %mul3A_58 : vector<10240x128xf32>
    %get3A_60 = arith.constant 0 : index
    %get3A_61 = arith.constant 0 : index
    %get3A_62 = vector.load %arg2[%get3A_60, %get3A_61] : memref<10240x128xf32, #tpu.memory_space<vmem>>, vector<10240x128xf32>
    %add3A_63 = arith.addf %get3A_62, %add3A_59 : vector<10240x128xf32>
    %gt3A = arith.constant 0.000000e+00 : f32
    %gt3A_64 = vector.broadcast %gt3A : f32 to vector<10240x128xf32>
    %gt3A_65 = arith.cmpf ogt, %add3A_63, %gt3A_64 : vector<10240x128xf32>
    %exp3A = math.exp %add3A_63 : vector<10240x128xf32>
    %sub3A = arith.constant 1.000000e+00 : f32
    %sub3A_66 = vector.broadcast %sub3A : f32 to vector<10240x128xf32>
    %sub3A_67 = arith.subf %exp3A, %sub3A_66 : vector<10240x128xf32>
    %select_n3A = arith.select %gt3A_65, %add3A_63, %sub3A_67 : vector<10240x128xi1>, vector<10240x128xf32>
    %swap3A = arith.constant 0 : index
    %swap3A_68 = arith.constant 0 : index
    %swap3A_69 = vector.load %arg6[%swap3A, %swap3A_68] : memref<10240x128xf32, #tpu.memory_space<vmem>>, vector<10240x128xf32>
    tpu.vector_store %arg6[%swap3A, %swap3A_68], %select_n3A {strides = array<i32>} : memref<10240x128xf32, #tpu.memory_space<vmem>>, vector<10240x128xf32>,
    %get3A_70 = arith.constant 0 : index
    %get3A_71 = arith.constant 0 : index
    %get3A_72 = vector.load %arg5[%get3A_70, %get3A_71] : memref<128x16xf32, #tpu.memory_space<vmem>>, vector<128x16xf32>
    %dot_general3A_73 = arith.constant dense<0.000000e+00> : vector<10240x16xf32>
    %dot_general3A_74 = tpu.matmul %select_n3A, %get3A_72, %dot_general3A_73 {dimension_numbers = #tpu.dot_dimension_numbers<[1], [0], [0], [1], [0, 0, 1, 1], [], []>, transpose_lhs_hint = false} : vector<10240x128xf32>, vector<128x16xf32>, vector<10240x16xf32> -> vector<10240x16xf32>
    %swap3A_75 = arith.constant 0 : index
    %swap3A_76 = arith.constant 0 : index
    %swap3A_77 = vector.load %arg7[%swap3A_75, %swap3A_76] : memref<10240x16xf32, #tpu.memory_space<vmem>>, vector<10240x16xf32>
    tpu.vector_store %arg7[%swap3A_75, %swap3A_76], %dot_general3A_74 {strides = array<i32>} : memref<10240x16xf32, #tpu.memory_space<vmem>>, vector<10240x16xf32>,
    return
  }
}

module attributes {stable_mosaic.version = 14 : i64} {
  func.func @body(%arg0: memref<20480x16xf32, #tpu.memory_space<vmem>>, %arg1: memref<10240x16xf32, #tpu.memory_space<vmem>>, %arg2: memref<1x16xf32, #tpu.memory_space<vmem>>, %arg3: memref<10240x16xf32, #tpu.memory_space<vmem>>) attributes {dimension_semantics = [], scalar_prefetch = 0 : i64, scratch_operands = 0 : i64, tpu.core_type = #tpu.core_type<tc>} {
    %get3A = arith.constant 0 : index
    %get3A_0 = arith.constant 0 : index
    %get3A_1 = vector.load %arg0[%get3A, %get3A_0] : memref<20480x16xf32, #tpu.memory_space<vmem>>, vector<20480x16xf32>
    %slice3A = vector.extract_strided_slice %get3A_1 {offsets = [0, 0], sizes = [10240, 16], strides = [1, 1]} : vector<20480x16xf32> to vector<10240x16xf32>
    %slice3A_2 = vector.extract_strided_slice %get3A_1 {offsets = [10240, 0], sizes = [10240, 16], strides = [1, 1]} : vector<20480x16xf32> to vector<10240x16xf32>
    %add3A = arith.addf %slice3A, %slice3A_2 : vector<10240x16xf32>
    %get3A_3 = arith.constant 0 : index
    %get3A_4 = arith.constant 0 : index
    %get3A_5 = vector.load %arg1[%get3A_3, %get3A_4] : memref<10240x16xf32, #tpu.memory_space<vmem>>, vector<10240x16xf32>
    %slice3A_6 = vector.extract_strided_slice %get3A_5 {offsets = [0, 0], sizes = [10240, 1], strides = [1, 1]} : vector<10240x16xf32> to vector<10240x1xf32>
    %max3A = arith.constant 1.000000e+00 : f32
    %max3A_7 = vector.broadcast %max3A : f32 to vector<10240x1xf32>
    %max3A_8 = arith.maximumf %slice3A_6, %max3A_7 : vector<10240x1xf32>
    %div3A = vector.broadcast %max3A_8 : vector<10240x1xf32> to vector<10240x16xf32>
    %div3A_9 = arith.divf %add3A, %div3A : vector<10240x16xf32>
    %get3A_10 = arith.constant 0 : index
    %get3A_11 = arith.constant 0 : index
    %get3A_12 = vector.load %arg2[%get3A_10, %get3A_11] : memref<1x16xf32, #tpu.memory_space<vmem>>, vector<1x16xf32>
    %add3A_13 = vector.broadcast %get3A_12 : vector<1x16xf32> to vector<10240x16xf32>
    %add3A_14 = arith.addf %div3A_9, %add3A_13 : vector<10240x16xf32>
    %swap3A = arith.constant 0 : index
    %swap3A_15 = arith.constant 0 : index
    %swap3A_16 = vector.load %arg3[%swap3A, %swap3A_15] : memref<10240x16xf32, #tpu.memory_space<vmem>>, vector<10240x16xf32>
    tpu.vector_store %arg3[%swap3A, %swap3A_15], %add3A_14 {strides = array<i32>} : memref<10240x16xf32, #tpu.memory_space<vmem>>, vector<10240x16xf32>,
    return
  }
}

</mosaic_0001>

<sc_bundles>
// kernel: kernel.10.cloned.1.call-start
scs
__scs_entry_jumppad:
0x0: {  	(pc) =	sbr.rel $0x88, $3  }
0x1: {  	(tag) =	ssettag $0x0;
	lr =	simm.s32 $0x1  }
0x2: {  	[smem:$0x3F95] =	sst lr;
	_ =	strace $0xD0000000  }
0x3: {  	_ = 	snop  }
0x4: {  	_ = 	snop  }
0x5: {  	_ = 	snop  }
0x6: {  	_ = 	snop  }
0x7: {  	_ = 	snop  }
__scs_overlays_trampoline_lowered:
0x8: {  	[smem:$0x3FA4] =	sst s0  }
0x9: {  	[smem:$0x3FA5] =	sst s1  }
0xa: {  	[smem:$0x3FA6] =	sst s2  }
0xb: {  	[smem:$0x3FA7] =	sst s3  }
0xc: {  	[smem:$0x3FA8] =	sst s4  }
0xd: {  	[smem:$0x3FA9] =	sst s5  }
0xe: {  	[smem:$0x3FAA] =	sst s6  }
0xf: {  	[smem:$0x3FAB] =	sst s7  }
0x10: {  	[smem:$0x3FAC] =	sst s8  }
0x11: {  	[smem:$0x3FAD] =	sst s9;
	s0 =	simm.s32 @!p0 $0x0  }
0x12: {  	s1 =	sld [smem:$0x3F93];
	s0 =	simm.s32 @p0 $0x1  }
0x13: {  	[smem:$0x3FAE] =	sst s0;
	s0 =	simm.s32 @!p1 $0x0  }
0x14: {  	s2 =	sld [smem:$0x3F92];
	s0 =	simm.s32 @p1 $0x1  }
0x15: {  	[smem:$0x3FAF] =	sst s0;
	s0 =	simm.s32 @!p2 $0x0  }
0x16: {  	s3 =	sld [smem:$0x3FDB];
	s0 =	simm.s32 @p2 $0x1  }
0x17: {  	s4 =	simm.s32 $0x1BF5;
	[smem:$0x3FB1] =	sst s0  }
0x18: {  	s0 =	sld [smem:$0x3F94];
	_ =	swait.ge [sflag:s4], $0x0  }
0x19: {  	s7 =	sld [smem:$0x3F95]  }
0x1a: {  	s8 =	sadd.s32 $0xFFFFE003, lr  }
0x1b: {  	s9 =	sadd.s32 $0xFFFFFEF7, lr;
	s5 =	simm.s32 $0xFFFFFFFF;
	p2 =	slt.u32 s8, $0xFFFFF086  }
0x1c: {  	p1 =	slt.u32 s9, $0xF7A;
	s5 =	simm.s32 @!p2 $0x0  }
0x1d: {  	s5 =	simm.s32 @p1 $0x1;
	p0 =	seq.s32 s7, s2  }
0x1e: {  	s7 =	smul.u32 @!p0 $0xF7A, s2;
	p2 =	seq.s32 @!p0 s5, $0x0  }
0x1f: {  	s9 =	smul.u32 $0xF7A, s1;
	s8 =	simm.s32 @!p0 $0x1BF5;
	p2 =	por !p2, p0  }
0x20: {  	[sflag:s8] =	ssyncset.s32 @!p0 $0xFFFFF086;
	s6 =	sadd.s32 @!p0 s3, s7;
	s7 =	simm.s32 @!p0 $0x108  }
0x21: {  	s3 =	sadd.s32 s3, s9;
	s6 =	sadd.s32 @!p0 $0x88, s6;
	s7 =	simm.s32 @p2 $0x1082  }
0x22: {  	[simem:s7], [sflag:s8] =	dma.local @!p0 [hbm:s6], $0xF7A  }
0x23: {  	s9 =	sor.u32 $0xD0000000, s2;
	s6 =	simm.s32 $0x108;
	_ =	swait.ge @!p0 [sflag:s8], $0x0  }
0x24: {  	s3 =	sadd.s32 $0x88, s3;
	s6 =	simm.s32 @!p1 $0x1082;
	[sflag:s4] =	ssyncset.s32 $0xFFFFF086  }
0x25: {  	[simem:s6], [sflag:s4] =	dma.local [hbm:s3], $0xF7A  }
0x26: {  	[smem:$0x3F95] =	sst s1;
	(tag) =	ssettag s2;
	_ =	strace s9  }
0x27: {  	s1 =	sld [smem:$0x3FA5]  }
0x28: {  	s2 =	sld [smem:$0x3FA6]  }
0x29: {  	s4 =	sld [smem:$0x3FA8]  }
0x2a: {  	p0 =	seq.s32 s5, $0x0;
	s5 =	sld [smem:$0x3FA9]  }
0x2b: {  	s6 =	sld [smem:$0x3FAA]  }
0x2c: {  	s7 =	sld [smem:$0x3FAB]  }
0x2d: {  	s3 =	simm.s32 $0x108;
	s8 =	sld [smem:$0x3FAC]  }
0x2e: {  	s3 =	simm.s32 @!p0 $0x1082;
	s9 =	sld [smem:$0x3FAD]  }
0x2f: {  	lr =	sadd.s32 s0, s3;
	s0 =	sld [smem:$0x3FA4]  }
0x30: {  	s3 =	sld [smem:$0x3FA7]  }
0x31: {  	[smem:$0x3FB0] =	sst s10  }
0x32: {  	s10 =	sld [smem:$0x3FAE];
	_ =	sdelay $0x3  }
0x33: {  	p0 =	seq.s32 s10, $0x1;
	s10 =	sld [smem:$0x3FB0];
	_ =	sdelay $0x3  }
0x34: {  	[smem:$0x3FB0] =	sst s10  }
0x35: {  	s10 =	sld [smem:$0x3FAF];
	_ =	sdelay $0x3  }
0x36: {  	p1 =	seq.s32 s10, $0x1;
	s10 =	sld [smem:$0x3FB0];
	_ =	sdelay $0x3  }
0x37: {  	[smem:$0x3FB0] =	sst s10  }
0x38: {  	s10 =	sld [smem:$0x3FB1]  }
0x39: {  	_ = 	snop;
	(pc) =	sbr.ind lr, $3  }
0x3a: {  	_ = 	snop  }
0x3b: {  	_ = 	snop  }
0x3c: {  	p2 =	seq.s32 s10, $0x1;
	s10 =	sld [smem:$0x3FB0]  }
0x3d: {  	_ =	shalt  }
0x3e: {  	_ =	shalt  }
0x3f: {  	_ =	shalt  }
0x40: {  	_ =	shalt  }
0x41: {  	_ =	shalt  }
0x42: {  	_ =	shalt  }
0x43: {  	_ =	shalt  }
0x44: {  	_ =	shalt  }
0x45: {  	_ =	shalt  }
0x46: {  	_ =	shalt  }
0x47: {  	_ =	shalt  }
0x48: {  	_ =	shalt  }
0x49: {  	_ =	shalt  }
0x4a: {  	_ =	shalt  }
0x4b: {  	_ =	shalt  }
0x4c: {  	_ =	shalt  }
0x4d: {  	_ =	shalt  }
0x4e: {  	_ =	shalt  }
0x4f: {  	_ =	shalt  }
0x50: {  	_ =	shalt  }
0x51: {  	_ =	shalt  }
0x52: {  	_ =	shalt  }
0x53: {  	_ =	shalt  }
0x54: {  	_ =	shalt  }
0x55: {  	_ =	shalt  }
0x56: {  	_ =	shalt  }
0x57: {  	_ =	shalt  }
0x58: {  	_ =	shalt  }
0x59: {  	_ =	shalt  }
0x5a: {  	_ =	shalt  }
0x5b: {  	_ =	shalt  }
0x5c: {  	_ =	shalt  }
0x5d: {  	_ =	shalt  }
0x5e: {  	_ =	shalt  }
0x5f: {  	_ =	shalt  }
0x60: {  	_ =	shalt  }
0x61: {  	_ =	shalt  }
0x62: {  	_ =	shalt  }
0x63: {  	_ =	shalt  }
0x64: {  	_ =	shalt  }
0x65: {  	_ =	shalt  }
0x66: {  	_ =	shalt  }
0x67: {  	_ =	shalt  }
0x68: {  	_ =	shalt  }
0x69: {  	_ =	shalt  }
0x6a: {  	_ =	shalt  }
0x6b: {  	_ =	shalt  }
0x6c: {  	_ =	shalt  }
0x6d: {  	_ =	shalt  }
0x6e: {  	_ =	shalt  }
0x6f: {  	_ =	shalt  }
0x70: {  	_ =	shalt  }
0x71: {  	_ =	shalt  }
0x72: {  	_ =	shalt  }
0x73: {  	_ =	shalt  }
0x74: {  	_ =	shalt  }
0x75: {  	_ =	shalt  }
0x76: {  	_ =	shalt  }
0x77: {  	_ =	shalt  }
0x78: {  	_ =	shalt  }
0x79: {  	_ =	shalt  }
0x7a: {  	_ =	shalt  }
0x7b: {  	_ =	shalt  }
0x7c: {  	_ =	shalt  }
0x7d: {  	_ =	shalt  }
0x7e: {  	_ =	shalt  }
0x7f: {  	_ =	shalt  }
0x80: {  	_ =	shalt  }
0x81: {  	_ =	shalt  }
0x82: {  	_ =	shalt  }
0x83: {  	_ =	shalt  }
0x84: {  	_ =	shalt  }
0x85: {  	_ =	shalt  }
0x86: {  	_ =	shalt  }
0x87: {  	_ =	shalt  }
.Lfunc_end0:
.L_simem_size_0:
called_computation.1_lowered:
.L_overlay_start_0:
0x88: {  	s2 =	sld [smem:$0x3FD9]  }
0x89: {  	s3 =	sld [smem:$0x3FFE];
	_ =	sdelay $0x1  }
0x8a: {  	s1 =	srdreg.scid  }
0x8b: {  	s0 =	sand.u32 $0x1, s1  }
0x8c: {  	s16 =	sshll.u32 s0, $0xA;
	s2 =	sadd.s32 s3, s2  }
0x8d: {  	s2 =	sadd.s32 s2, s16  }
0x8e: {  	[smem:$0x3FBC] =	sst s2  }
0x8f: {  	_ = 	snop  }
0x90: {  	(tm) =	ssettm $0x1  }
0x91: {  	s17 =	sld [smem:$0x3FFB];
	_ =	sdelay $0x3  }
0x92: {  	_ =	strace s17  }
0x93: {  	s2 =	sld [smem:$0x3FFC];
	_ =	sdelay $0x3  }
0x94: {  	_ =	strace s2  }
0x95: {  	s2 =	sld [smem:$0x3FFD];
	_ =	sdelay $0x3  }
0x96: {  	_ =	strace s2  }
0x97: {  	_ =	strace $0x8FFFFFFF  }
0x98: {  	s18 =	sld [smem:$0x3FDB];
	_ =	sdelay $0x1  }
0x99: {  	s19 =	simm.s32 $_scs_section_size  }
0x9a: {  	s4 =	simm.s32 $_size__tile_overlayer_lowered;
	s5 =	simm.s32 $_tile_overlayer_lowered  }
0x9b: {  	s22 =	simm.s32 $0x1BFF;
	s21 =	sshll.u32 s5, $0x1;
	s2 =	sadd.s32 s19, s18  }
0x9c: {  	s6 =	simm.s32 $0x0;
	s20 =	sshll.u32 s4, $0x1;
	s4 =	sadd.s32 s21, s2  }
0x9d: {  	[timem:s6], [sflag:s22] =	dma.local [hbm:s4], s20  }
0x9e: {  	_ =	swait.ge [sflag:s22], s20  }
0x9f: {  	s3 =	ssub.s32 $0x0, s20;
	[sflag:s22] =	ssyncset.done $0x0  }
0xa0: {  	[sflag:s22] =	ssyncadd.s32 s3;
	_ =	sdelay $0x1  }
0xa1: {  	s23 =	simm.s32 $0x1B8B  }
0xa2: {  	_ =	swait.ge [sflag:s23], $0x1  }
0xa3: {  	[sflag:s23] =	ssyncset.done $0x0  }
0xa4: {  	s25 =	simm.s32 $0x1B8E;
	s24 =	sld [smem:$0x3FFE];
	[sflag:s23] =	ssyncadd.s32 $0xFFFFFFFF  }
0xa5: {  	s26 =	simm.s32 $execute0_lowered;
	[smem:$0x3FD2] =	sst s25  }
0xa6: {  	s4 =	sshll.u32 s26, $0x1;
	_ =	strace $0x80000049;
	[dreg:$0x1] =	wrdreg $0xFFFFFFFF  }
0xa7: {  	s28 =	simm.s32 $_size_execute0_lowered;
	s2 =	sadd.s32 s2, s4;
	[dreg:$0x0] =	wrdreg $0x0  }
0xa8: {  	s4 =	sshll.u32 s28, $0x1;
	[dreg:$0x2] =	wrdreg s2  }
0xa9: {  	[dreg:$0x3] =	wrdreg s4  }
0xaa: {  	[dreg:$0x4] =	wrdreg $0xC0  }
0xab: {  	_ =	task [dreg:s6], $0x5FFFF  }
0xac: {  	[dreg:$0x1] =	wrdreg $0xFFFFFFFF  }
0xad: {  	[dreg:$0x0] =	wrdreg $0x60  }
0xae: {  	[dreg:$0x2] =	wrdreg s24  }
0xaf: {  	[dreg:$0x3] =	wrdreg $0x67200  }
0xb0: {  	[dreg:$0x4] =	wrdreg $0x9  }
0xb1: {  	_ =	task.clear_ibuf [dreg:s6], $0x5FFFF;
	_ =	strace $0x90000049  }
0xb2: {  	s29 =	simm.s32 $0x9;
	_ =	strace $0x8000004B  }
0xb3: {  	_ =	swait.ge [sflag:s29], $0x1  }
0xb4: {  	[sflag:s29] =	ssyncadd.s32 $0xFFFFFFFF  }
0xb5: {  	_ =	strace $0x9000004B  }
0xb6: {  	_ =	sfence  }
0xb7: {  	s30 =	sld [smem:$0x0];
	_ =	sdelay $0x2  }
0xb8: {  	s31 =	sshll.u32 s1, $0xD;
	s1 =	sshrl.u32 s1, $0x2  }
0xb9: {  	s3 =	sand.u32 $0x4000, s31;
	s1 =	sadd.s32 s1, s30  }
0xba: {  	s0 =	sor.u32 s3, s0;
	s1 =	sshll.u32 s1, $0x11  }
0xbb: {  	s0 =	sor.u32 s1, s0  }
0xbc: {  	s0 =	sadd.s32 $0x8F2B, s0  }
0xbd: {  	[sflag:s0] =	ssyncadd.remote.s32 $0x1  }
0xbe: {  	_ =	sfence.sel $0xFFFF  }
0xbf: {  	[dreg:$0x0] =	wrdreg $0xFFFFFFFF;
	(pc) =	sbr.abs _section_cstart, $3  }
0xc0: {  	[dreg:$0x1] =	wrdreg $0xFFFFFFFF  }
0xc1: {  	_ =	task.clear_ibuf [dreg:s6], $0x2FFFF;
	_ =	strace $0x9FFFFFFF  }
0xc2: {  	(tm) =	ssettm $0x7FFFFFFF  }
0xc3: {  	_ =	shalt  }
tec
execute0_lowered:
.L_overlay_start_1:
0x0: {  	(tag) =	ssettag $0x1  }
0x1: {  	s0 =	srdreg.scid;
	s1 =	rddreg [dreg:$0x0]  }
0x2: {  	s7 =	stileid.u32;
	s2 =	rddreg [dreg:$0x1];
	s4 =	simm.s32 $0x0  }
0x3: {  	s17 =	simm.s32 $0xB;
	s29 =	simm.s32 $0x6220;
	s30 =	simm.s32 $0x2  }
0x4: {  	s28 =	simm.s32 $0x7;
	s31 =	simm.s32 $0x8;
	s0 =	sand.u32 $0x1, s0  }
0x5: {  	[smem:$0x7FF] =	sst s4;
	s5 =	smul.u32 $0x500, s7;
	s4 =	sadd.s32 $0x15C00, s1  }
0x6: {  	s3 =	sshll.u32 s0, $0x4;
	_ =	strace $0x8000004A;
	s6 =	smul.u32 $0x5000, s0  }
0x7: {  	s0 =	ssub.s32 $0x2, s0;
	s3 =	sor.u32 s7, s3;
	s7 =	smul.u32 $0xA000, s7  }
0x8: {  	s18 =	sshrl.u32 s0, $0x1;
	s3 =	smul.u32 $0x4E2, s3;
	s5 =	sadd.s32 s5, s6  }
0x9: {  	s0 =	ssub.s32 s0, s18;
	s18 =	simm.s32 $0x2710;
	s6 =	simm.s32 $0x0  }
0xa: {  	s19 =	sshrl.u32 s7, $0x2;
	s16 =	smax.u32 s0, $0x1;
	s3 =	sadd.s32 s3, s1  }
0xb: {  	s0 =	simm.s32 $0x4;
	s1 =	sadd.s32 s5, s1;
	s20 =	sadd.s32 $0xBE00, s3  }
0xc: {  	s7 =	sadd.s32 s19, s2;
	s3 =	sadd.s32 $0x2000, s3;
	[dreg:$0x3] =	wrdreg s20  }
0xd: {  	s19 =	simm.s32 $0x4E20;
	s21 =	sadd.s32 $0x500, s7;
	[dreg:$0x4] =	wrdreg s3  }
0xe: {  	s5 =	simm.s32 $0xA;
	s22 =	sadd.s32 $0xA00, s7;
	[dreg:$0x5] =	wrdreg s21  }
0xf: {  	s23 =	sadd.s32 $0xF00, s7;
	s24 =	sadd.s32 $0x1400, s7;
	[dreg:$0x6] =	wrdreg s22  }
0x10: {  	s25 =	sadd.s32 $0x1900, s7;
	s26 =	sadd.s32 $0x1E00, s7;
	[dreg:$0x7] =	wrdreg s23  }
.Ltmp0:
0x11: {  	s14 =	sadd.s32 $0x2300, s7;
	[dreg:$0x8] =	wrdreg s24;
	(pc) =	sbr.rel .LBB2_1-.Ltmp0, $4  }
0x12: {  	s15 =	sadd.s32 $0x1AC00, s1;
	s1 =	simm.s32 $0x6;
	[dreg:$0x9] =	wrdreg s25  }
0x13: {  	[dreg:$0xa] =	wrdreg s26;
	s20 =	simm.s32 $0x50;
	s21 =	simm.s32 $0x5320  }
0x14: {  	s23 =	simm.s32 $0x5820;
	s25 =	simm.s32 $0x5D20;
	s26 =	simm.s32 $0x1  }
0x15: {  	v0 =	vimm.f32 $0.0e+00;
	s22 =	simm.s32 $0x3;
	s24 =	simm.s32 $0x5;
	s3 =	simm.s32 $0x9  }
.LBB2_6:
0x16: {  	_ =	swait.ge [sflag:s24], $0x500  }
0x17: {  	[sflag:s24] =	ssyncset.done $0x0  }
0x18: {  	[sflag:s24] =	ssyncadd.s32 $0xFFFFFB00  }
0x19: {  	[spmem:s2] =	stream.indirect.scatter.add.f32 [tilespmem:s29], [sflag:$0xA], $0x10, s10, s20, $0xb8;
	[tilespmem:$0x8F20] =	vst v63  }
0x1a: {  	_ =	swait.ge [sflag:s1], $0x500  }
0x1b: {  	[sflag:s1] =	ssyncset.done $0x0  }
0x1c: {  	[sflag:s1] =	ssyncadd.s32 $0xFFFFFB00  }
0x1d: {  	_ =	swait.ge [sflag:s28], $0x500  }
0x1e: {  	[sflag:s28] =	ssyncset.done $0x0  }
0x1f: {  	[sflag:s28] =	ssyncadd.s32 $0xFFFFFB00  }
0x20: {  	_ =	swait.ge [sflag:s31], $0x500  }
0x21: {  	[sflag:s31] =	ssyncset.done $0x0  }
0x22: {  	[sflag:s31] =	ssyncadd.s32 $0xFFFFFB00  }
0x23: {  	_ =	swait.ge [sflag:s3], $0x500  }
0x24: {  	[sflag:s3] =	ssyncset.done $0x0  }
0x25: {  	[sflag:s3] =	ssyncadd.s32 $0xFFFFFB00  }
0x26: {  	s8 =	stileid.u32;
	_ =	swait.ge [sflag:s5], $0x500  }
0x27: {  	s9 =	sshrl.u32 s7, $0x3;
	s6 =	sadd.s32 $0x1, s6;
	[sflag:s5] =	ssyncset.done $0x0  }
0x28: {  	s8 =	sshll.u32 s8, $0x6;
	p0 =	sne.s32 s6, s16;
	[sflag:s5] =	ssyncadd.s32 $0xFFFFFB00  }
.Ltmp1:
0x29: {  	s8 =	sor.u32 $0x1C0B, s8;
	[bflag:$0x0] =	sbarrier.arrive $0xFFFF;
	(pc) =	sbr.rel @!p0 .LBB2_7-.Ltmp1, $4  }
0x2a: {  	[hbm:s15], [sflag:s8] =	dma.local [spmem:s9], $0x500  }
0x2b: {  	_ =	swait.ge [sflag:s17], $0x500  }
0x2c: {  	[sflag:s17] =	ssyncset.done $0x0  }
0x2d: {  	[sflag:s17] =	ssyncadd.s32 $0xFFFFFB00  }
.LBB2_1:
0x2e: {  	s8 =	simm.s32 $0x0;
	s9 =	rddreg [dreg:$0x3]  }
0x2f: {  	[tilespmem:s8], [sflag:$0xB] =	stream.linear.gather [hbm4b:s9+s8], $0x2710, $0x38;
	[tilespmem:$0x8F20] =	vst v63  }
0x30: {  	_ =	swait.ge [sflag:s17], $0x2710  }
0x31: {  	[sflag:s17] =	ssyncset.done $0x0  }
0x32: {  	s13 =	rddreg [dreg:$0x4];
	[sflag:s17] =	ssyncadd.s32 $0xFFFFD8F0  }
0x33: {  	[tilespmem:s18], [sflag:$0xB] =	stream.linear.gather [hbm4b:s13+s8], $0x2710, $0x38;
	[tilespmem:$0x8F20] =	vst v63  }
0x34: {  	_ =	swait.ge [sflag:s17], $0x2710  }
0x35: {  	[sflag:s17] =	ssyncset.done $0x0  }
0x36: {  	s9 =	simm.s32 $0x0;
	s8 =	simm.s32 $0x40;
	[sflag:s17] =	ssyncadd.s32 $0xFFFFD8F0  }
.LBB2_2:
0x37: {  	p0 =	sne.s32 s8, $0x13C0;
	[tilespmem:s9+$0x4E20] =	vst v0;
	s9 =	smov.u32 s8;
	s8 =	sadd.s32 $0x40, s8  }
.Ltmp2:
0x38: {  	(pc) =	sbr.rel @p0 .LBB2_2-.Ltmp2, $2  }
0x39: {  	_ =	sdelay $0x2  }
0x3a: {  	s9 =	sshra.s32 s9, $0x2  }
0x3b: {  	[tilespmem:s9+$0x4E20] =	vst v0  }
0x3c: {  	[spmem:s7] =	stream.linear.scatter [tilespmem:s19], [sflag:$0xB], $0x500, $0x38;
	[tilespmem:$0x8F20] =	vst v63  }
0x3d: {  	_ =	swait.ge [sflag:s17], $0x500  }
0x3e: {  	[sflag:s17] =	ssyncset.done $0x0  }
0x3f: {  	s8 =	rddreg [dreg:$0x5];
	[sflag:s17] =	ssyncadd.s32 $0xFFFFFB00  }
0x40: {  	[spmem:s8] =	stream.linear.scatter [tilespmem:s19], [sflag:$0xB], $0x500, $0x38;
	[tilespmem:$0x8F20] =	vst v63  }
0x41: {  	_ =	swait.ge [sflag:s17], $0x500  }
0x42: {  	[sflag:s17] =	ssyncset.done $0x0  }
0x43: {  	s11 =	rddreg [dreg:$0x6];
	[sflag:s17] =	ssyncadd.s32 $0xFFFFFB00  }
0x44: {  	[spmem:s11] =	stream.linear.scatter [tilespmem:s19], [sflag:$0xB], $0x500, $0x38;
	[tilespmem:$0x8F20] =	vst v63  }
0x45: {  	_ =	swait.ge [sflag:s17], $0x500  }
0x46: {  	[sflag:s17] =	ssyncset.done $0x0  }
0x47: {  	s12 =	rddreg [dreg:$0x7];
	[sflag:s17] =	ssyncadd.s32 $0xFFFFFB00  }
0x48: {  	[spmem:s12] =	stream.linear.scatter [tilespmem:s19], [sflag:$0xB], $0x500, $0x38;
	[tilespmem:$0x8F20] =	vst v63  }
0x49: {  	_ =	swait.ge [sflag:s17], $0x500  }
0x4a: {  	[sflag:s17] =	ssyncset.done $0x0  }
0x4b: {  	s13 =	rddreg [dreg:$0x8];
	[sflag:s17] =	ssyncadd.s32 $0xFFFFFB00  }
0x4c: {  	[spmem:s13] =	stream.linear.scatter [tilespmem:s19], [sflag:$0xB], $0x500, $0x38;
	[tilespmem:$0x8F20] =	vst v63  }
0x4d: {  	_ =	swait.ge [sflag:s17], $0x500  }
0x4e: {  	[sflag:s17] =	ssyncset.done $0x0  }
0x4f: {  	s9 =	rddreg [dreg:$0x9];
	[sflag:s17] =	ssyncadd.s32 $0xFFFFFB00  }
0x50: {  	[spmem:s9] =	stream.linear.scatter [tilespmem:s19], [sflag:$0xB], $0x500, $0x38;
	[tilespmem:$0x8F20] =	vst v63  }
0x51: {  	_ =	swait.ge [sflag:s17], $0x500  }
0x52: {  	[sflag:s17] =	ssyncset.done $0x0  }
0x53: {  	s10 =	rddreg [dreg:$0xa];
	[sflag:s17] =	ssyncadd.s32 $0xFFFFFB00  }
0x54: {  	[spmem:s10] =	stream.linear.scatter [tilespmem:s19], [sflag:$0xB], $0x500, $0x38;
	[tilespmem:$0x8F20] =	vst v63  }
0x55: {  	_ =	swait.ge [sflag:s17], $0x500  }
0x56: {  	[sflag:s17] =	ssyncset.done $0x0  }
0x57: {  	[sflag:s17] =	ssyncadd.s32 $0xFFFFFB00  }
0x58: {  	[spmem:s14] =	stream.linear.scatter [tilespmem:s19], [sflag:$0xB], $0x500, $0x38;
	[tilespmem:$0x8F20] =	vst v63  }
0x59: {  	_ =	swait.ge [sflag:s17], $0x500  }
0x5a: {  	[sflag:s17] =	ssyncset.done $0x0  }
0x5b: {  	[sflag:s17] =	ssyncadd.s32 $0xFFFFFB00  }
0x5c: {  	s8 =	simm.s32 $0x0;
	[bflag:$0x0] =	sbarrier.arrive $0xFFFF  }
0x5d: {  	[tilespmem:s19], [sflag:$0x1] =	stream.indirect.gather [hbm4b:s4+s20], $0x10, s8, s20, $0xb8;
	[tilespmem:$0x8F20] =	vst v63  }
0x5e: {  	_ = 	snop  }
0x5f: {  	[tilespmem:s21], [sflag:$0x2] =	stream.indirect.gather [hbm4b:s4+s20], $0x10, s20, s20, $0xb8;
	[tilespmem:$0x8F20] =	vst v63  }
0x60: {  	s11 =	simm.s32 $0xA0  }
0x61: {  	[tilespmem:s23], [sflag:$0x3] =	stream.indirect.gather [hbm4b:s4+s20], $0x10, s11, s20, $0xb8;
	[tilespmem:$0x8F20] =	vst v63  }
0x62: {  	s12 =	simm.s32 $0xF0  }
0x63: {  	[tilespmem:s25], [sflag:$0x4] =	stream.indirect.gather [hbm4b:s4+s20], $0x10, s12, s20, $0xb8;
	[tilespmem:$0x8F20] =	vst v63  }
0x64: {  	_ =	swait.ge [sflag:s26], $0x500  }
0x65: {  	[sflag:s26] =	ssyncset.done $0x0  }
0x66: {  	[sflag:s26] =	ssyncadd.s32 $0xFFFFFB00  }
0x67: {  	[spmem:s2] =	stream.indirect.scatter.add.f32 [tilespmem:s19], [sflag:$0x6], $0x10, s18, s20, $0xb8;
	[tilespmem:$0x8F20] =	vst v63  }
0x68: {  	s13 =	simm.s32 $0x140  }
0x69: {  	[tilespmem:s29], [sflag:$0x5] =	stream.indirect.gather [hbm4b:s4+s20], $0x10, s13, s20, $0xb8;
	[tilespmem:$0x8F20] =	vst v63  }
0x6a: {  	_ =	swait.ge [sflag:s30], $0x500  }
0x6b: {  	[sflag:s30] =	ssyncset.done $0x0  }
0x6c: {  	s10 =	simm.s32 $0x2760;
	[sflag:s30] =	ssyncadd.s32 $0xFFFFFB00  }
0x6d: {  	[spmem:s2] =	stream.indirect.scatter.add.f32 [tilespmem:s21], [sflag:$0x7], $0x10, s10, s20, $0xb8;
	[tilespmem:$0x8F20] =	vst v63  }
0x6e: {  	_ =	swait.ge [sflag:s1], $0x500  }
0x6f: {  	[sflag:s1] =	ssyncset.done $0x0  }
0x70: {  	s11 =	simm.s32 $0x190;
	[sflag:s1] =	ssyncadd.s32 $0xFFFFFB00  }
0x71: {  	[tilespmem:s19], [sflag:$0x1] =	stream.indirect.gather [hbm4b:s4+s20], $0x10, s11, s20, $0xb8;
	[tilespmem:$0x8F20] =	vst v63  }
0x72: {  	_ =	swait.ge [sflag:s22], $0x500  }
0x73: {  	[sflag:s22] =	ssyncset.done $0x0  }
0x74: {  	s12 =	simm.s32 $0x27B0;
	[sflag:s22] =	ssyncadd.s32 $0xFFFFFB00  }
0x75: {  	[spmem:s2] =	stream.indirect.scatter.add.f32 [tilespmem:s23], [sflag:$0x8], $0x10, s12, s20, $0xb8;
	[tilespmem:$0x8F20] =	vst v63  }
0x76: {  	_ =	swait.ge [sflag:s28], $0x500  }
0x77: {  	[sflag:s28] =	ssyncset.done $0x0  }
0x78: {  	s13 =	simm.s32 $0x1E0;
	[sflag:s28] =	ssyncadd.s32 $0xFFFFFB00  }
0x79: {  	[tilespmem:s21], [sflag:$0x2] =	stream.indirect.gather [hbm4b:s4+s20], $0x10, s13, s20, $0xb8;
	[tilespmem:$0x8F20] =	vst v63  }
0x7a: {  	_ =	swait.ge [sflag:s0], $0x500  }
0x7b: {  	[sflag:s0] =	ssyncset.done $0x0  }
0x7c: {  	s10 =	simm.s32 $0x2800;
	[sflag:s0] =	ssyncadd.s32 $0xFFFFFB00  }
0x7d: {  	[spmem:s2] =	stream.indirect.scatter.add.f32 [tilespmem:s25], [sflag:$0x9], $0x10, s10, s20, $0xb8;
	[tilespmem:$0x8F20] =	vst v63  }
0x7e: {  	_ =	swait.ge [sflag:s31], $0x500  }
0x7f: {  	[sflag:s31] =	ssyncset.done $0x0  }
0x80: {  	s11 =	simm.s32 $0x230;
	[sflag:s31] =	ssyncadd.s32 $0xFFFFFB00  }
0x81: {  	[tilespmem:s23], [sflag:$0x3] =	stream.indirect.gather [hbm4b:s4+s20], $0x10, s11, s20, $0xb8;
	[tilespmem:$0x8F20] =	vst v63  }
0x82: {  	_ =	swait.ge [sflag:s24], $0x500  }
0x83: {  	[sflag:s24] =	ssyncset.done $0x0  }
0x84: {  	s12 =	simm.s32 $0x2850;
	[sflag:s24] =	ssyncadd.s32 $0xFFFFFB00  }
0x85: {  	[spmem:s2] =	stream.indirect.scatter.add.f32 [tilespmem:s29], [sflag:$0xA], $0x10, s12, s20, $0xb8;
	[tilespmem:$0x8F20] =	vst v63  }
0x86: {  	_ =	swait.ge [sflag:s3], $0x500  }
0x87: {  	[sflag:s3] =	ssyncset.done $0x0  }
0x88: {  	s13 =	simm.s32 $0x280;
	[sflag:s3] =	ssyncadd.s32 $0xFFFFFB00  }
0x89: {  	[tilespmem:s25], [sflag:$0x4] =	stream.indirect.gather [hbm4b:s4+s20], $0x10, s13, s20, $0xb8;
	[tilespmem:$0x8F20] =	vst v63  }
.LBB2_4:
0x8a: {  	_ =	swait.ge [sflag:s26], $0x500  }
0x8b: {  	s9 =	sshra.s32 s8, $0x2;
	[sflag:s26] =	ssyncset.done $0x0  }
0x8c: {  	s10 =	sadd.s32 $0x28A0, s9;
	[sflag:s26] =	ssyncadd.s32 $0xFFFFFB00  }
0x8d: {  	[spmem:s2] =	stream.indirect.scatter.add.f32 [tilespmem:s19], [sflag:$0x6], $0x10, s10, s20, $0xb8;
	[tilespmem:$0x8F20] =	vst v63  }
0x8e: {  	_ =	swait.ge [sflag:s5], $0x500  }
0x8f: {  	[sflag:s5] =	ssyncset.done $0x0  }
0x90: {  	s11 =	sadd.s32 $0x2D0, s9;
	[sflag:s5] =	ssyncadd.s32 $0xFFFFFB00  }
0x91: {  	[tilespmem:s29], [sflag:$0x5] =	stream.indirect.gather [hbm4b:s4+s20], $0x10, s11, s20, $0xb8;
	[tilespmem:$0x8F20] =	vst v63  }
0x92: {  	_ =	swait.ge [sflag:s30], $0x500  }
0x93: {  	p0 =	seq.s32 s8, $0x8FC0;
	[sflag:s30] =	ssyncset.done $0x0  }
0x94: {  	s12 =	sadd.s32 $0x28F0, s9;
	s10 =	simm.s32 @p0 $0x3;
	[sflag:s30] =	ssyncadd.s32 $0xFFFFFB00  }
0x95: {  	[spmem:s2] =	stream.indirect.scatter.add.f32 [tilespmem:s21], [sflag:$0x7], $0x10, s12, s20, $0xb8;
	[tilespmem:$0x8F20] =	vst v63  }
0x96: {  	_ =	swait.ge @p0 [sflag:s10], $0x500  }
0x97: {  	[sflag:s10] =	ssyncset.done @p0 $0x0  }
0x98: {  	[sflag:s10] =	ssyncadd.s32 @p0 $0xFFFFFB00;
	s10 =	sshra.s32 @p0 s8, $0x2  }
0x99: {  	s11 =	simm.s32 @p0 $0x50;
	s12 =	simm.s32 @p0 $0x5820;
	s10 =	sadd.s32 @p0 $0x2940, s10  }
0x9a: {  	[spmem:s2] =	stream.indirect.scatter.add.f32 @p0 [tilespmem:s12], [sflag:$0x8], $0x10, s10, s11, $0xb8;
	[tilespmem:$0x8F20] =	vst v63  }
0x9b: {  	s10 =	simm.s32 @!p0 $0x6  }
0x9c: {  	_ =	swait.ge @!p0 [sflag:s10], $0x500  }
0x9d: {  	[sflag:s10] =	ssyncset.done @!p0 $0x0  }
0x9e: {  	[sflag:s10] =	ssyncadd.s32 @!p0 $0xFFFFFB00;
	s10 =	sshra.s32 @!p0 s8, $0x2  }
0x9f: {  	s13 =	simm.s32 @!p0 $0x4E20;
	s12 =	simm.s32 @!p0 $0x50;
	s11 =	sadd.s32 @!p0 $0x320, s10  }
0xa0: {  	[tilespmem:s13], [sflag:$0x1] =	stream.indirect.gather @!p0 [hbm4b:s4+s12], $0x10, s11, s12, $0xb8;
	[tilespmem:$0x8F20] =	vst v63  }
0xa1: {  	s11 =	simm.s32 @!p0 $0x3  }
0xa2: {  	_ =	swait.ge @!p0 [sflag:s11], $0x500  }
0xa3: {  	[sflag:s11] =	ssyncset.done @!p0 $0x0  }
0xa4: {  	s13 =	simm.s32 @!p0 $0x5820;
	[sflag:s11] =	ssyncadd.s32 @!p0 $0xFFFFFB00;
	s11 =	sadd.s32 @!p0 $0x2940, s10  }
0xa5: {  	[spmem:s2] =	stream.indirect.scatter.add.f32 @!p0 [tilespmem:s13], [sflag:$0x8], $0x10, s11, s12, $0xb8;
	[tilespmem:$0x8F20] =	vst v63  }
0xa6: {  	s11 =	simm.s32 @!p0 $0x7  }
0xa7: {  	_ =	swait.ge @!p0 [sflag:s11], $0x500  }
0xa8: {  	[sflag:s11] =	ssyncset.done @!p0 $0x0  }
0xa9: {  	s10 =	sadd.s32 @!p0 $0x370, s10;
	[sflag:s11] =	ssyncadd.s32 @!p0 $0xFFFFFB00;
	s11 =	simm.s32 @!p0 $0x5320  }
0xaa: {  	[tilespmem:s11], [sflag:$0x2] =	stream.indirect.gather @!p0 [hbm4b:s4+s12], $0x10, s10, s12, $0xb8;
	[tilespmem:$0x8F20] =	vst v63  }
.Ltmp3:
0xab: {  	_ = 	snop;
	(pc) =	sbr.rel @p0 .LBB2_6-.Ltmp3, $4  }
0xac: {  	_ =	swait.ge [sflag:s0], $0x500  }
0xad: {  	[sflag:s0] =	ssyncset.done $0x0  }
0xae: {  	s13 =	sadd.s32 $0x2990, s9;
	s10 =	sadd.s32 $0x29E0, s9;
	[sflag:s0] =	ssyncadd.s32 $0xFFFFFB00  }
0xaf: {  	[spmem:s2] =	stream.indirect.scatter.add.f32 [tilespmem:s25], [sflag:$0x9], $0x10, s13, s20, $0xb8;
	[tilespmem:$0x8F20] =	vst v63  }
0xb0: {  	_ =	swait.ge [sflag:s31], $0x500  }
0xb1: {  	[sflag:s31] =	ssyncset.done $0x0  }
0xb2: {  	s11 =	sadd.s32 $0x3C0, s9;
	[sflag:s31] =	ssyncadd.s32 $0xFFFFFB00  }
0xb3: {  	[tilespmem:s23], [sflag:$0x3] =	stream.indirect.gather [hbm4b:s4+s20], $0x10, s11, s20, $0xb8;
	[tilespmem:$0x8F20] =	vst v63  }
0xb4: {  	_ =	swait.ge [sflag:s24], $0x500  }
0xb5: {  	[sflag:s24] =	ssyncset.done $0x0  }
0xb6: {  	[sflag:s24] =	ssyncadd.s32 $0xFFFFFB00  }
0xb7: {  	[spmem:s2] =	stream.indirect.scatter.add.f32 [tilespmem:s29], [sflag:$0xA], $0x10, s10, s20, $0xb8;
	[tilespmem:$0x8F20] =	vst v63  }
.Ltmp4:
0xb8: {  	_ = 	snop;
	(pc) =	sbr.rel .LBB2_4-.Ltmp4, $4  }
0xb9: {  	_ =	swait.ge [sflag:s3], $0x500  }
0xba: {  	[sflag:s3] =	ssyncset.done $0x0  }
0xbb: {  	s13 =	sadd.s32 $0x410, s9;
	s8 =	sadd.s32 $0x640, s8;
	[sflag:s3] =	ssyncadd.s32 $0xFFFFFB00  }
0xbc: {  	[tilespmem:s25], [sflag:$0x4] =	stream.indirect.gather [hbm4b:s4+s20], $0x10, s13, s20, $0xb8;
	[tilespmem:$0x8F20] =	vst v63  }
.LBB2_7:
0xbd: {  	_ =	sfence.sel $0x180000  }
0xbe: {  	[bflag:$0x0] =	sbarrier.arrive $0xFFFF  }
0xbf: {  	_ =	strace $0x9000004A  }
0xc0: {  	s0 =	stileid.u32;
	[bflag:$0x2] =	sbarrier.arrive $0xFFFF  }
0xc1: {  	p0 =	sne.s32 s0, $0x0;
	s0 =	rddreg [dreg:$0x2]  }
0xc2: {  	s0 =	sadd.s32 @!p0 $0x100000, s0  }
0xc3: {  	[sflag:s0] =	ssyncadd.tile.s32 @!p0 $0x1;
	_ =	shalt  }
.Lfunc_end2:
_tile_overlayer_lowered:
.L_overlay_start_2:
0xc4: {  	(tag) =	ssettag $0x2  }
0xc5: {  	s0 =	rddreg [dreg:$0x0];
	s2 =	stileid.u32  }
0xc6: {  	s1 =	rddreg [dreg:$0x1];
	p0 =	sne.s32 s2, $0x0  }
0xc7: {  	s3 =	rddreg [dreg:$0x2];
	[bflag:$0x3] =	sbarrier.arrive $0xFFFF;
	s2 =	simm.s32 @!p0 $0x1C0B  }
0xc8: {  	[timem:s3], [sflag:s2] =	dma.local @!p0 [hbm:s0], s1  }
0xc9: {  	s0 =	simm.s32 @!p0 $0xB  }
0xca: {  	_ =	swait.ge @!p0 [sflag:s0], s1  }
0xcb: {  	s1 =	ssub.s32 @!p0 $0x0, s1;
	[sflag:s0] =	ssyncset.done @!p0 $0x0  }
0xcc: {  	[sflag:s0] =	ssyncadd.s32 @!p0 s1  }
0xcd: {  	[bflag:$0x3] =	sbarrier.arrive $0xFFFF  }
0xce: {  	_ =	shalt  }

// kernel: kernel.7.cloned.1.call-start
scs
__scs_entry_jumppad:
0x0: {  	(pc) =	sbr.rel $0x88, $3  }
0x1: {  	(tag) =	ssettag $0x0;
	lr =	simm.s32 $0x1  }
0x2: {  	[smem:$0x3F95] =	sst lr;
	_ =	strace $0xD0000000  }
0x3: {  	_ = 	snop  }
0x4: {  	_ = 	snop  }
0x5: {  	_ = 	snop  }
0x6: {  	_ = 	snop  }
0x7: {  	_ = 	snop  }
__scs_overlays_trampoline_lowered:
0x8: {  	[smem:$0x3FA4] =	sst s0  }
0x9: {  	[smem:$0x3FA5] =	sst s1  }
0xa: {  	[smem:$0x3FA6] =	sst s2  }
0xb: {  	[smem:$0x3FA7] =	sst s3  }
0xc: {  	[smem:$0x3FA8] =	sst s4  }
0xd: {  	[smem:$0x3FA9] =	sst s5  }
0xe: {  	[smem:$0x3FAA] =	sst s6  }
0xf: {  	[smem:$0x3FAB] =	sst s7  }
0x10: {  	[smem:$0x3FAC] =	sst s8  }
0x11: {  	[smem:$0x3FAD] =	sst s9;
	s0 =	simm.s32 @!p0 $0x0  }
0x12: {  	s1 =	sld [smem:$0x3F93];
	s0 =	simm.s32 @p0 $0x1  }
0x13: {  	[smem:$0x3FAE] =	sst s0;
	s0 =	simm.s32 @!p1 $0x0  }
0x14: {  	s2 =	sld [smem:$0x3F92];
	s0 =	simm.s32 @p1 $0x1  }
0x15: {  	[smem:$0x3FAF] =	sst s0;
	s0 =	simm.s32 @!p2 $0x0  }
0x16: {  	s3 =	sld [smem:$0x3FDB];
	s0 =	simm.s32 @p2 $0x1  }
0x17: {  	s4 =	simm.s32 $0x1BF5;
	[smem:$0x3FB1] =	sst s0  }
0x18: {  	s0 =	sld [smem:$0x3F94];
	_ =	swait.ge [sflag:s4], $0x0  }
0x19: {  	s7 =	sld [smem:$0x3F95]  }
0x1a: {  	s8 =	sadd.s32 $0xFFFFE003, lr  }
0x1b: {  	s9 =	sadd.s32 $0xFFFFFEF7, lr;
	s5 =	simm.s32 $0xFFFFFFFF;
	p2 =	slt.u32 s8, $0xFFFFF086  }
0x1c: {  	p1 =	slt.u32 s9, $0xF7A;
	s5 =	simm.s32 @!p2 $0x0  }
0x1d: {  	s5 =	simm.s32 @p1 $0x1;
	p0 =	seq.s32 s7, s2  }
0x1e: {  	s7 =	smul.u32 @!p0 $0xF7A, s2;
	p2 =	seq.s32 @!p0 s5, $0x0  }
0x1f: {  	s9 =	smul.u32 $0xF7A, s1;
	s8 =	simm.s32 @!p0 $0x1BF5;
	p2 =	por !p2, p0  }
0x20: {  	[sflag:s8] =	ssyncset.s32 @!p0 $0xFFFFF086;
	s6 =	sadd.s32 @!p0 s3, s7;
	s7 =	simm.s32 @!p0 $0x108  }
0x21: {  	s3 =	sadd.s32 s3, s9;
	s6 =	sadd.s32 @!p0 $0x88, s6;
	s7 =	simm.s32 @p2 $0x1082  }
0x22: {  	[simem:s7], [sflag:s8] =	dma.local @!p0 [hbm:s6], $0xF7A  }
0x23: {  	s9 =	sor.u32 $0xD0000000, s2;
	s6 =	simm.s32 $0x108;
	_ =	swait.ge @!p0 [sflag:s8], $0x0  }
0x24: {  	s3 =	sadd.s32 $0x88, s3;
	s6 =	simm.s32 @!p1 $0x1082;
	[sflag:s4] =	ssyncset.s32 $0xFFFFF086  }
0x25: {  	[simem:s6], [sflag:s4] =	dma.local [hbm:s3], $0xF7A  }
0x26: {  	[smem:$0x3F95] =	sst s1;
	(tag) =	ssettag s2;
	_ =	strace s9  }
0x27: {  	s1 =	sld [smem:$0x3FA5]  }
0x28: {  	s2 =	sld [smem:$0x3FA6]  }
0x29: {  	s4 =	sld [smem:$0x3FA8]  }
0x2a: {  	p0 =	seq.s32 s5, $0x0;
	s5 =	sld [smem:$0x3FA9]  }
0x2b: {  	s6 =	sld [smem:$0x3FAA]  }
0x2c: {  	s7 =	sld [smem:$0x3FAB]  }
0x2d: {  	s3 =	simm.s32 $0x108;
	s8 =	sld [smem:$0x3FAC]  }
0x2e: {  	s3 =	simm.s32 @!p0 $0x1082;
	s9 =	sld [smem:$0x3FAD]  }
0x2f: {  	lr =	sadd.s32 s0, s3;
	s0 =	sld [smem:$0x3FA4]  }
0x30: {  	s3 =	sld [smem:$0x3FA7]  }
0x31: {  	[smem:$0x3FB0] =	sst s10  }
0x32: {  	s10 =	sld [smem:$0x3FAE];
	_ =	sdelay $0x3  }
0x33: {  	p0 =	seq.s32 s10, $0x1;
	s10 =	sld [smem:$0x3FB0];
	_ =	sdelay $0x3  }
0x34: {  	[smem:$0x3FB0] =	sst s10  }
0x35: {  	s10 =	sld [smem:$0x3FAF];
	_ =	sdelay $0x3  }
0x36: {  	p1 =	seq.s32 s10, $0x1;
	s10 =	sld [smem:$0x3FB0];
	_ =	sdelay $0x3  }
0x37: {  	[smem:$0x3FB0] =	sst s10  }
0x38: {  	s10 =	sld [smem:$0x3FB1]  }
0x39: {  	_ = 	snop;
	(pc) =	sbr.ind lr, $3  }
0x3a: {  	_ = 	snop  }
0x3b: {  	_ = 	snop  }
0x3c: {  	p2 =	seq.s32 s10, $0x1;
	s10 =	sld [smem:$0x3FB0]  }
0x3d: {  	_ =	shalt  }
0x3e: {  	_ =	shalt  }
0x3f: {  	_ =	shalt  }
0x40: {  	_ =	shalt  }
0x41: {  	_ =	shalt  }
0x42: {  	_ =	shalt  }
0x43: {  	_ =	shalt  }
0x44: {  	_ =	shalt  }
0x45: {  	_ =	shalt  }
0x46: {  	_ =	shalt  }
0x47: {  	_ =	shalt  }
0x48: {  	_ =	shalt  }
0x49: {  	_ =	shalt  }
0x4a: {  	_ =	shalt  }
0x4b: {  	_ =	shalt  }
0x4c: {  	_ =	shalt  }
0x4d: {  	_ =	shalt  }
0x4e: {  	_ =	shalt  }
0x4f: {  	_ =	shalt  }
0x50: {  	_ =	shalt  }
0x51: {  	_ =	shalt  }
0x52: {  	_ =	shalt  }
0x53: {  	_ =	shalt  }
0x54: {  	_ =	shalt  }
0x55: {  	_ =	shalt  }
0x56: {  	_ =	shalt  }
0x57: {  	_ =	shalt  }
0x58: {  	_ =	shalt  }
0x59: {  	_ =	shalt  }
0x5a: {  	_ =	shalt  }
0x5b: {  	_ =	shalt  }
0x5c: {  	_ =	shalt  }
0x5d: {  	_ =	shalt  }
0x5e: {  	_ =	shalt  }
0x5f: {  	_ =	shalt  }
0x60: {  	_ =	shalt  }
0x61: {  	_ =	shalt  }
0x62: {  	_ =	shalt  }
0x63: {  	_ =	shalt  }
0x64: {  	_ =	shalt  }
0x65: {  	_ =	shalt  }
0x66: {  	_ =	shalt  }
0x67: {  	_ =	shalt  }
0x68: {  	_ =	shalt  }
0x69: {  	_ =	shalt  }
0x6a: {  	_ =	shalt  }
0x6b: {  	_ =	shalt  }
0x6c: {  	_ =	shalt  }
0x6d: {  	_ =	shalt  }
0x6e: {  	_ =	shalt  }
0x6f: {  	_ =	shalt  }
0x70: {  	_ =	shalt  }
0x71: {  	_ =	shalt  }
0x72: {  	_ =	shalt  }
0x73: {  	_ =	shalt  }
0x74: {  	_ =	shalt  }
0x75: {  	_ =	shalt  }
0x76: {  	_ =	shalt  }
0x77: {  	_ =	shalt  }
0x78: {  	_ =	shalt  }
0x79: {  	_ =	shalt  }
0x7a: {  	_ =	shalt  }
0x7b: {  	_ =	shalt  }
0x7c: {  	_ =	shalt  }
0x7d: {  	_ =	shalt  }
0x7e: {  	_ =	shalt  }
0x7f: {  	_ =	shalt  }
0x80: {  	_ =	shalt  }
0x81: {  	_ =	shalt  }
0x82: {  	_ =	shalt  }
0x83: {  	_ =	shalt  }
0x84: {  	_ =	shalt  }
0x85: {  	_ =	shalt  }
0x86: {  	_ =	shalt  }
0x87: {  	_ =	shalt  }
.Lfunc_end0:
.L_simem_size_0:
called_computation_lowered:
.L_overlay_start_0:
0x88: {  	s2 =	sld [smem:$0x3FD9]  }
0x89: {  	s3 =	sld [smem:$0x3FFE];
	_ =	sdelay $0x1  }
0x8a: {  	s1 =	srdreg.scid  }
0x8b: {  	s0 =	sand.u32 $0x1, s1  }
0x8c: {  	s14 =	sshll.u32 s0, $0xA;
	s2 =	sadd.s32 s3, s2  }
0x8d: {  	s2 =	sadd.s32 s2, s14  }
0x8e: {  	[smem:$0x3FBC] =	sst s2  }
0x8f: {  	_ = 	snop  }
0x90: {  	s2 =	sld [smem:$0x3FD0];
	_ =	sdelay $0x2  }
0x91: {  	s15 =	simm.s32 $0xA;
	s4 =	simm.s32 $0x10  }
0x92: {  	[smem:s4], [sflag:s15] =	dma.local [hbm:s2], $0x1  }
0x93: {  	_ =	swait.eq [sflag:s15], $0x1  }
0x94: {  	[sflag:s15] =	ssyncset.done $0x0  }
0x95: {  	[sflag:s15] =	ssyncadd.s32 $0xFFFFFFFF  }
0x96: {  	s16 =	sld [smem:$0x10];
	(tm) =	ssettm $0x1  }
0x97: {  	s17 =	sld [smem:$0x3FFB];
	_ =	sdelay $0x3  }
0x98: {  	_ =	strace s17  }
0x99: {  	s3 =	sld [smem:$0x3FFC];
	_ =	sdelay $0x3  }
0x9a: {  	_ =	strace s3  }
0x9b: {  	s3 =	sld [smem:$0x3FFD];
	_ =	sdelay $0x3  }
0x9c: {  	_ =	strace s3  }
0x9d: {  	_ =	strace $0x8FFFFFFF  }
0x9e: {  	s18 =	sld [smem:$0x3FDB];
	_ =	sdelay $0x1  }
0x9f: {  	s19 =	simm.s32 $_scs_section_size  }
0xa0: {  	s5 =	simm.s32 $_size__tile_overlayer_lowered;
	s6 =	simm.s32 $_tile_overlayer_lowered  }
0xa1: {  	s22 =	simm.s32 $0x1BFF;
	s21 =	sshll.u32 s6, $0x1;
	s3 =	sadd.s32 s19, s18  }
0xa2: {  	s7 =	simm.s32 $0x0;
	s20 =	sshll.u32 s5, $0x1;
	s5 =	sadd.s32 s21, s3  }
0xa3: {  	[timem:s7], [sflag:s22] =	dma.local [hbm:s5], s20  }
0xa4: {  	_ =	swait.ge [sflag:s22], s20  }
0xa5: {  	s4 =	ssub.s32 $0x0, s20;
	[sflag:s22] =	ssyncset.done $0x0  }
0xa6: {  	[sflag:s22] =	ssyncadd.s32 s4;
	_ =	sdelay $0x1  }
0xa7: {  	s23 =	simm.s32 $0x1B8B  }
0xa8: {  	_ =	swait.ge [sflag:s23], $0x1  }
0xa9: {  	[sflag:s23] =	ssyncset.done $0x0  }
0xaa: {  	s25 =	simm.s32 $0x1B8E;
	s24 =	sld [smem:$0x3FFE];
	[sflag:s23] =	ssyncadd.s32 $0xFFFFFFFF  }
0xab: {  	s26 =	simm.s32 $execute0_lowered;
	[smem:$0x3FD2] =	sst s25  }
0xac: {  	s5 =	sshll.u32 s26, $0x1;
	_ =	strace $0x80000046;
	[dreg:$0x1] =	wrdreg $0xFFFFFFFF  }
0xad: {  	s28 =	simm.s32 $_size_execute0_lowered;
	s3 =	sadd.s32 s3, s5;
	[dreg:$0x0] =	wrdreg $0x0  }
0xae: {  	s5 =	sshll.u32 s28, $0x1;
	[dreg:$0x2] =	wrdreg s3  }
0xaf: {  	[dreg:$0x3] =	wrdreg s5  }
0xb0: {  	[dreg:$0x4] =	wrdreg $0xC0  }
0xb1: {  	_ =	task [dreg:s7], $0x5FFFF  }
0xb2: {  	[dreg:$0x1] =	wrdreg $0xFFFFFFFF  }
0xb3: {  	[dreg:$0x0] =	wrdreg $0x60  }
0xb4: {  	[dreg:$0x2] =	wrdreg s24  }
0xb5: {  	[dreg:$0x3] =	wrdreg s16  }
0xb6: {  	[dreg:$0x4] =	wrdreg $0x105400  }
0xb7: {  	[dreg:$0x5] =	wrdreg $0x1A5400  }
0xb8: {  	[dreg:$0x6] =	wrdreg $0x9  }
0xb9: {  	_ =	task.clear_ibuf [dreg:s7], $0x7FFFF;
	_ =	strace $0x90000046  }
0xba: {  	s29 =	simm.s32 $0x9;
	_ =	strace $0x80000048  }
0xbb: {  	_ =	swait.ge [sflag:s29], $0x1  }
0xbc: {  	[sflag:s29] =	ssyncadd.s32 $0xFFFFFFFF  }
0xbd: {  	_ =	strace $0x90000048  }
0xbe: {  	_ =	sfence  }
0xbf: {  	s30 =	sld [smem:$0x0];
	_ =	sdelay $0x2  }
0xc0: {  	s31 =	sshll.u32 s1, $0xD;
	s1 =	sshrl.u32 s1, $0x2  }
0xc1: {  	s3 =	sand.u32 $0x4000, s31;
	s1 =	sadd.s32 s1, s30  }
0xc2: {  	s0 =	sor.u32 s3, s0;
	s1 =	sshll.u32 s1, $0x11  }
0xc3: {  	s0 =	sor.u32 s1, s0  }
0xc4: {  	s0 =	sadd.s32 $0x8F2B, s0  }
0xc5: {  	[sflag:s0] =	ssyncadd.remote.s32 $0x1  }
0xc6: {  	_ =	sfence.sel $0xFFFF  }
0xc7: {  	[dreg:$0x0] =	wrdreg $0xFFFFFFFF;
	(pc) =	sbr.abs _section_cstart, $3  }
0xc8: {  	[dreg:$0x1] =	wrdreg $0xFFFFFFFF  }
0xc9: {  	_ =	task.clear_ibuf [dreg:s7], $0x2FFFF;
	_ =	strace $0x9FFFFFFF  }
0xca: {  	(tm) =	ssettm $0x7FFFFFFF  }
0xcb: {  	_ =	shalt  }
tec
execute0_lowered:
.L_overlay_start_1:
0x0: {  	(tag) =	ssettag $0x1  }
0x1: {  	s0 =	rddreg [dreg:$0x0]  }
0x2: {  	s1 =	rddreg [dreg:$0x1]  }
0x3: {  	s2 =	rddreg [dreg:$0x2]  }
0x4: {  	s11 =	stileid.u32;
	s4 =	srdreg.scid  }
0x5: {  	s3 =	rddreg [dreg:$0x3];
	s6 =	simm.s32 $0x0;
	s5 =	smul.u32 $0x280, s11  }
0x6: {  	s29 =	simm.s32 $0x10;
	s31 =	simm.s32 $0x9C40;
	s8 =	smul.u32 $0x9C4, s11  }
0x7: {  	s30 =	simm.s32 $0xB040;
	s4 =	sand.u32 $0x1, s4;
	s10 =	smul.u32 $0x28000, s11  }
0x8: {  	[smem:$0x7FF] =	sst s6;
	s6 =	sadd.s32 $0x15C00, s0;
	s11 =	smul.u32 $0x2800, s11  }
0x9: {  	s7 =	smul.u32 $0x2800, s4;
	_ =	strace $0x80000047;
	s9 =	ssub.s32 $0x2, s4  }
0xa: {  	p0 =	seq.s32 s4, $0x0;
	p1 =	sne.s32 s4, $0x0;
	s8 =	sadd.s32 s8, s0  }
0xb: {  	s23 =	sshrl.u32 s9, $0x1;
	s25 =	sshrl.u32 s10, $0x2;
	s12 =	sor.u32 $0x50, s5  }
0xc: {  	s10 =	sadd.s32 s11, s3;
	s15 =	sadd.s32 $0xF0, s5;
	s20 =	sadd.s32 $0x190, s5  }
0xd: {  	s11 =	sshrl.u32 s11, $0x3;
	s22 =	sadd.s32 $0x1E0, s5;
	s7 =	sadd.s32 s5, s7  }
0xe: {  	s24 =	sadd.s32 $0xBE00, s8;
	s8 =	sadd.s32 $0x2000, s8;
	s26 =	sshll.u32 s12, $0x6  }
0xf: {  	s28 =	sshll.u32 s12, $0x4;
	s16 =	sshll.u32 s15, $0x6;
	s21 =	sshll.u32 s20, $0x6  }
0x10: {  	s1 =	sadd.s32 s1, s11;
	s11 =	simm.s32 $0xEC40;
	[dreg:$0x5] =	wrdreg s24  }
0x11: {  	s7 =	sshll.u32 s7, $0x3;
	[dreg:$0x6] =	wrdreg s8;
	s8 =	sadd.s32 s25, s2  }
0x12: {  	s17 =	sadd.s32 s16, s2;
	[dreg:$0x10] =	wrdreg s1;
	s24 =	sshll.u32 s22, $0x6  }
0x13: {  	s1 =	sshll.u32 s22, $0x4;
	s16 =	simm.s32 $0x4;
	s22 =	simm.s32 $0xE  }
0x14: {  	s0 =	sadd.s32 s7, s0;
	s7 =	ssub.s32 s9, s23;
	[dreg:$0x7] =	wrdreg s8  }
0x15: {  	s8 =	sadd.s32 s26, s2;
	s9 =	sadd.s32 $0xA0, s5;
	[dreg:$0xc] =	wrdreg s17  }
0x16: {  	s1 =	sadd.s32 s1, s3;
	s17 =	simm.s32 $0x8;
	[dreg:$0x8] =	wrdreg s8  }
0x17: {  	s8 =	sadd.s32 s28, s3;
	s13 =	sshll.u32 s9, $0x6;
	[dreg:$0x14] =	wrdreg s1  }
0x18: {  	s12 =	sshll.u32 s9, $0x4;
	s0 =	sadd.s32 $0x3DC00, s0;
	[dreg:$0x9] =	wrdreg s8  }
0x19: {  	s28 =	smax.u32 s7, $0x1;
	s7 =	simm.s32 $0xD840;
	[dreg:$0x17] =	wrdreg s0  }
0x1a: {  	s8 =	sadd.s32 s13, s2;
	s14 =	sadd.s32 s12, s3;
	[dreg:$0x18] =	wrdreg s28  }
0x1b: {  	s13 =	sadd.s32 $0x140, s5;
	s12 =	sshll.u32 s20, $0x4;
	[dreg:$0xa] =	wrdreg s8  }
0x1c: {  	s5 =	sadd.s32 $0x230, s5;
	s0 =	simm.s32 $0x50;
	[dreg:$0xb] =	wrdreg s14  }
0x1d: {  	s8 =	sshll.u32 s15, $0x4;
	s18 =	sshll.u32 s13, $0x6;
	s19 =	sshll.u32 s13, $0x4  }
0x1e: {  	s23 =	sadd.s32 s12, s3;
	s25 =	sshll.u32 s5, $0x6;
	s5 =	sshll.u32 s5, $0x4  }
0x1f: {  	s12 =	simm.s32 $0x2;
	s13 =	simm.s32 $0x3;
	s14 =	simm.s32 $0x7  }
0x20: {  	s15 =	simm.s32 $0xC;
	s8 =	sadd.s32 s8, s3;
	[dreg:$0x12] =	wrdreg s23  }
0x21: {  	s1 =	sadd.s32 s25, s2;
	s26 =	sadd.s32 s5, s3;
	[dreg:$0xd] =	wrdreg s8  }
0x22: {  	s5 =	simm.s32 $0xC440;
	s8 =	sadd.s32 s18, s2;
	[dreg:$0x15] =	wrdreg s1  }
.Ltmp0:
0x23: {  	[dreg:$0x16] =	wrdreg s26;
	s1 =	simm.s32 $0x10040;
	(pc) =	sbr.rel .LBB2_1-.Ltmp0, $4  }
0x24: {  	s18 =	simm.s32 $0xD;
	[dreg:$0xe] =	wrdreg s8;
	s8 =	sadd.s32 s19, s3  }
0x25: {  	s19 =	simm.s32 $0x5;
	[dreg:$0xf] =	wrdreg s8;
	s8 =	sadd.s32 s21, s2  }
0x26: {  	s21 =	simm.s32 $0x9;
	[dreg:$0x11] =	wrdreg s8;
	s8 =	sadd.s32 s24, s2  }
0x27: {  	v0 =	vimm.f32 $0.0e+00;
	v1 =	vimm.f32 $1.000000000e+00;
	s24 =	simm.s32 $0x0;
	[dreg:$0x13] =	wrdreg s8;
	s8 =	simm.s32 $0x1  }
.LBB2_29:
0x28: {  	s9 =	simm.s32 $0x6  }
0x29: {  	_ =	swait.ge [sflag:s9], $0x1400  }
0x2a: {  	[sflag:s9] =	ssyncset.done $0x0  }
0x2b: {  	s25 =	simm.s32 $0xB;
	[sflag:s9] =	ssyncadd.s32 $0xFFFFEC00  }
0x2c: {  	_ =	swait.ge [sflag:s25], $0x500  }
0x2d: {  	[sflag:s25] =	ssyncset.done $0x0  }
0x2e: {  	[sflag:s25] =	ssyncadd.s32 $0xFFFFFB00  }
0x2f: {  	_ =	swait.ge [sflag:s14], $0x1400  }
0x30: {  	[sflag:s14] =	ssyncset.done $0x0  }
0x31: {  	[sflag:s14] =	ssyncadd.s32 $0xFFFFEC00  }
0x32: {  	_ =	swait.ge [sflag:s15], $0x500  }
0x33: {  	[sflag:s15] =	ssyncset.done $0x0  }
0x34: {  	[sflag:s15] =	ssyncadd.s32 $0xFFFFFB00  }
0x35: {  	_ =	swait.ge [sflag:s17], $0x1400  }
0x36: {  	[sflag:s17] =	ssyncset.done $0x0  }
0x37: {  	[sflag:s17] =	ssyncadd.s32 $0xFFFFEC00  }
0x38: {  	_ =	swait.ge [sflag:s18], $0x500  }
0x39: {  	[sflag:s18] =	ssyncset.done $0x0  }
0x3a: {  	[sflag:s18] =	ssyncadd.s32 $0xFFFFFB00  }
0x3b: {  	_ =	swait.ge [sflag:s21], $0x1400  }
0x3c: {  	[sflag:s21] =	ssyncset.done $0x0  }
0x3d: {  	[sflag:s21] =	ssyncadd.s32 $0xFFFFEC00  }
0x3e: {  	_ =	swait.ge [sflag:s22], $0x500  }
0x3f: {  	[sflag:s22] =	ssyncset.done $0x0  }
0x40: {  	s26 =	simm.s32 $0xA;
	[sflag:s22] =	ssyncadd.s32 $0xFFFFFB00  }
0x41: {  	_ =	swait.ge [sflag:s26], $0x1400  }
0x42: {  	[sflag:s26] =	ssyncset.done $0x0  }
0x43: {  	s28 =	simm.s32 $0xF;
	[sflag:s26] =	ssyncadd.s32 $0xFFFFEC00  }
0x44: {  	_ =	swait.ge [sflag:s28], $0x500  }
0x45: {  	[sflag:s28] =	ssyncset.done $0x0  }
0x46: {  	[sflag:s28] =	ssyncadd.s32 $0xFFFFFB00  }
.LBB2_30:
0x47: {  	s9 =	stileid.u32;
	[bflag:$0x0] =	sbarrier.arrive $0xFFFF  }
0x48: {  	s9 =	sshll.u32 s9, $0x6;
	s20 =	rddreg [dreg:$0x7]  }
0x49: {  	s23 =	rddreg [dreg:$0x17];
	s9 =	sor.u32 $0x1C10, s9;
	s20 =	sshrl.u32 s20, $0x3  }
0x4a: {  	[hbm:s23], [sflag:s9] =	dma.local [spmem:s20], $0x1400  }
0x4b: {  	_ =	swait.ge [sflag:s29], $0x1400  }
0x4c: {  	[sflag:s29] =	ssyncset.done $0x0  }
0x4d: {  	s20 =	sshrl.u32 @!p1 s10, $0x3;
	s23 =	rddreg [dreg:$0x10];
	[sflag:s29] =	ssyncadd.s32 $0xFFFFEC00  }
0x4e: {  	[hbm:s23], [sflag:s9] =	dma.local @!p1 [spmem:s20], $0x500  }
0x4f: {  	s9 =	simm.s32 @!p1 $0x10  }
0x50: {  	_ =	swait.ge @!p1 [sflag:s9], $0x500  }
0x51: {  	s24 =	sadd.s32 $0x1, s24;
	s28 =	rddreg [dreg:$0x18]  }
0x52: {  	p2 =	sne.s32 s24, s28  }
.Ltmp1:
0x53: {  	_ = 	snop;
	(pc) =	sbr.rel @!p2 .LBB2_31-.Ltmp1, $3  }
0x54: {  	_ =	sdelay $0x1  }
0x55: {  	[sflag:s9] =	ssyncset.done @!p1 $0x0  }
0x56: {  	[sflag:s9] =	ssyncadd.s32 @!p1 $0xFFFFFB00  }
.LBB2_1:
0x57: {  	s9 =	simm.s32 $0x0;
	s20 =	rddreg [dreg:$0x5]  }
0x58: {  	[tilespmem:s9], [sflag:$0x10] =	stream.linear.gather [hbm4b:s20+s9], $0x4E20, $0x38;
	[tilespmem:$0x1CD40] =	vst v63  }
0x59: {  	_ =	swait.ge [sflag:s29], $0x4E20  }
0x5a: {  	s23 =	simm.s32 $0x4E20;
	[sflag:s29] =	ssyncset.done $0x0  }
.Ltmp2:
0x5b: {  	s28 =	rddreg [dreg:$0x6];
	[sflag:s29] =	ssyncadd.s32 $0xFFFFB1E0;
	(pc) =	sbr.rel @p0 .LBB2_5-.Ltmp2, $4  }
0x5c: {  	[tilespmem:s23], [sflag:$0x10] =	stream.linear.gather [hbm4b:s28+s9], $0x4E20, $0x38;
	[tilespmem:$0x1CD40] =	vst v63  }
0x5d: {  	_ =	swait.ge [sflag:s29], $0x4E20  }
0x5e: {  	[sflag:s29] =	ssyncset.done $0x0  }
0x5f: {  	[sflag:s29] =	ssyncadd.s32 $0xFFFFB1E0  }
0x60: {  	s25 =	simm.s32 $0x0  }
0x61: {  	v5 =	vld [tilespmem:s25+$0x0]  }
0x62: {  	v4 =	vld [tilespmem:s25+$0x10]  }
0x63: {  	v3 =	vld [tilespmem:s25+$0x20]  }
0x64: {  	s26 =	simm.s32 $0x140;
	v2 =	vld [tilespmem:s25+$0x30]  }
.LBB2_3:
0x65: {  	p2 =	sne.s32 s26, $0x13740;
	v6 =	vld [tilespmem:s25+$0x40]  }
0x66: {  	v5 =	vadd.s32 $0x2800, v5  }
.Ltmp3:
0x67: {  	s20 =	sshra.s32 s26, $0x2;
	[tilespmem:s25+$0x0] =	vst v5;
	v4 =	vadd.s32 $0x2800, v4;
	(pc) =	sbr.rel @p2 .LBB2_3-.Ltmp3, $4  }
0x68: {  	v5 =	vld [tilespmem:s20+$0x0];
	[tilespmem:s25+$0x10] =	vst v4;
	v3 =	vadd.s32 $0x2800, v3  }
0x69: {  	v4 =	vld [tilespmem:s20+$0x10];
	[tilespmem:s25+$0x20] =	vst v3;
	v2 =	vadd.s32 $0x2800, v2  }
0x6a: {  	v3 =	vld [tilespmem:s20+$0x20];
	[tilespmem:s25+$0x30] =	vst v2;
	v6 =	vadd.s32 $0x2800, v6  }
0x6b: {  	s26 =	sadd.s32 $0x140, s26;
	v2 =	vld [tilespmem:s20+$0x30];
	[tilespmem:s25+$0x40] =	vst v6;
	s25 =	smov.u32 s20  }
0x6c: {  	v6 =	vld [tilespmem:s25+$0x40]  }
0x6d: {  	v5 =	vadd.s32 $0x2800, v5  }
0x6e: {  	[tilespmem:s25+$0x0] =	vst v5;
	v4 =	vadd.s32 $0x2800, v4  }
0x6f: {  	[tilespmem:s25+$0x10] =	vst v4;
	v3 =	vadd.s32 $0x2800, v3  }
0x70: {  	[tilespmem:s25+$0x20] =	vst v3;
	v2 =	vadd.s32 $0x2800, v2  }
0x71: {  	[tilespmem:s25+$0x30] =	vst v2;
	v2 =	vadd.s32 $0x2800, v6  }
0x72: {  	[tilespmem:s25+$0x40] =	vst v2  }
.LBB2_5:
0x73: {  	s25 =	simm.s32 $0x9C60  }
0x74: {  	[tilespmem:s25+$0x0] =	vst v0  }
0x75: {  	[tilespmem:s25+$0xFFFFFFE0] =	vst v0  }
0x76: {  	[tilespmem:s25+$0x10] =	vst v0  }
0x77: {  	s26 =	simm.s32 $0x40;
	s28 =	simm.s32 $0x0;
	[tilespmem:s25+$0xFFFFFFF0] =	vst v0  }
.LBB2_6:
0x78: {  	p2 =	sne.s32 s26, $0x13C0  }
0x79: {  	[tilespmem:s28+$0x10040] =	vst v0;
	s25 =	sadd.s32 $0x40, s25;
	s20 =	smov.u32 s26;
	s26 =	sadd.s32 $0x40, s26  }
.Ltmp4:
0x7a: {  	[tilespmem:s25+$0x0] =	vst v0;
	(pc) =	sbr.rel @p2 .LBB2_6-.Ltmp4, $4  }
0x7b: {  	_ = 	snop  }
0x7c: {  	[tilespmem:s25+$0xFFFFFFE0] =	vst v0  }
0x7d: {  	[tilespmem:s25+$0x10] =	vst v0  }
0x7e: {  	s28 =	sshra.s32 s20, $0x2;
	[tilespmem:s25+$0xFFFFFFF0] =	vst v0  }
0x7f: {  	[tilespmem:s28+$0x10040] =	vst v0;
	s9 =	rddreg [dreg:$0x7]  }
0x80: {  	[spmem:s9] =	stream.linear.scatter [tilespmem:s31], [sflag:$0x10], $0x1400, $0x38;
	[tilespmem:$0x1CD40] =	vst v63  }
0x81: {  	_ =	swait.ge [sflag:s29], $0x1400  }
0x82: {  	[sflag:s29] =	ssyncset.done $0x0  }
0x83: {  	[sflag:s29] =	ssyncadd.s32 $0xFFFFEC00  }
0x84: {  	[spmem:s10] =	stream.linear.scatter [tilespmem:s1], [sflag:$0x10], $0x500, $0x38;
	[tilespmem:$0x1CD40] =	vst v63  }
0x85: {  	_ =	swait.ge [sflag:s29], $0x500  }
0x86: {  	[sflag:s29] =	ssyncset.done $0x0  }
0x87: {  	s23 =	rddreg [dreg:$0x8];
	[sflag:s29] =	ssyncadd.s32 $0xFFFFFB00  }
0x88: {  	[spmem:s23] =	stream.linear.scatter [tilespmem:s31], [sflag:$0x10], $0x1400, $0x38;
	[tilespmem:$0x1CD40] =	vst v63  }
0x89: {  	_ =	swait.ge [sflag:s29], $0x1400  }
0x8a: {  	[sflag:s29] =	ssyncset.done $0x0  }
0x8b: {  	s25 =	rddreg [dreg:$0x9];
	[sflag:s29] =	ssyncadd.s32 $0xFFFFEC00  }
0x8c: {  	[spmem:s25] =	stream.linear.scatter [tilespmem:s1], [sflag:$0x10], $0x500, $0x38;
	[tilespmem:$0x1CD40] =	vst v63  }
0x8d: {  	_ =	swait.ge [sflag:s29], $0x500  }
0x8e: {  	[sflag:s29] =	ssyncset.done $0x0  }
0x8f: {  	s26 =	rddreg [dreg:$0xa];
	[sflag:s29] =	ssyncadd.s32 $0xFFFFFB00  }
0x90: {  	[spmem:s26] =	stream.linear.scatter [tilespmem:s31], [sflag:$0x10], $0x1400, $0x38;
	[tilespmem:$0x1CD40] =	vst v63  }
0x91: {  	_ =	swait.ge [sflag:s29], $0x1400  }
0x92: {  	[sflag:s29] =	ssyncset.done $0x0  }
0x93: {  	s28 =	rddreg [dreg:$0xb];
	[sflag:s29] =	ssyncadd.s32 $0xFFFFEC00  }
0x94: {  	[spmem:s28] =	stream.linear.scatter [tilespmem:s1], [sflag:$0x10], $0x500, $0x38;
	[tilespmem:$0x1CD40] =	vst v63  }
0x95: {  	_ =	swait.ge [sflag:s29], $0x500  }
0x96: {  	[sflag:s29] =	ssyncset.done $0x0  }
0x97: {  	s20 =	rddreg [dreg:$0xc];
	[sflag:s29] =	ssyncadd.s32 $0xFFFFFB00  }
0x98: {  	[spmem:s20] =	stream.linear.scatter [tilespmem:s31], [sflag:$0x10], $0x1400, $0x38;
	[tilespmem:$0x1CD40] =	vst v63  }
0x99: {  	_ =	swait.ge [sflag:s29], $0x1400  }
0x9a: {  	[sflag:s29] =	ssyncset.done $0x0  }
0x9b: {  	s23 =	rddreg [dreg:$0xd];
	[sflag:s29] =	ssyncadd.s32 $0xFFFFEC00  }
0x9c: {  	[spmem:s23] =	stream.linear.scatter [tilespmem:s1], [sflag:$0x10], $0x500, $0x38;
	[tilespmem:$0x1CD40] =	vst v63  }
0x9d: {  	_ =	swait.ge [sflag:s29], $0x500  }
0x9e: {  	[sflag:s29] =	ssyncset.done $0x0  }
0x9f: {  	s25 =	rddreg [dreg:$0xe];
	[sflag:s29] =	ssyncadd.s32 $0xFFFFFB00  }
0xa0: {  	[spmem:s25] =	stream.linear.scatter [tilespmem:s31], [sflag:$0x10], $0x1400, $0x38;
	[tilespmem:$0x1CD40] =	vst v63  }
0xa1: {  	_ =	swait.ge [sflag:s29], $0x1400  }
0xa2: {  	[sflag:s29] =	ssyncset.done $0x0  }
0xa3: {  	s26 =	rddreg [dreg:$0xf];
	[sflag:s29] =	ssyncadd.s32 $0xFFFFEC00  }
0xa4: {  	[spmem:s26] =	stream.linear.scatter [tilespmem:s1], [sflag:$0x10], $0x500, $0x38;
	[tilespmem:$0x1CD40] =	vst v63  }
0xa5: {  	_ =	swait.ge [sflag:s29], $0x500  }
0xa6: {  	[sflag:s29] =	ssyncset.done $0x0  }
0xa7: {  	s28 =	rddreg [dreg:$0x11];
	[sflag:s29] =	ssyncadd.s32 $0xFFFFFB00  }
0xa8: {  	[spmem:s28] =	stream.linear.scatter [tilespmem:s31], [sflag:$0x10], $0x1400, $0x38;
	[tilespmem:$0x1CD40] =	vst v63  }
0xa9: {  	_ =	swait.ge [sflag:s29], $0x1400  }
0xaa: {  	[sflag:s29] =	ssyncset.done $0x0  }
0xab: {  	s20 =	rddreg [dreg:$0x12];
	[sflag:s29] =	ssyncadd.s32 $0xFFFFEC00  }
0xac: {  	[spmem:s20] =	stream.linear.scatter [tilespmem:s1], [sflag:$0x10], $0x500, $0x38;
	[tilespmem:$0x1CD40] =	vst v63  }
0xad: {  	_ =	swait.ge [sflag:s29], $0x500  }
0xae: {  	[sflag:s29] =	ssyncset.done $0x0  }
0xaf: {  	s23 =	rddreg [dreg:$0x13];
	[sflag:s29] =	ssyncadd.s32 $0xFFFFFB00  }
0xb0: {  	[spmem:s23] =	stream.linear.scatter [tilespmem:s31], [sflag:$0x10], $0x1400, $0x38;
	[tilespmem:$0x1CD40] =	vst v63  }
0xb1: {  	_ =	swait.ge [sflag:s29], $0x1400  }
0xb2: {  	[sflag:s29] =	ssyncset.done $0x0  }
0xb3: {  	s25 =	rddreg [dreg:$0x14];
	[sflag:s29] =	ssyncadd.s32 $0xFFFFEC00  }
0xb4: {  	[spmem:s25] =	stream.linear.scatter [tilespmem:s1], [sflag:$0x10], $0x500, $0x38;
	[tilespmem:$0x1CD40] =	vst v63  }
0xb5: {  	_ =	swait.ge [sflag:s29], $0x500  }
0xb6: {  	[sflag:s29] =	ssyncset.done $0x0  }
0xb7: {  	s26 =	rddreg [dreg:$0x15];
	[sflag:s29] =	ssyncadd.s32 $0xFFFFFB00  }
0xb8: {  	[spmem:s26] =	stream.linear.scatter [tilespmem:s31], [sflag:$0x10], $0x1400, $0x38;
	[tilespmem:$0x1CD40] =	vst v63  }
0xb9: {  	_ =	swait.ge [sflag:s29], $0x1400  }
0xba: {  	[sflag:s29] =	ssyncset.done $0x0  }
0xbb: {  	s28 =	rddreg [dreg:$0x16];
	[sflag:s29] =	ssyncadd.s32 $0xFFFFEC00  }
0xbc: {  	[spmem:s28] =	stream.linear.scatter [tilespmem:s1], [sflag:$0x10], $0x500, $0x38;
	[tilespmem:$0x1CD40] =	vst v63  }
0xbd: {  	_ =	swait.ge [sflag:s29], $0x500  }
0xbe: {  	[sflag:s29] =	ssyncset.done $0x0  }
0xbf: {  	[sflag:s29] =	ssyncadd.s32 $0xFFFFFB00  }
0xc0: {  	s25 =	simm.s32 $0x40;
	s26 =	simm.s32 $0x0;
	[bflag:$0x0] =	sbarrier.arrive $0xFFFF  }
.LBB2_8:
0xc1: {  	p2 =	sne.s32 s25, $0x13C0;
	[tilespmem:s26+$0x10040] =	vst v1;
	s20 =	smov.u32 s25;
	s25 =	sadd.s32 $0x40, s25  }
.Ltmp5:
0xc2: {  	(pc) =	sbr.rel @p2 .LBB2_8-.Ltmp5, $2  }
0xc3: {  	_ =	sdelay $0x2  }
0xc4: {  	s26 =	sshra.s32 s20, $0x2  }
0xc5: {  	[tilespmem:s26+$0x10040] =	vst v1;
	s25 =	simm.s32 $0x0  }
0xc6: {  	[tilespmem:s31], [sflag:$0x1] =	stream.indirect.gather [hbm4b:s6+s0], $0x40, s25, s0, $0xb8;
	[tilespmem:$0x1CD40] =	vst v63  }
0xc7: {  	_ = 	snop  }
0xc8: {  	[tilespmem:s30], [sflag:$0x2] =	stream.indirect.gather [hbm4b:s6+s0], $0x40, s0, s0, $0xb8;
	[tilespmem:$0x1CD40] =	vst v63  }
.Ltmp6:
0xc9: {  	_ = 	snop;
	(pc) =	sbr.rel .LBB2_10-.Ltmp6, $4  }
0xca: {  	s9 =	simm.s32 $0xA0  }
0xcb: {  	[tilespmem:s5], [sflag:$0x3] =	stream.indirect.gather [hbm4b:s6+s0], $0x40, s9, s0, $0xb8;
	[tilespmem:$0x1CD40] =	vst v63  }
0xcc: {  	s28 =	simm.s32 $0xF0;
	s26 =	simm.s32 $0x0  }
0xcd: {  	[tilespmem:s7], [sflag:$0x4] =	stream.indirect.gather [hbm4b:s6+s0], $0x40, s28, s0, $0xb8;
	[tilespmem:$0x1CD40] =	vst v63  }
.LBB2_27:
0xce: {  	s9 =	sadd.s32 $0x280, s28;
	s26 =	sadd.s32 $0x640, s26;
	s25 =	sadd.s32 $0xFFFFFFFF, s25  }
0xcf: {  	[tilespmem:s7], [sflag:$0x4] =	stream.indirect.gather [hbm4b:s6+s0], $0x40, s9, s0, $0xb8;
	[tilespmem:$0x1CD40] =	vst v63  }
.LBB2_10:
0xd0: {  	_ =	swait.ge [sflag:s8], $0x1400  }
0xd1: {  	s28 =	sshra.s32 s26, $0x2;
	[sflag:s8] =	ssyncset.done $0x0  }
0xd2: {  	s20 =	sadd.s32 $0x4E20, s28;
	[sflag:s8] =	ssyncadd.s32 $0xFFFFEC00  }
0xd3: {  	[spmem:s2] =	stream.indirect.scatter.add.f32 [tilespmem:s31], [sflag:$0x6], $0x40, s20, s0, $0xb8;
	[tilespmem:$0x1CD40] =	vst v63  }
0xd4: {  	s23 =	simm.s32 @!p1 $0x50;
	s9 =	simm.s32 @!p1 $0x10040;
	p2 =	seq.s32 s25, $0x0  }
0xd5: {  	[spmem:s3] =	stream.indirect.scatter.add.f32 @!p1 [tilespmem:s9], [sflag:$0xB], $0x10, s20, s23, $0xb8;
	[tilespmem:$0x1CD40] =	vst v63  }
0xd6: {  	s20 =	simm.s32 @!p2 $0xA  }
0xd7: {  	p3 =	sne.s32 @!p2 s4, $0x0;
	_ =	swait.ge @!p2 [sflag:s20], $0x1400  }
0xd8: {  	p3 =	por p3, p2;
	[sflag:s20] =	ssyncset.done @!p2 $0x0  }
0xd9: {  	[sflag:s20] =	ssyncadd.s32 @!p2 $0xFFFFEC00;
	s20 =	simm.s32 @!p3 $0xF  }
0xda: {  	_ =	swait.ge @!p3 [sflag:s20], $0x500  }
0xdb: {  	[sflag:s20] =	ssyncset.done @!p3 $0x0  }
0xdc: {  	[sflag:s20] =	ssyncadd.s32 @!p3 $0xFFFFFB00;
	s20 =	sadd.s32 $0x140, s28  }
0xdd: {  	[tilespmem:s11], [sflag:$0x5] =	stream.indirect.gather [hbm4b:s6+s0], $0x40, s20, s0, $0xb8;
	[tilespmem:$0x1CD40] =	vst v63  }
0xde: {  	_ =	swait.ge [sflag:s12], $0x1400  }
0xdf: {  	[sflag:s12] =	ssyncset.done $0x0  }
0xe0: {  	s20 =	sadd.s32 $0x4E70, s28;
	[sflag:s12] =	ssyncadd.s32 $0xFFFFEC00  }
0xe1: {  	[spmem:s2] =	stream.indirect.scatter.add.f32 [tilespmem:s30], [sflag:$0x7], $0x40, s20, s0, $0xb8;
	[tilespmem:$0x1CD40] =	vst v63  }
0xe2: {  	p2 =	seq.s32 s25, $0xFFFFFFCF  }
0xe3: {  	[spmem:s3] =	stream.indirect.scatter.add.f32 @!p1 [tilespmem:s9], [sflag:$0xC], $0x10, s20, s23, $0xb8;
	[tilespmem:$0x1CD40] =	vst v63  }
0xe4: {  	s9 =	simm.s32 @!p2 $0x6  }
0xe5: {  	p3 =	sne.s32 @!p2 s4, $0x0;
	_ =	swait.ge @!p2 [sflag:s9], $0x1400  }
0xe6: {  	p3 =	por p3, p2;
	[sflag:s9] =	ssyncset.done @!p2 $0x0  }
0xe7: {  	[sflag:s9] =	ssyncadd.s32 @!p2 $0xFFFFEC00;
	s9 =	simm.s32 @!p3 $0xB  }
0xe8: {  	_ =	swait.ge @!p3 [sflag:s9], $0x500  }
0xe9: {  	[sflag:s9] =	ssyncset.done @!p3 $0x0  }
0xea: {  	[sflag:s9] =	ssyncadd.s32 @!p3 $0xFFFFFB00;
	s9 =	sshra.s32 @!p2 s26, $0x2  }
0xeb: {  	s20 =	simm.s32 @!p2 $0x50;
	s23 =	simm.s32 @!p2 $0x9C40;
	s9 =	sadd.s32 @!p2 $0x190, s9  }
0xec: {  	[tilespmem:s23], [sflag:$0x1] =	stream.indirect.gather @!p2 [hbm4b:s6+s20], $0x40, s9, s20, $0xb8;
	[tilespmem:$0x1CD40] =	vst v63  }
.Ltmp7:
0xed: {  	_ = 	snop;
	(pc) =	sbr.rel @p1 .LBB2_13-.Ltmp7, $4  }
0xee: {  	_ =	swait.ge [sflag:s13], $0x1400  }
0xef: {  	[sflag:s13] =	ssyncset.done $0x0  }
0xf0: {  	s20 =	sadd.s32 $0x4EC0, s28;
	[sflag:s13] =	ssyncadd.s32 $0xFFFFEC00  }
0xf1: {  	[spmem:s2] =	stream.indirect.scatter.add.f32 [tilespmem:s5], [sflag:$0x8], $0x40, s20, s0, $0xb8;
	[tilespmem:$0x1CD40] =	vst v63  }
.Ltmp8:
0xf2: {  	(pc) =	sbr.rel @p2 .LBB2_16-.Ltmp8, $2  }
0xf3: {  	_ =	sdelay $0x2  }
0xf4: {  	[spmem:s3] =	stream.indirect.scatter.add.f32 [tilespmem:s1], [sflag:$0xD], $0x10, s20, s0, $0xb8;
	[tilespmem:$0x1CD40] =	vst v63  }
0xf5: {  	_ =	swait.ge [sflag:s14], $0x1400  }
.Ltmp9:
0xf6: {  	[sflag:s14] =	ssyncset.done $0x0;
	(pc) =	sbr.rel .LBB2_15-.Ltmp9, $4  }
0xf7: {  	[sflag:s14] =	ssyncadd.s32 $0xFFFFEC00  }
0xf8: {  	_ =	swait.ge [sflag:s15], $0x500  }
0xf9: {  	[sflag:s15] =	ssyncset.done $0x0  }
0xfa: {  	[sflag:s15] =	ssyncadd.s32 $0xFFFFFB00  }
.LBB2_13:
.Ltmp10:
0xfb: {  	(pc) =	sbr.rel @p2 .LBB2_16-.Ltmp10, $1  }
0xfc: {  	_ =	sdelay $0x3  }
0xfd: {  	_ =	swait.ge [sflag:s14], $0x1400  }
0xfe: {  	[sflag:s14] =	ssyncset.done $0x0  }
0xff: {  	[sflag:s14] =	ssyncadd.s32 $0xFFFFEC00  }
.LBB2_15:
0x100: {  	s9 =	sadd.s32 $0x1E0, s28  }
0x101: {  	[tilespmem:s30], [sflag:$0x2] =	stream.indirect.gather [hbm4b:s6+s0], $0x40, s9, s0, $0xb8;
	[tilespmem:$0x1CD40] =	vst v63  }
.LBB2_16:
.Ltmp11:
0x102: {  	(pc) =	sbr.rel @p1 .LBB2_19-.Ltmp11, $4  }
0x103: {  	_ =	swait.ge [sflag:s16], $0x1400  }
0x104: {  	[sflag:s16] =	ssyncset.done $0x0  }
0x105: {  	s20 =	sadd.s32 $0x4F10, s28;
	[sflag:s16] =	ssyncadd.s32 $0xFFFFEC00  }
0x106: {  	[spmem:s2] =	stream.indirect.scatter.add.f32 [tilespmem:s7], [sflag:$0x9], $0x40, s20, s0, $0xb8;
	[tilespmem:$0x1CD40] =	vst v63  }
.Ltmp12:
0x107: {  	(pc) =	sbr.rel @p2 .LBB2_22-.Ltmp12, $2  }
0x108: {  	_ =	sdelay $0x2  }
0x109: {  	[spmem:s3] =	stream.indirect.scatter.add.f32 [tilespmem:s1], [sflag:$0xE], $0x10, s20, s0, $0xb8;
	[tilespmem:$0x1CD40] =	vst v63  }
0x10a: {  	_ =	swait.ge [sflag:s17], $0x1400  }
.Ltmp13:
0x10b: {  	[sflag:s17] =	ssyncset.done $0x0;
	(pc) =	sbr.rel .LBB2_21-.Ltmp13, $4  }
0x10c: {  	[sflag:s17] =	ssyncadd.s32 $0xFFFFEC00  }
0x10d: {  	_ =	swait.ge [sflag:s18], $0x500  }
0x10e: {  	[sflag:s18] =	ssyncset.done $0x0  }
0x10f: {  	[sflag:s18] =	ssyncadd.s32 $0xFFFFFB00  }
.LBB2_19:
.Ltmp14:
0x110: {  	(pc) =	sbr.rel @p2 .LBB2_22-.Ltmp14, $1  }
0x111: {  	_ =	sdelay $0x3  }
0x112: {  	_ =	swait.ge [sflag:s17], $0x1400  }
0x113: {  	[sflag:s17] =	ssyncset.done $0x0  }
0x114: {  	[sflag:s17] =	ssyncadd.s32 $0xFFFFEC00  }
.LBB2_21:
0x115: {  	s9 =	sadd.s32 $0x230, s28  }
0x116: {  	[tilespmem:s5], [sflag:$0x3] =	stream.indirect.gather [hbm4b:s6+s0], $0x40, s9, s0, $0xb8;
	[tilespmem:$0x1CD40] =	vst v63  }
.LBB2_22:
.Ltmp15:
0x117: {  	(pc) =	sbr.rel @p1 .LBB2_25-.Ltmp15, $4  }
0x118: {  	_ =	swait.ge [sflag:s19], $0x1400  }
0x119: {  	[sflag:s19] =	ssyncset.done $0x0  }
0x11a: {  	s20 =	sadd.s32 $0x4F60, s28;
	[sflag:s19] =	ssyncadd.s32 $0xFFFFEC00  }
0x11b: {  	[spmem:s2] =	stream.indirect.scatter.add.f32 [tilespmem:s11], [sflag:$0xA], $0x40, s20, s0, $0xb8;
	[tilespmem:$0x1CD40] =	vst v63  }
.Ltmp16:
0x11c: {  	(pc) =	sbr.rel @p2 .LBB2_29-.Ltmp16, $2  }
0x11d: {  	_ =	sdelay $0x2  }
0x11e: {  	[spmem:s3] =	stream.indirect.scatter.add.f32 [tilespmem:s1], [sflag:$0xF], $0x10, s20, s0, $0xb8;
	[tilespmem:$0x1CD40] =	vst v63  }
0x11f: {  	_ =	swait.ge [sflag:s21], $0x1400  }
.Ltmp17:
0x120: {  	[sflag:s21] =	ssyncset.done $0x0;
	(pc) =	sbr.rel .LBB2_27-.Ltmp17, $4  }
0x121: {  	[sflag:s21] =	ssyncadd.s32 $0xFFFFEC00  }
0x122: {  	_ =	swait.ge [sflag:s22], $0x500  }
0x123: {  	[sflag:s22] =	ssyncset.done $0x0  }
0x124: {  	[sflag:s22] =	ssyncadd.s32 $0xFFFFFB00  }
.LBB2_25:
.Ltmp18:
0x125: {  	(pc) =	sbr.rel @p2 .LBB2_28-.Ltmp18, $1  }
0x126: {  	_ =	sdelay $0x3  }
.Ltmp19:
0x127: {  	(pc) =	sbr.rel .LBB2_27-.Ltmp19, $4  }
0x128: {  	_ = 	snop  }
0x129: {  	_ =	swait.ge [sflag:s21], $0x1400  }
0x12a: {  	[sflag:s21] =	ssyncset.done $0x0  }
0x12b: {  	[sflag:s21] =	ssyncadd.s32 $0xFFFFEC00  }
.LBB2_28:
0x12c: {  	s9 =	simm.s32 $0x6  }
0x12d: {  	_ =	swait.ge [sflag:s9], $0x1400  }
0x12e: {  	[sflag:s9] =	ssyncset.done $0x0  }
0x12f: {  	[sflag:s9] =	ssyncadd.s32 $0xFFFFEC00  }
0x130: {  	_ =	swait.ge [sflag:s14], $0x1400  }
0x131: {  	[sflag:s14] =	ssyncset.done $0x0  }
0x132: {  	[sflag:s14] =	ssyncadd.s32 $0xFFFFEC00  }
0x133: {  	_ =	swait.ge [sflag:s17], $0x1400  }
0x134: {  	[sflag:s17] =	ssyncset.done $0x0  }
0x135: {  	[sflag:s17] =	ssyncadd.s32 $0xFFFFEC00  }
0x136: {  	_ =	swait.ge [sflag:s21], $0x1400  }
.Ltmp20:
0x137: {  	[sflag:s21] =	ssyncset.done $0x0;
	(pc) =	sbr.rel .LBB2_30-.Ltmp20, $4  }
0x138: {  	s28 =	simm.s32 $0xA;
	[sflag:s21] =	ssyncadd.s32 $0xFFFFEC00  }
0x139: {  	_ =	swait.ge [sflag:s28], $0x1400  }
0x13a: {  	[sflag:s28] =	ssyncset.done $0x0  }
0x13b: {  	[sflag:s28] =	ssyncadd.s32 $0xFFFFEC00  }
.LBB2_31:
0x13c: {  	_ =	sfence.sel $0x180000  }
0x13d: {  	[bflag:$0x0] =	sbarrier.arrive $0xFFFF  }
0x13e: {  	_ =	strace $0x90000047  }
0x13f: {  	s0 =	stileid.u32;
	[bflag:$0x2] =	sbarrier.arrive $0xFFFF  }
0x140: {  	p0 =	sne.s32 s0, $0x0;
	s0 =	rddreg [dreg:$0x4]  }
0x141: {  	s0 =	sadd.s32 @!p0 $0x100000, s0  }
0x142: {  	[sflag:s0] =	ssyncadd.tile.s32 @!p0 $0x1;
	_ =	shalt  }
.Lfunc_end2:
_tile_overlayer_lowered:
.L_overlay_start_2:
0x143: {  	(tag) =	ssettag $0x2  }
0x144: {  	s0 =	rddreg [dreg:$0x0];
	s2 =	stileid.u32  }
0x145: {  	s1 =	rddreg [dreg:$0x1];
	p0 =	sne.s32 s2, $0x0  }
0x146: {  	s3 =	rddreg [dreg:$0x2];
	[bflag:$0x3] =	sbarrier.arrive $0xFFFF;
	s2 =	simm.s32 @!p0 $0x1C10  }
0x147: {  	[timem:s3], [sflag:s2] =	dma.local @!p0 [hbm:s0], s1  }
0x148: {  	s0 =	simm.s32 @!p0 $0x10  }
0x149: {  	_ =	swait.ge @!p0 [sflag:s0], s1  }
0x14a: {  	s1 =	ssub.s32 @!p0 $0x0, s1;
	[sflag:s0] =	ssyncset.done @!p0 $0x0  }
0x14b: {  	[sflag:s0] =	ssyncadd.s32 @!p0 s1  }
0x14c: {  	[bflag:$0x3] =	sbarrier.arrive $0xFFFF  }
0x14d: {  	_ =	shalt  }

</sc_bundles>
